<compile_context>
chip_gen: v7x
topology: tpu7x:2x2x1
jax: 0.10.2.dev20260603
libtpu: 0.0.44.dev20260713+nightly
codegen_flags: <defaults>
</compile_context>

<pallas_src>
import jax
import jax.numpy as jnp
from jax import lax
from jax.experimental import pallas as pl
from jax.experimental.pallas import tpu as pltpu
from jax.experimental.pallas import tpu_sc as plsc

N = 128
SCALE = 1.5
B = 1048576
D = 28
NV = N * N * N
NC = 2
NS = 16
NW = NC * NS
PLANE = N * N

VT = NV // NW
VC = 1024
NVCH = VT // VC

BPW = B // NW
C = 1024
NCHUNK = BPW // C
NGRP = C // 16
GPD = 128
ND = C // GPD

CELL = 2.0 * SCALE / N


def _repack_body(src_hbm, t_hbm, strips, outb, sem_in, sem_out):
    wid = lax.axis_index("s") * NC + lax.axis_index("c")
    iota = lax.iota(jnp.int32, 16)

    def in_copy(ci, p):
        v0 = wid * VT + ci * VC
        d0 = v0 // PLANE
        u0 = v0 - d0 * PLANE
        return pltpu.make_async_copy(
            src_hbm.at[pl.ds(d0 * D, D), pl.ds(u0, VC)], strips.at[p],
            sem_in)

    def out_copy(ci, p):
        v0 = wid * VT + ci * VC
        return pltpu.make_async_copy(
            outb.at[p], t_hbm.at[pl.ds(v0, VC)], sem_out)

    def compute(p):
        @plsc.parallel_loop(0, VC // 16, unroll=2)
        def grp(k):
            vv = k * 16
            rbase = iota + vv
            vals = [strips[p, cc, pl.ds(vv, 16)] for cc in range(D)]
            for w in range(D // 2):
                pk = plsc.pack(vals[2 * w], vals[2 * w + 1],
                               format=plsc.PackFormat.INTERLEAVED)
                pi = plsc.bitcast(pk, jnp.int32)
                word_i = jnp.full((16,), w, jnp.int32)
                plsc.store_scatter(outb.at[p], [rbase, word_i], pi)

    in_copy(0, 0).start()

    def outer(kk, _):
        for p in (0, 1):
            ci = kk * 2 + p

            @pl.when(ci + 1 < NVCH)
            def _():
                in_copy(ci + 1, 1 - p).start()

            in_copy(ci, p).wait()

            @pl.when(ci >= 2)
            def _():
                out_copy(ci - 2, p).wait()

            compute(p)
            out_copy(ci, p).start()
        return 0

    lax.fori_loop(0, NVCH // 2, outer, 0, unroll=False)
    out_copy(NVCH - 2, 0).wait()
    out_copy(NVCH - 1, 1).wait()


def _shade_body(x0_h, x1_h, x2_h, d0_h, d1_h, d2_h, t_hbm,
                c0_h, c1_h, c2_h, sg_h,
                xyzv, idxv, maskv, rows, outv, sem_in, sem_g):
    wid = lax.axis_index("s") * NC + lax.axis_index("c")

    def per_chunk(ci, _):
        base = wid * BPW + ci * C

        cps = [pltpu.async_copy(h.at[pl.ds(base, C)], xyzv.at[i], sem_in)
               for i, h in enumerate((x0_h, x1_h, x2_h, d0_h, d1_h, d2_h))]
        for cp in cps:
            cp.wait()

        @plsc.parallel_loop(0, NGRP, unroll=2)
        def idx_grp(g):
            s = pl.ds(g * 16, 16)
            ax = xyzv[0, s]
            ay = xyzv[1, s]
            az = xyzv[2, s]
            i0 = jnp.clip((ax / CELL + N / 2.0).astype(jnp.int32), 0, N - 1)
            i1 = jnp.clip((ay / CELL + N / 2.0).astype(jnp.int32), 0, N - 1)
            i2 = jnp.clip((az / CELL + N / 2.0).astype(jnp.int32), 0, N - 1)
            fi = (i0 * (N * N) + i1 * N) + i2
            m = ((jnp.abs(ax) < SCALE) & (jnp.abs(ay) < SCALE)
                 & (jnp.abs(az) < SCALE))
            jrow = g // (GPD // 16)
            jcol = pl.ds((g % (GPD // 16)) * 16, 16)
            idxv[jrow, jcol] = fi
            maskv[pl.ds(g * 16, 16)] = jnp.where(m, 1.0, 0.0)

        copies = [pltpu.async_copy(
            t_hbm.at[idxv.at[j]],
            rows.at[pl.ds(j * GPD, GPD)], sem_g) for j in range(ND)]
        for cp in copies:
            cp.wait()

        @plsc.parallel_loop(0, NGRP, unroll=2)
        def sh_grp(g):
            s = pl.ds(g * 16, 16)
            r = g * 16 + lax.iota(jnp.int32, 16)
            mk = maskv[s]
            dx = xyzv[3, s]
            dy = xyzv[4, s]
            dz = xyzv[5, s]

            chs = []
            for w in range(D // 2):
                wv = plsc.load_gather(rows, [r, jnp.full((16,), w, jnp.int32)])
                a, b = plsc.unpack(plsc.bitcast(wv, jnp.bfloat16),
                                   format=plsc.PackFormat.INTERLEAVED)
                chs.append(a)
                chs.append(b)

            def ch(c):
                return chs[c]

            outv[3, s] = mk * jnp.maximum(ch(0), 0.0)

            b0 = jnp.full((16,), 0.282095, jnp.float32)
            b1 = -0.488603 * dy
            b2 = 0.488603 * dz
            b3 = -0.488603 * dx
            b4 = 1.092548 * (dx * dy)
            b5 = -1.092548 * (dy * dz)
            b6 = 0.315392 * (2.0 * dz * dz - dx * dx - dy * dy)
            b7 = -1.092548 * (dx * dz)
            b8 = 0.546274 * (dx * dx - dy * dy)
            basis = (b0, b1, b2, b3, b4, b5, b6, b7, b8)
            for cc in range(3):
                acc = basis[0] * ch(1 + 9 * cc)
                for j in range(1, 9):
                    acc = acc + basis[j] * ch(1 + 9 * cc + j)
                outv[cc, s] = mk * acc

        for i, h in enumerate((c0_h, c1_h, c2_h, sg_h)):
            pltpu.sync_copy(outv.at[i], h.at[pl.ds(base, C)])
        return 0

    lax.fori_loop(0, NCHUNK, per_chunk, 0, unroll=False)


def kernel(x, d, voxel_grid):
    vgt = jnp.transpose(voxel_grid, (0, 3, 1, 2)).reshape(N * D, PLANE)
    mesh = plsc.VectorSubcoreMesh(core_axis_name="c", subcore_axis_name="s")
    params = pltpu.CompilerParams(
        needs_layout_passes=False, use_tc_tiling_on_sc=False)

    repack = pl.kernel(
        _repack_body,
        mesh=mesh,
        compiler_params=params,
        out_type=jax.ShapeDtypeStruct((NV, 16), jnp.int32),
        scratch_types=[
            pltpu.VMEM((2, D, VC), jnp.float32),
            pltpu.VMEM((2, VC, 16), jnp.int32),
            pltpu.SemaphoreType.DMA,
            pltpu.SemaphoreType.DMA,
        ],
    )
    table = repack(vgt)

    shade = pl.kernel(
        _shade_body,
        mesh=mesh,
        compiler_params=params,
        out_type=(
            jax.ShapeDtypeStruct((B,), jnp.float32),
            jax.ShapeDtypeStruct((B,), jnp.float32),
            jax.ShapeDtypeStruct((B,), jnp.float32),
            jax.ShapeDtypeStruct((B,), jnp.float32),
        ),
        scratch_types=[
            pltpu.VMEM((6, C), jnp.float32),
            pltpu.VMEM((ND, GPD), jnp.int32),
            pltpu.VMEM((C,), jnp.float32),
            pltpu.VMEM((C, 16), jnp.int32),
            pltpu.VMEM((4, C), jnp.float32),
            pltpu.SemaphoreType.DMA,
            pltpu.SemaphoreType.DMA,
        ],
    )
    c0, c1, c2, sigma = shade(x[:, 0], x[:, 1], x[:, 2],
                              d[:, 0], d[:, 1], d[:, 2], table)
    color = jnp.stack([c0, c1, c2], axis=1)
    return color, sigma

# --- scband reference (transcript-rebuilt; emitter-appended) ---
"""Pipeline reference for scband-nerf-model-1726576854925 (READ-ONLY COPY).

The authoritative reference and input builder live on the scoring server;
editing this copy changes nothing except your own understanding.
"""

import jax, jax.numpy as jnp
import numpy as np

N = 128
SCALE = 1.5
B = 1048576


def eval_spherical_function(k, d):
    x, y, z = d[..., 0:1], d[..., 1:2], d[..., 2:3]
    return (0.282095 * k[..., 0]
            + -0.488603 * y * k[..., 1]
            + 0.488603 * z * k[..., 2]
            - 0.488603 * x * k[..., 3]
            + (1.092548 * x * y * k[..., 4]
               - 1.092548 * y * z * k[..., 5]
               + 0.315392 * (2.0 * z * z - x * x - y * y) * k[..., 6]
               + -1.092548 * x * z * k[..., 7]
               + 0.546274 * (x * x - y * y) * k[..., 8]))


def setup_inputs(seed: int = 0) -> dict:
    key = jax.random.key(seed)
    k1, k2 = jax.random.split(key)
    x = jax.random.normal(k1, (B, 3), dtype=jnp.float32)
    d = jax.random.normal(k2, (B, 3), dtype=jnp.float32)
    voxel_grid = jnp.ones((N, N, N, 27 + 1), dtype=jnp.float32) / 100.0
    return {"x": x, "d": d, "voxel_grid": voxel_grid}


def reference(x, d, voxel_grid):
    mask = (jnp.abs(x[:, 0]) < SCALE) & (jnp.abs(x[:, 1]) < SCALE) & (jnp.abs(x[:, 2]) < SCALE)
    idx = jnp.clip((x / (2.0 * SCALE / N) + N / 2.0).astype(jnp.int32), 0, N - 1)
    tmp = voxel_grid[idx[:, 0], idx[:, 1], idx[:, 2]]
    sigma = jnp.where(mask, jax.nn.relu(tmp[:, 0]), 0.0)
    k = tmp[:, 1:].reshape(-1, 3, 9)
    color = jnp.where(mask[:, None], eval_spherical_function(k, d), 0.0)
    return (color, sigma)

if __name__ == "__main__":
    import jax
    _d = setup_inputs()
    print(jax.jit(kernel)(*tuple(_d.values())))

</pallas_src>

<mosaic_0001>
#map = affine_map<(d0, d1) -> (0, 0)>
module attributes {stable_mosaic.version = 14 : i64} {
  func.func @_repack_body(%arg0: i32, %arg1: i32, %arg2: memref<3584x16384xf32, #tpu.memory_space<hbm>>, %arg3: memref<2097152x16xi32, #tpu.memory_space<hbm>>, %arg4: memref<2x28x1024xf32, #tpu.memory_space<vmem>>, %arg5: memref<2x1024x16xi32, #tpu.memory_space<vmem>>, %arg6: memref<!tpu.dma_semaphore, #tpu.memory_space<semaphore_mem>>, %arg7: memref<!tpu.dma_semaphore, #tpu.memory_space<semaphore_mem>>) attributes {dimension_semantics = [#tpu.dimension_semantics<core_parallel>, #tpu.dimension_semantics<subcore_parallel>], iteration_bounds = array<i64: 2, 16>, scalar_prefetch = 0 : i64, scratch_operands = 4 : i64, tpu.core_type = #tpu.core_type<sc_vector_subcore>, window_params = [{transform_indices = #map}, {transform_indices = #map}]} {
    %mul3A = arith.constant 2 : i32
    %mul3A_0 = arith.muli %arg1, %mul3A : i32
    %add3A = arith.addi %mul3A_0, %arg0 : i32
    %iota3A = tpu.iota {dimensions = array<i32: 0>} : vector<16xi32>
    %mul3A_1 = arith.constant 65536 : i32
    %mul3A_2 = arith.muli %add3A, %mul3A_1 : i32
    %add3A_3 = arith.constant 0 : i32
    %add3A_4 = arith.addi %mul3A_2, %add3A_3 : i32
    %jit3A = arith.constant 16384 : i32
    %div3A = arith.divsi %add3A_4, %jit3A : i32
    %sign3A = arith.constant 0 : i32
    %sign3A_5 = arith.cmpi sgt, %add3A_4, %sign3A : i32
    %sign3A_6 = arith.extui %sign3A_5 : i1 to i32
    %sign3A_7 = arith.constant 0 : i32
    %sign3A_8 = arith.cmpi slt, %add3A_4, %sign3A_7 : i32
    %sign3A_9 = arith.extui %sign3A_8 : i1 to i32
    %sign3A_10 = arith.subi %sign3A_6, %sign3A_9 : i32
    %sign3A_11 = arith.constant 0 : i32
    %sign3A_12 = arith.cmpi sgt, %jit3A, %sign3A_11 : i32
    %sign3A_13 = arith.extui %sign3A_12 : i1 to i32
    %sign3A_14 = arith.constant 0 : i32
    %sign3A_15 = arith.cmpi slt, %jit3A, %sign3A_14 : i32
    %sign3A_16 = arith.extui %sign3A_15 : i1 to i32
    %sign3A_17 = arith.subi %sign3A_13, %sign3A_16 : i32
    %ne3A = arith.cmpi ne, %sign3A_10, %sign3A_17 : i32
    %rem3A = arith.remsi %add3A_4, %jit3A : i32
    %ne3A_18 = arith.constant 0 : i32
    %ne3A_19 = arith.cmpi ne, %rem3A, %ne3A_18 : i32
    %and3A = arith.andi %ne3A, %ne3A_19 : i1
    %sub3A = arith.constant 1 : i32
    %sub3A_20 = arith.subi %div3A, %sub3A : i32
    %select_n3A = arith.select %and3A, %sub3A_20, %div3A : i32
    %mul3A_21 = arith.constant 16384 : i32
    %mul3A_22 = arith.muli %select_n3A, %mul3A_21 : i32
    %sub3A_23 = arith.subi %add3A_4, %mul3A_22 : i32
    %mul3A_24 = arith.constant 28 : i32
    %mul3A_25 = arith.muli %select_n3A, %mul3A_24 : i32
    %dma_start3A = arith.constant 0 : i32
    %dma_start3A_26 = arith.constant 0 : i32
    %dma_start3A_27 = arith.constant 0 : i32
    %dma_start3A_28 = tpu.memref_slice %arg4[%dma_start3A, %dma_start3A_26, %dma_start3A_27] : memref<2x28x1024xf32, #tpu.memory_space<vmem>> -> memref<1x28x1024xf32, #tpu.memory_space<vmem>>
    %dma_start3A_29 = tpu.memref_squeeze %dma_start3A_28 : memref<1x28x1024xf32, #tpu.memory_space<vmem>> -> memref<28x1024xf32, #tpu.memory_space<vmem>>
    %dma_start3A_30 = tpu.memref_slice %arg2[%mul3A_25, %sub3A_23] : memref<3584x16384xf32, #tpu.memory_space<hbm>> -> memref<28x1024xf32, #tpu.memory_space<hbm>>
    %dma_start3A_31 = arith.constant 0 : i32
    %dma_start3A_32 = arith.constant 0 : i32
    %dma_start3A_33 = tpu.memref_slice %arg4[%dma_start3A, %dma_start3A_31, %dma_start3A_32] : memref<2x28x1024xf32, #tpu.memory_space<vmem>> -> memref<1x28x1024xf32, #tpu.memory_space<vmem>>
    %dma_start3A_34 = tpu.memref_squeeze %dma_start3A_33 : memref<1x28x1024xf32, #tpu.memory_space<vmem>> -> memref<28x1024xf32, #tpu.memory_space<vmem>>
    %dma_start3A_35 = tpu.memref_slice %arg2[%mul3A_25, %sub3A_23] : memref<3584x16384xf32, #tpu.memory_space<hbm>> -> memref<28x1024xf32, #tpu.memory_space<hbm>>
    tpu.enqueue_dma source(%dma_start3A_35 : memref<28x1024xf32, #tpu.memory_space<hbm>>) target(%dma_start3A_34 : memref<28x1024xf32, #tpu.memory_space<vmem>>) target_semaphore(%arg6 : memref<!tpu.dma_semaphore, #tpu.memory_space<semaphore_mem>>)
    %scan3A = arith.constant 0 : i32
    %scan3A_36 = arith.constant 0 : i32
    %scan3A_37 = arith.constant 32 : i32
    %scan3A_38 = arith.addi %scan3A_36, %scan3A_37 : i32
    %scan3A_39 = arith.constant 1 : i32
    %scan3A_40 = scf.for %scan3A_75 = %scan3A_36 to %scan3A_38 step %scan3A_39 iter_args(%scan3A_76 = %scan3A) -> (i32)  : i32 {
      %mul3A_77 = arith.constant 2 : i32
      %mul3A_78 = arith.muli %scan3A_75, %mul3A_77 : i32
      %add3A_79 = arith.constant 0 : i32
      %add3A_80 = arith.addi %mul3A_78, %add3A_79 : i32
      %add3A_81 = arith.constant 1 : i32
      %add3A_82 = arith.addi %add3A_80, %add3A_81 : i32
      %lt3A = arith.constant 64 : i32
      %lt3A_83 = arith.cmpi slt, %add3A_82, %lt3A : i32
      %convert_element_type3A = arith.extui %lt3A_83 : i1 to i32
      %cond3A = arith.constant 0 : i32
      %cond3A_84 = arith.cmpi ne, %convert_element_type3A, %cond3A : i32
      scf.if %cond3A_84 {
        %add3A_237 = arith.constant 1 : i32
        %add3A_238 = arith.addi %add3A_80, %add3A_237 : i32
        %mul3A_239 = arith.constant 65536 : i32
        %mul3A_240 = arith.muli %add3A, %mul3A_239 : i32
        %mul3A_241 = arith.constant 1024 : i32
        %mul3A_242 = arith.muli %add3A_238, %mul3A_241 : i32
        %add3A_243 = arith.addi %mul3A_240, %mul3A_242 : i32
        %jit3A_244 = arith.constant 16384 : i32
        %div3A_245 = arith.divsi %add3A_243, %jit3A_244 : i32
        %sign3A_246 = arith.constant 0 : i32
        %sign3A_247 = arith.cmpi sgt, %add3A_243, %sign3A_246 : i32
        %sign3A_248 = arith.extui %sign3A_247 : i1 to i32
        %sign3A_249 = arith.constant 0 : i32
        %sign3A_250 = arith.cmpi slt, %add3A_243, %sign3A_249 : i32
        %sign3A_251 = arith.extui %sign3A_250 : i1 to i32
        %sign3A_252 = arith.subi %sign3A_248, %sign3A_251 : i32
        %sign3A_253 = arith.constant 0 : i32
        %sign3A_254 = arith.cmpi sgt, %jit3A_244, %sign3A_253 : i32
        %sign3A_255 = arith.extui %sign3A_254 : i1 to i32
        %sign3A_256 = arith.constant 0 : i32
        %sign3A_257 = arith.cmpi slt, %jit3A_244, %sign3A_256 : i32
        %sign3A_258 = arith.extui %sign3A_257 : i1 to i32
        %sign3A_259 = arith.subi %sign3A_255, %sign3A_258 : i32
        %ne3A_260 = arith.cmpi ne, %sign3A_252, %sign3A_259 : i32
        %rem3A_261 = arith.remsi %add3A_243, %jit3A_244 : i32
        %ne3A_262 = arith.constant 0 : i32
        %ne3A_263 = arith.cmpi ne, %rem3A_261, %ne3A_262 : i32
        %and3A_264 = arith.andi %ne3A_260, %ne3A_263 : i1
        %sub3A_265 = arith.constant 1 : i32
        %sub3A_266 = arith.subi %div3A_245, %sub3A_265 : i32
        %select_n3A_267 = arith.select %and3A_264, %sub3A_266, %div3A_245 : i32
        %mul3A_268 = arith.constant 16384 : i32
        %mul3A_269 = arith.muli %select_n3A_267, %mul3A_268 : i32
        %sub3A_270 = arith.subi %add3A_243, %mul3A_269 : i32
        %mul3A_271 = arith.constant 28 : i32
        %mul3A_272 = arith.muli %select_n3A_267, %mul3A_271 : i32
        %dma_start3A_273 = arith.constant 1 : i32
        %dma_start3A_274 = arith.constant 0 : i32
        %dma_start3A_275 = arith.constant 0 : i32
        %dma_start3A_276 = tpu.memref_slice %arg4[%dma_start3A_273, %dma_start3A_274, %dma_start3A_275] : memref<2x28x1024xf32, #tpu.memory_space<vmem>> -> memref<1x28x1024xf32, #tpu.memory_space<vmem>>
        %dma_start3A_277 = tpu.memref_squeeze %dma_start3A_276 : memref<1x28x1024xf32, #tpu.memory_space<vmem>> -> memref<28x1024xf32, #tpu.memory_space<vmem>>
        %dma_start3A_278 = tpu.memref_slice %arg2[%mul3A_272, %sub3A_270] : memref<3584x16384xf32, #tpu.memory_space<hbm>> -> memref<28x1024xf32, #tpu.memory_space<hbm>>
        %dma_start3A_279 = arith.constant 0 : i32
        %dma_start3A_280 = arith.constant 0 : i32
        %dma_start3A_281 = tpu.memref_slice %arg4[%dma_start3A_273, %dma_start3A_279, %dma_start3A_280] : memref<2x28x1024xf32, #tpu.memory_space<vmem>> -> memref<1x28x1024xf32, #tpu.memory_space<vmem>>
        %dma_start3A_282 = tpu.memref_squeeze %dma_start3A_281 : memref<1x28x1024xf32, #tpu.memory_space<vmem>> -> memref<28x1024xf32, #tpu.memory_space<vmem>>
        %dma_start3A_283 = tpu.memref_slice %arg2[%mul3A_272, %sub3A_270] : memref<3584x16384xf32, #tpu.memory_space<hbm>> -> memref<28x1024xf32, #tpu.memory_space<hbm>>
        tpu.enqueue_dma source(%dma_start3A_283 : memref<28x1024xf32, #tpu.memory_space<hbm>>) target(%dma_start3A_282 : memref<28x1024xf32, #tpu.memory_space<vmem>>) target_semaphore(%arg6 : memref<!tpu.dma_semaphore, #tpu.memory_space<semaphore_mem>>)
      } else {
      }
      %mul3A_85 = arith.constant 65536 : i32
      %mul3A_86 = arith.muli %add3A, %mul3A_85 : i32
      %mul3A_87 = arith.constant 1024 : i32
      %mul3A_88 = arith.muli %add3A_80, %mul3A_87 : i32
      %add3A_89 = arith.addi %mul3A_86, %mul3A_88 : i32
      %jit3A_90 = arith.constant 16384 : i32
      %div3A_91 = arith.divsi %add3A_89, %jit3A_90 : i32
      %sign3A_92 = arith.constant 0 : i32
      %sign3A_93 = arith.cmpi sgt, %add3A_89, %sign3A_92 : i32
      %sign3A_94 = arith.extui %sign3A_93 : i1 to i32
      %sign3A_95 = arith.constant 0 : i32
      %sign3A_96 = arith.cmpi slt, %add3A_89, %sign3A_95 : i32
      %sign3A_97 = arith.extui %sign3A_96 : i1 to i32
      %sign3A_98 = arith.subi %sign3A_94, %sign3A_97 : i32
      %sign3A_99 = arith.constant 0 : i32
      %sign3A_100 = arith.cmpi sgt, %jit3A_90, %sign3A_99 : i32
      %sign3A_101 = arith.extui %sign3A_100 : i1 to i32
      %sign3A_102 = arith.constant 0 : i32
      %sign3A_103 = arith.cmpi slt, %jit3A_90, %sign3A_102 : i32
      %sign3A_104 = arith.extui %sign3A_103 : i1 to i32
      %sign3A_105 = arith.subi %sign3A_101, %sign3A_104 : i32
      %ne3A_106 = arith.cmpi ne, %sign3A_98, %sign3A_105 : i32
      %rem3A_107 = arith.remsi %add3A_89, %jit3A_90 : i32
      %ne3A_108 = arith.constant 0 : i32
      %ne3A_109 = arith.cmpi ne, %rem3A_107, %ne3A_108 : i32
      %and3A_110 = arith.andi %ne3A_106, %ne3A_109 : i1
      %sub3A_111 = arith.constant 1 : i32
      %sub3A_112 = arith.subi %div3A_91, %sub3A_111 : i32
      %select_n3A_113 = arith.select %and3A_110, %sub3A_112, %div3A_91 : i32
      %mul3A_114 = arith.constant 16384 : i32
      %mul3A_115 = arith.muli %select_n3A_113, %mul3A_114 : i32
      %sub3A_116 = arith.subi %add3A_89, %mul3A_115 : i32
      %mul3A_117 = arith.constant 28 : i32
      %mul3A_118 = arith.muli %select_n3A_113, %mul3A_117 : i32
      %dma_wait3A_119 = arith.constant 0 : i32
      %dma_wait3A_120 = arith.constant 0 : i32
      %dma_wait3A_121 = arith.constant 0 : i32
      %dma_wait3A_122 = tpu.memref_slice %arg4[%dma_wait3A_119, %dma_wait3A_120, %dma_wait3A_121] : memref<2x28x1024xf32, #tpu.memory_space<vmem>> -> memref<1x28x1024xf32, #tpu.memory_space<vmem>>
      %dma_wait3A_123 = tpu.memref_squeeze %dma_wait3A_122 : memref<1x28x1024xf32, #tpu.memory_space<vmem>> -> memref<28x1024xf32, #tpu.memory_space<vmem>>
      %dma_wait3A_124 = tpu.memref_slice %arg2[%mul3A_118, %sub3A_116] : memref<3584x16384xf32, #tpu.memory_space<hbm>> -> memref<28x1024xf32, #tpu.memory_space<hbm>>
      %dma_wait3A_125 = arith.constant 0 : i32
      %dma_wait3A_126 = arith.constant 0 : i32
      %dma_wait3A_127 = tpu.memref_slice %arg4[%dma_wait3A_119, %dma_wait3A_125, %dma_wait3A_126] : memref<2x28x1024xf32, #tpu.memory_space<vmem>> -> memref<1x28x1024xf32, #tpu.memory_space<vmem>>
      %dma_wait3A_128 = tpu.memref_squeeze %dma_wait3A_127 : memref<1x28x1024xf32, #tpu.memory_space<vmem>> -> memref<28x1024xf32, #tpu.memory_space<vmem>>
      %dma_wait3A_129 = tpu.memref_slice %arg2[%mul3A_118, %sub3A_116] : memref<3584x16384xf32, #tpu.memory_space<hbm>> -> memref<28x1024xf32, #tpu.memory_space<hbm>>
      tpu.wait_dma2 semaphore(%arg6 : memref<!tpu.dma_semaphore, #tpu.memory_space<semaphore_mem>>) src(%dma_wait3A_129 : memref<28x1024xf32, #tpu.memory_space<hbm>>) dst(%dma_wait3A_128 : memref<28x1024xf32, #tpu.memory_space<vmem>>)
      %ge3A = arith.constant 2 : i32
      %ge3A_130 = arith.cmpi sge, %add3A_80, %ge3A : i32
      %convert_element_type3A_131 = arith.extui %ge3A_130 : i1 to i32
      %cond3A_132 = arith.constant 0 : i32
      %cond3A_133 = arith.cmpi ne, %convert_element_type3A_131, %cond3A_132 : i32
      scf.if %cond3A_133 {
        %sub3A_237 = arith.constant 2 : i32
        %sub3A_238 = arith.subi %add3A_80, %sub3A_237 : i32
        %mul3A_239 = arith.constant 65536 : i32
        %mul3A_240 = arith.muli %add3A, %mul3A_239 : i32
        %mul3A_241 = arith.constant 1024 : i32
        %mul3A_242 = arith.muli %sub3A_238, %mul3A_241 : i32
        %add3A_243 = arith.addi %mul3A_240, %mul3A_242 : i32
        %dma_wait3A_244 = arith.constant 0 : i32
        %dma_wait3A_245 = arith.constant 0 : i32
        %dma_wait3A_246 = arith.constant 0 : i32
        %dma_wait3A_247 = tpu.memref_slice %arg5[%dma_wait3A_244, %dma_wait3A_245, %dma_wait3A_246] : memref<2x1024x16xi32, #tpu.memory_space<vmem>> -> memref<1x1024x16xi32, #tpu.memory_space<vmem>>
        %dma_wait3A_248 = tpu.memref_squeeze %dma_wait3A_247 : memref<1x1024x16xi32, #tpu.memory_space<vmem>> -> memref<1024x16xi32, #tpu.memory_space<vmem>>
        %dma_wait3A_249 = arith.constant 0 : i32
        %dma_wait3A_250 = tpu.memref_slice %arg3[%add3A_243, %dma_wait3A_249] : memref<2097152x16xi32, #tpu.memory_space<hbm>> -> memref<1024x16xi32, #tpu.memory_space<hbm>>
        %dma_wait3A_251 = arith.constant 0 : i32
        %dma_wait3A_252 = tpu.memref_slice %arg3[%add3A_243, %dma_wait3A_251] : memref<2097152x16xi32, #tpu.memory_space<hbm>> -> memref<1024x16xi32, #tpu.memory_space<hbm>>
        %dma_wait3A_253 = arith.constant 0 : i32
        %dma_wait3A_254 = arith.constant 0 : i32
        %dma_wait3A_255 = tpu.memref_slice %arg5[%dma_wait3A_244, %dma_wait3A_253, %dma_wait3A_254] : memref<2x1024x16xi32, #tpu.memory_space<vmem>> -> memref<1x1024x16xi32, #tpu.memory_space<vmem>>
        %dma_wait3A_256 = tpu.memref_squeeze %dma_wait3A_255 : memref<1x1024x16xi32, #tpu.memory_space<vmem>> -> memref<1024x16xi32, #tpu.memory_space<vmem>>
        tpu.wait_dma2 semaphore(%arg7 : memref<!tpu.dma_semaphore, #tpu.memory_space<semaphore_mem>>) src(%dma_wait3A_256 : memref<1024x16xi32, #tpu.memory_space<vmem>>) dst(%dma_wait3A_252 : memref<1024x16xi32, #tpu.memory_space<hbm>>)
      } else {
      }
      %parallel_loop3A = arith.constant 0 : i32
      %parallel_loop3A_134 = arith.constant 64 : i32
      %parallel_loop3A_135 = arith.constant 1 : i32
      scf.for %parallel_loop3A_237 = %parallel_loop3A to %parallel_loop3A_134 step %parallel_loop3A_135  : i32 {
        %parallel_loop3A_238 = arith.constant 16 : i32
        %parallel_loop3A_239 = arith.muli %parallel_loop3A_237, %parallel_loop3A_238 : i32
        %parallel_loop3A_240 = vector.broadcast %parallel_loop3A_239 : i32 to vector<16xi32>
        %parallel_loop3A_241 = arith.addi %iota3A, %parallel_loop3A_240 : vector<16xi32>
        %parallel_loop3A_242 = arith.constant 0 : i32
        %parallel_loop3A_243 = arith.constant 0 : i32
        %parallel_loop3A_244 = arith.index_cast %parallel_loop3A_242 : i32 to index
        %parallel_loop3A_245 = arith.index_cast %parallel_loop3A_243 : i32 to index
        %parallel_loop3A_246 = arith.index_cast %parallel_loop3A_239 : i32 to index
        %parallel_loop3A_247 = tpu.vector_load %arg4[%parallel_loop3A_244, %parallel_loop3A_245, %parallel_loop3A_246] {strides = array<i32>} : memref<2x28x1024xf32, #tpu.memory_space<vmem>>, vector<16xf32>,
        %parallel_loop3A_248 = arith.constant 0 : i32
        %parallel_loop3A_249 = arith.constant 1 : i32
        %parallel_loop3A_250 = arith.index_cast %parallel_loop3A_248 : i32 to index
        %parallel_loop3A_251 = arith.index_cast %parallel_loop3A_249 : i32 to index
        %parallel_loop3A_252 = arith.index_cast %parallel_loop3A_239 : i32 to index
        %parallel_loop3A_253 = tpu.vector_load %arg4[%parallel_loop3A_250, %parallel_loop3A_251, %parallel_loop3A_252] {strides = array<i32>} : memref<2x28x1024xf32, #tpu.memory_space<vmem>>, vector<16xf32>,
        %parallel_loop3A_254 = arith.constant 0 : i32
        %parallel_loop3A_255 = arith.constant 2 : i32
        %parallel_loop3A_256 = arith.index_cast %parallel_loop3A_254 : i32 to index
        %parallel_loop3A_257 = arith.index_cast %parallel_loop3A_255 : i32 to index
        %parallel_loop3A_258 = arith.index_cast %parallel_loop3A_239 : i32 to index
        %parallel_loop3A_259 = tpu.vector_load %arg4[%parallel_loop3A_256, %parallel_loop3A_257, %parallel_loop3A_258] {strides = array<i32>} : memref<2x28x1024xf32, #tpu.memory_space<vmem>>, vector<16xf32>,
        %parallel_loop3A_260 = arith.constant 0 : i32
        %parallel_loop3A_261 = arith.constant 3 : i32
        %parallel_loop3A_262 = arith.index_cast %parallel_loop3A_260 : i32 to index
        %parallel_loop3A_263 = arith.index_cast %parallel_loop3A_261 : i32 to index
        %parallel_loop3A_264 = arith.index_cast %parallel_loop3A_239 : i32 to index
        %parallel_loop3A_265 = tpu.vector_load %arg4[%parallel_loop3A_262, %parallel_loop3A_263, %parallel_loop3A_264] {strides = array<i32>} : memref<2x28x1024xf32, #tpu.memory_space<vmem>>, vector<16xf32>,
        %parallel_loop3A_266 = arith.constant 0 : i32
        %parallel_loop3A_267 = arith.constant 4 : i32
        %parallel_loop3A_268 = arith.index_cast %parallel_loop3A_266 : i32 to index
        %parallel_loop3A_269 = arith.index_cast %parallel_loop3A_267 : i32 to index
        %parallel_loop3A_270 = arith.index_cast %parallel_loop3A_239 : i32 to index
        %parallel_loop3A_271 = tpu.vector_load %arg4[%parallel_loop3A_268, %parallel_loop3A_269, %parallel_loop3A_270] {strides = array<i32>} : memref<2x28x1024xf32, #tpu.memory_space<vmem>>, vector<16xf32>,
        %parallel_loop3A_272 = arith.constant 0 : i32
        %parallel_loop3A_273 = arith.constant 5 : i32
        %parallel_loop3A_274 = arith.index_cast %parallel_loop3A_272 : i32 to index
        %parallel_loop3A_275 = arith.index_cast %parallel_loop3A_273 : i32 to index
        %parallel_loop3A_276 = arith.index_cast %parallel_loop3A_239 : i32 to index
        %parallel_loop3A_277 = tpu.vector_load %arg4[%parallel_loop3A_274, %parallel_loop3A_275, %parallel_loop3A_276] {strides = array<i32>} : memref<2x28x1024xf32, #tpu.memory_space<vmem>>, vector<16xf32>,
        %parallel_loop3A_278 = arith.constant 0 : i32
        %parallel_loop3A_279 = arith.constant 6 : i32
        %parallel_loop3A_280 = arith.index_cast %parallel_loop3A_278 : i32 to index
        %parallel_loop3A_281 = arith.index_cast %parallel_loop3A_279 : i32 to index
        %parallel_loop3A_282 = arith.index_cast %parallel_loop3A_239 : i32 to index
        %parallel_loop3A_283 = tpu.vector_load %arg4[%parallel_loop3A_280, %parallel_loop3A_281, %parallel_loop3A_282] {strides = array<i32>} : memref<2x28x1024xf32, #tpu.memory_space<vmem>>, vector<16xf32>,
        %parallel_loop3A_284 = arith.constant 0 : i32
        %parallel_loop3A_285 = arith.constant 7 : i32
        %parallel_loop3A_286 = arith.index_cast %parallel_loop3A_284 : i32 to index
        %parallel_loop3A_287 = arith.index_cast %parallel_loop3A_285 : i32 to index
        %parallel_loop3A_288 = arith.index_cast %parallel_loop3A_239 : i32 to index
        %parallel_loop3A_289 = tpu.vector_load %arg4[%parallel_loop3A_286, %parallel_loop3A_287, %parallel_loop3A_288] {strides = array<i32>} : memref<2x28x1024xf32, #tpu.memory_space<vmem>>, vector<16xf32>,
        %parallel_loop3A_290 = arith.constant 0 : i32
        %parallel_loop3A_291 = arith.constant 8 : i32
        %parallel_loop3A_292 = arith.index_cast %parallel_loop3A_290 : i32 to index
        %parallel_loop3A_293 = arith.index_cast %parallel_loop3A_291 : i32 to index
        %parallel_loop3A_294 = arith.index_cast %parallel_loop3A_239 : i32 to index
        %parallel_loop3A_295 = tpu.vector_load %arg4[%parallel_loop3A_292, %parallel_loop3A_293, %parallel_loop3A_294] {strides = array<i32>} : memref<2x28x1024xf32, #tpu.memory_space<vmem>>, vector<16xf32>,
        %parallel_loop3A_296 = arith.constant 0 : i32
        %parallel_loop3A_297 = arith.constant 9 : i32
        %parallel_loop3A_298 = arith.index_cast %parallel_loop3A_296 : i32 to index
        %parallel_loop3A_299 = arith.index_cast %parallel_loop3A_297 : i32 to index
        %parallel_loop3A_300 = arith.index_cast %parallel_loop3A_239 : i32 to index
        %parallel_loop3A_301 = tpu.vector_load %arg4[%parallel_loop3A_298, %parallel_loop3A_299, %parallel_loop3A_300] {strides = array<i32>} : memref<2x28x1024xf32, #tpu.memory_space<vmem>>, vector<16xf32>,
        %parallel_loop3A_302 = arith.constant 0 : i32
        %parallel_loop3A_303 = arith.constant 10 : i32
        %parallel_loop3A_304 = arith.index_cast %parallel_loop3A_302 : i32 to index
        %parallel_loop3A_305 = arith.index_cast %parallel_loop3A_303 : i32 to index
        %parallel_loop3A_306 = arith.index_cast %parallel_loop3A_239 : i32 to index
        %parallel_loop3A_307 = tpu.vector_load %arg4[%parallel_loop3A_304, %parallel_loop3A_305, %parallel_loop3A_306] {strides = array<i32>} : memref<2x28x1024xf32, #tpu.memory_space<vmem>>, vector<16xf32>,
        %parallel_loop3A_308 = arith.constant 0 : i32
        %parallel_loop3A_309 = arith.constant 11 : i32
        %parallel_loop3A_310 = arith.index_cast %parallel_loop3A_308 : i32 to index
        %parallel_loop3A_311 = arith.index_cast %parallel_loop3A_309 : i32 to index
        %parallel_loop3A_312 = arith.index_cast %parallel_loop3A_239 : i32 to index
        %parallel_loop3A_313 = tpu.vector_load %arg4[%parallel_loop3A_310, %parallel_loop3A_311, %parallel_loop3A_312] {strides = array<i32>} : memref<2x28x1024xf32, #tpu.memory_space<vmem>>, vector<16xf32>,
        %parallel_loop3A_314 = arith.constant 0 : i32
        %parallel_loop3A_315 = arith.constant 12 : i32
        %parallel_loop3A_316 = arith.index_cast %parallel_loop3A_314 : i32 to index
        %parallel_loop3A_317 = arith.index_cast %parallel_loop3A_315 : i32 to index
        %parallel_loop3A_318 = arith.index_cast %parallel_loop3A_239 : i32 to index
        %parallel_loop3A_319 = tpu.vector_load %arg4[%parallel_loop3A_316, %parallel_loop3A_317, %parallel_loop3A_318] {strides = array<i32>} : memref<2x28x1024xf32, #tpu.memory_space<vmem>>, vector<16xf32>,
        %parallel_loop3A_320 = arith.constant 0 : i32
        %parallel_loop3A_321 = arith.constant 13 : i32
        %parallel_loop3A_322 = arith.index_cast %parallel_loop3A_320 : i32 to index
        %parallel_loop3A_323 = arith.index_cast %parallel_loop3A_321 : i32 to index
        %parallel_loop3A_324 = arith.index_cast %parallel_loop3A_239 : i32 to index
        %parallel_loop3A_325 = tpu.vector_load %arg4[%parallel_loop3A_322, %parallel_loop3A_323, %parallel_loop3A_324] {strides = array<i32>} : memref<2x28x1024xf32, #tpu.memory_space<vmem>>, vector<16xf32>,
        %parallel_loop3A_326 = arith.constant 0 : i32
        %parallel_loop3A_327 = arith.constant 14 : i32
        %parallel_loop3A_328 = arith.index_cast %parallel_loop3A_326 : i32 to index
        %parallel_loop3A_329 = arith.index_cast %parallel_loop3A_327 : i32 to index
        %parallel_loop3A_330 = arith.index_cast %parallel_loop3A_239 : i32 to index
        %parallel_loop3A_331 = tpu.vector_load %arg4[%parallel_loop3A_328, %parallel_loop3A_329, %parallel_loop3A_330] {strides = array<i32>} : memref<2x28x1024xf32, #tpu.memory_space<vmem>>, vector<16xf32>,
        %parallel_loop3A_332 = arith.constant 0 : i32
        %parallel_loop3A_333 = arith.constant 15 : i32
        %parallel_loop3A_334 = arith.index_cast %parallel_loop3A_332 : i32 to index
        %parallel_loop3A_335 = arith.index_cast %parallel_loop3A_333 : i32 to index
        %parallel_loop3A_336 = arith.index_cast %parallel_loop3A_239 : i32 to index
        %parallel_loop3A_337 = tpu.vector_load %arg4[%parallel_loop3A_334, %parallel_loop3A_335, %parallel_loop3A_336] {strides = array<i32>} : memref<2x28x1024xf32, #tpu.memory_space<vmem>>, vector<16xf32>,
        %parallel_loop3A_338 = arith.constant 0 : i32
        %parallel_loop3A_339 = arith.constant 16 : i32
        %parallel_loop3A_340 = arith.index_cast %parallel_loop3A_338 : i32 to index
        %parallel_loop3A_341 = arith.index_cast %parallel_loop3A_339 : i32 to index
        %parallel_loop3A_342 = arith.index_cast %parallel_loop3A_239 : i32 to index
        %parallel_loop3A_343 = tpu.vector_load %arg4[%parallel_loop3A_340, %parallel_loop3A_341, %parallel_loop3A_342] {strides = array<i32>} : memref<2x28x1024xf32, #tpu.memory_space<vmem>>, vector<16xf32>,
        %parallel_loop3A_344 = arith.constant 0 : i32
        %parallel_loop3A_345 = arith.constant 17 : i32
        %parallel_loop3A_346 = arith.index_cast %parallel_loop3A_344 : i32 to index
        %parallel_loop3A_347 = arith.index_cast %parallel_loop3A_345 : i32 to index
        %parallel_loop3A_348 = arith.index_cast %parallel_loop3A_239 : i32 to index
        %parallel_loop3A_349 = tpu.vector_load %arg4[%parallel_loop3A_346, %parallel_loop3A_347, %parallel_loop3A_348] {strides = array<i32>} : memref<2x28x1024xf32, #tpu.memory_space<vmem>>, vector<16xf32>,
        %parallel_loop3A_350 = arith.constant 0 : i32
        %parallel_loop3A_351 = arith.constant 18 : i32
        %parallel_loop3A_352 = arith.index_cast %parallel_loop3A_350 : i32 to index
        %parallel_loop3A_353 = arith.index_cast %parallel_loop3A_351 : i32 to index
        %parallel_loop3A_354 = arith.index_cast %parallel_loop3A_239 : i32 to index
        %parallel_loop3A_355 = tpu.vector_load %arg4[%parallel_loop3A_352, %parallel_loop3A_353, %parallel_loop3A_354] {strides = array<i32>} : memref<2x28x1024xf32, #tpu.memory_space<vmem>>, vector<16xf32>,
        %parallel_loop3A_356 = arith.constant 0 : i32
        %parallel_loop3A_357 = arith.constant 19 : i32
        %parallel_loop3A_358 = arith.index_cast %parallel_loop3A_356 : i32 to index
        %parallel_loop3A_359 = arith.index_cast %parallel_loop3A_357 : i32 to index
        %parallel_loop3A_360 = arith.index_cast %parallel_loop3A_239 : i32 to index
        %parallel_loop3A_361 = tpu.vector_load %arg4[%parallel_loop3A_358, %parallel_loop3A_359, %parallel_loop3A_360] {strides = array<i32>} : memref<2x28x1024xf32, #tpu.memory_space<vmem>>, vector<16xf32>,
        %parallel_loop3A_362 = arith.constant 0 : i32
        %parallel_loop3A_363 = arith.constant 20 : i32
        %parallel_loop3A_364 = arith.index_cast %parallel_loop3A_362 : i32 to index
        %parallel_loop3A_365 = arith.index_cast %parallel_loop3A_363 : i32 to index
        %parallel_loop3A_366 = arith.index_cast %parallel_loop3A_239 : i32 to index
        %parallel_loop3A_367 = tpu.vector_load %arg4[%parallel_loop3A_364, %parallel_loop3A_365, %parallel_loop3A_366] {strides = array<i32>} : memref<2x28x1024xf32, #tpu.memory_space<vmem>>, vector<16xf32>,
        %parallel_loop3A_368 = arith.constant 0 : i32
        %parallel_loop3A_369 = arith.constant 21 : i32
        %parallel_loop3A_370 = arith.index_cast %parallel_loop3A_368 : i32 to index
        %parallel_loop3A_371 = arith.index_cast %parallel_loop3A_369 : i32 to index
        %parallel_loop3A_372 = arith.index_cast %parallel_loop3A_239 : i32 to index
        %parallel_loop3A_373 = tpu.vector_load %arg4[%parallel_loop3A_370, %parallel_loop3A_371, %parallel_loop3A_372] {strides = array<i32>} : memref<2x28x1024xf32, #tpu.memory_space<vmem>>, vector<16xf32>,
        %parallel_loop3A_374 = arith.constant 0 : i32
        %parallel_loop3A_375 = arith.constant 22 : i32
        %parallel_loop3A_376 = arith.index_cast %parallel_loop3A_374 : i32 to index
        %parallel_loop3A_377 = arith.index_cast %parallel_loop3A_375 : i32 to index
        %parallel_loop3A_378 = arith.index_cast %parallel_loop3A_239 : i32 to index
        %parallel_loop3A_379 = tpu.vector_load %arg4[%parallel_loop3A_376, %parallel_loop3A_377, %parallel_loop3A_378] {strides = array<i32>} : memref<2x28x1024xf32, #tpu.memory_space<vmem>>, vector<16xf32>,
        %parallel_loop3A_380 = arith.constant 0 : i32
        %parallel_loop3A_381 = arith.constant 23 : i32
        %parallel_loop3A_382 = arith.index_cast %parallel_loop3A_380 : i32 to index
        %parallel_loop3A_383 = arith.index_cast %parallel_loop3A_381 : i32 to index
        %parallel_loop3A_384 = arith.index_cast %parallel_loop3A_239 : i32 to index
        %parallel_loop3A_385 = tpu.vector_load %arg4[%parallel_loop3A_382, %parallel_loop3A_383, %parallel_loop3A_384] {strides = array<i32>} : memref<2x28x1024xf32, #tpu.memory_space<vmem>>, vector<16xf32>,
        %parallel_loop3A_386 = arith.constant 0 : i32
        %parallel_loop3A_387 = arith.constant 24 : i32
        %parallel_loop3A_388 = arith.index_cast %parallel_loop3A_386 : i32 to index
        %parallel_loop3A_389 = arith.index_cast %parallel_loop3A_387 : i32 to index
        %parallel_loop3A_390 = arith.index_cast %parallel_loop3A_239 : i32 to index
        %parallel_loop3A_391 = tpu.vector_load %arg4[%parallel_loop3A_388, %parallel_loop3A_389, %parallel_loop3A_390] {strides = array<i32>} : memref<2x28x1024xf32, #tpu.memory_space<vmem>>, vector<16xf32>,
        %parallel_loop3A_392 = arith.constant 0 : i32
        %parallel_loop3A_393 = arith.constant 25 : i32
        %parallel_loop3A_394 = arith.index_cast %parallel_loop3A_392 : i32 to index
        %parallel_loop3A_395 = arith.index_cast %parallel_loop3A_393 : i32 to index
        %parallel_loop3A_396 = arith.index_cast %parallel_loop3A_239 : i32 to index
        %parallel_loop3A_397 = tpu.vector_load %arg4[%parallel_loop3A_394, %parallel_loop3A_395, %parallel_loop3A_396] {strides = array<i32>} : memref<2x28x1024xf32, #tpu.memory_space<vmem>>, vector<16xf32>,
        %parallel_loop3A_398 = arith.constant 0 : i32
        %parallel_loop3A_399 = arith.constant 26 : i32
        %parallel_loop3A_400 = arith.index_cast %parallel_loop3A_398 : i32 to index
        %parallel_loop3A_401 = arith.index_cast %parallel_loop3A_399 : i32 to index
        %parallel_loop3A_402 = arith.index_cast %parallel_loop3A_239 : i32 to index
        %parallel_loop3A_403 = tpu.vector_load %arg4[%parallel_loop3A_400, %parallel_loop3A_401, %parallel_loop3A_402] {strides = array<i32>} : memref<2x28x1024xf32, #tpu.memory_space<vmem>>, vector<16xf32>,
        %parallel_loop3A_404 = arith.constant 0 : i32
        %parallel_loop3A_405 = arith.constant 27 : i32
        %parallel_loop3A_406 = arith.index_cast %parallel_loop3A_404 : i32 to index
        %parallel_loop3A_407 = arith.index_cast %parallel_loop3A_405 : i32 to index
        %parallel_loop3A_408 = arith.index_cast %parallel_loop3A_239 : i32 to index
        %parallel_loop3A_409 = tpu.vector_load %arg4[%parallel_loop3A_406, %parallel_loop3A_407, %parallel_loop3A_408] {strides = array<i32>} : memref<2x28x1024xf32, #tpu.memory_space<vmem>>, vector<16xf32>,
        %parallel_loop3A_410 = tpu.pack_subelements %parallel_loop3A_247, %parallel_loop3A_253 {pack_format = #tpu.pack_format<interleaved>, positions = array<i32: 0, 1>} : vector<16xf32>, vector<16xf32> -> vector<32xbf16>
        %parallel_loop3A_411 = vector.bitcast %parallel_loop3A_410 : vector<32xbf16> to vector<16xi32>
        %parallel_loop3A_412 = arith.constant 0 : i32
        %parallel_loop3A_413 = vector.broadcast %parallel_loop3A_412 : i32 to vector<16xi32>
        %parallel_loop3A_414 = arith.constant 0 : i32
        %parallel_loop3A_415 = arith.constant 0 : i32
        %parallel_loop3A_416 = arith.constant 0 : i32
        %parallel_loop3A_417 = tpu.memref_slice %arg5[%parallel_loop3A_414, %parallel_loop3A_415, %parallel_loop3A_416] : memref<2x1024x16xi32, #tpu.memory_space<vmem>> -> memref<1x1024x16xi32, #tpu.memory_space<vmem>>
        %parallel_loop3A_418 = tpu.memref_squeeze %parallel_loop3A_417 : memref<1x1024x16xi32, #tpu.memory_space<vmem>> -> memref<1024x16xi32, #tpu.memory_space<vmem>>
        tpu.vector_store_idx %parallel_loop3A_418[%parallel_loop3A_241, %parallel_loop3A_413], %parallel_loop3A_411 : memref<1024x16xi32, #tpu.memory_space<vmem>>[vector<16xi32>, vector<16xi32>], vector<16xi32>,
        %parallel_loop3A_419 = tpu.pack_subelements %parallel_loop3A_259, %parallel_loop3A_265 {pack_format = #tpu.pack_format<interleaved>, positions = array<i32: 0, 1>} : vector<16xf32>, vector<16xf32> -> vector<32xbf16>
        %parallel_loop3A_420 = vector.bitcast %parallel_loop3A_419 : vector<32xbf16> to vector<16xi32>
        %parallel_loop3A_421 = arith.constant 1 : i32
        %parallel_loop3A_422 = vector.broadcast %parallel_loop3A_421 : i32 to vector<16xi32>
        %parallel_loop3A_423 = arith.constant 0 : i32
        %parallel_loop3A_424 = arith.constant 0 : i32
        %parallel_loop3A_425 = arith.constant 0 : i32
        %parallel_loop3A_426 = tpu.memref_slice %arg5[%parallel_loop3A_423, %parallel_loop3A_424, %parallel_loop3A_425] : memref<2x1024x16xi32, #tpu.memory_space<vmem>> -> memref<1x1024x16xi32, #tpu.memory_space<vmem>>
        %parallel_loop3A_427 = tpu.memref_squeeze %parallel_loop3A_426 : memref<1x1024x16xi32, #tpu.memory_space<vmem>> -> memref<1024x16xi32, #tpu.memory_space<vmem>>
        tpu.vector_store_idx %parallel_loop3A_427[%parallel_loop3A_241, %parallel_loop3A_422], %parallel_loop3A_420 : memref<1024x16xi32, #tpu.memory_space<vmem>>[vector<16xi32>, vector<16xi32>], vector<16xi32>,
        %parallel_loop3A_428 = tpu.pack_subelements %parallel_loop3A_271, %parallel_loop3A_277 {pack_format = #tpu.pack_format<interleaved>, positions = array<i32: 0, 1>} : vector<16xf32>, vector<16xf32> -> vector<32xbf16>
        %parallel_loop3A_429 = vector.bitcast %parallel_loop3A_428 : vector<32xbf16> to vector<16xi32>
        %parallel_loop3A_430 = arith.constant 2 : i32
        %parallel_loop3A_431 = vector.broadcast %parallel_loop3A_430 : i32 to vector<16xi32>
        %parallel_loop3A_432 = arith.constant 0 : i32
        %parallel_loop3A_433 = arith.constant 0 : i32
        %parallel_loop3A_434 = arith.constant 0 : i32
        %parallel_loop3A_435 = tpu.memref_slice %arg5[%parallel_loop3A_432, %parallel_loop3A_433, %parallel_loop3A_434] : memref<2x1024x16xi32, #tpu.memory_space<vmem>> -> memref<1x1024x16xi32, #tpu.memory_space<vmem>>
        %parallel_loop3A_436 = tpu.memref_squeeze %parallel_loop3A_435 : memref<1x1024x16xi32, #tpu.memory_space<vmem>> -> memref<1024x16xi32, #tpu.memory_space<vmem>>
        tpu.vector_store_idx %parallel_loop3A_436[%parallel_loop3A_241, %parallel_loop3A_431], %parallel_loop3A_429 : memref<1024x16xi32, #tpu.memory_space<vmem>>[vector<16xi32>, vector<16xi32>], vector<16xi32>,
        %parallel_loop3A_437 = tpu.pack_subelements %parallel_loop3A_283, %parallel_loop3A_289 {pack_format = #tpu.pack_format<interleaved>, positions = array<i32: 0, 1>} : vector<16xf32>, vector<16xf32> -> vector<32xbf16>
        %parallel_loop3A_438 = vector.bitcast %parallel_loop3A_437 : vector<32xbf16> to vector<16xi32>
        %parallel_loop3A_439 = arith.constant 3 : i32
        %parallel_loop3A_440 = vector.broadcast %parallel_loop3A_439 : i32 to vector<16xi32>
        %parallel_loop3A_441 = arith.constant 0 : i32
        %parallel_loop3A_442 = arith.constant 0 : i32
        %parallel_loop3A_443 = arith.constant 0 : i32
        %parallel_loop3A_444 = tpu.memref_slice %arg5[%parallel_loop3A_441, %parallel_loop3A_442, %parallel_loop3A_443] : memref<2x1024x16xi32, #tpu.memory_space<vmem>> -> memref<1x1024x16xi32, #tpu.memory_space<vmem>>
        %parallel_loop3A_445 = tpu.memref_squeeze %parallel_loop3A_444 : memref<1x1024x16xi32, #tpu.memory_space<vmem>> -> memref<1024x16xi32, #tpu.memory_space<vmem>>
        tpu.vector_store_idx %parallel_loop3A_445[%parallel_loop3A_241, %parallel_loop3A_440], %parallel_loop3A_438 : memref<1024x16xi32, #tpu.memory_space<vmem>>[vector<16xi32>, vector<16xi32>], vector<16xi32>,
        %parallel_loop3A_446 = tpu.pack_subelements %parallel_loop3A_295, %parallel_loop3A_301 {pack_format = #tpu.pack_format<interleaved>, positions = array<i32: 0, 1>} : vector<16xf32>, vector<16xf32> -> vector<32xbf16>
        %parallel_loop3A_447 = vector.bitcast %parallel_loop3A_446 : vector<32xbf16> to vector<16xi32>
        %parallel_loop3A_448 = arith.constant 4 : i32
        %parallel_loop3A_449 = vector.broadcast %parallel_loop3A_448 : i32 to vector<16xi32>
        %parallel_loop3A_450 = arith.constant 0 : i32
        %parallel_loop3A_451 = arith.constant 0 : i32
        %parallel_loop3A_452 = arith.constant 0 : i32
        %parallel_loop3A_453 = tpu.memref_slice %arg5[%parallel_loop3A_450, %parallel_loop3A_451, %parallel_loop3A_452] : memref<2x1024x16xi32, #tpu.memory_space<vmem>> -> memref<1x1024x16xi32, #tpu.memory_space<vmem>>
        %parallel_loop3A_454 = tpu.memref_squeeze %parallel_loop3A_453 : memref<1x1024x16xi32, #tpu.memory_space<vmem>> -> memref<1024x16xi32, #tpu.memory_space<vmem>>
        tpu.vector_store_idx %parallel_loop3A_454[%parallel_loop3A_241, %parallel_loop3A_449], %parallel_loop3A_447 : memref<1024x16xi32, #tpu.memory_space<vmem>>[vector<16xi32>, vector<16xi32>], vector<16xi32>,
        %parallel_loop3A_455 = tpu.pack_subelements %parallel_loop3A_307, %parallel_loop3A_313 {pack_format = #tpu.pack_format<interleaved>, positions = array<i32: 0, 1>} : vector<16xf32>, vector<16xf32> -> vector<32xbf16>
        %parallel_loop3A_456 = vector.bitcast %parallel_loop3A_455 : vector<32xbf16> to vector<16xi32>
        %parallel_loop3A_457 = arith.constant 5 : i32
        %parallel_loop3A_458 = vector.broadcast %parallel_loop3A_457 : i32 to vector<16xi32>
        %parallel_loop3A_459 = arith.constant 0 : i32
        %parallel_loop3A_460 = arith.constant 0 : i32
        %parallel_loop3A_461 = arith.constant 0 : i32
        %parallel_loop3A_462 = tpu.memref_slice %arg5[%parallel_loop3A_459, %parallel_loop3A_460, %parallel_loop3A_461] : memref<2x1024x16xi32, #tpu.memory_space<vmem>> -> memref<1x1024x16xi32, #tpu.memory_space<vmem>>
        %parallel_loop3A_463 = tpu.memref_squeeze %parallel_loop3A_462 : memref<1x1024x16xi32, #tpu.memory_space<vmem>> -> memref<1024x16xi32, #tpu.memory_space<vmem>>
        tpu.vector_store_idx %parallel_loop3A_463[%parallel_loop3A_241, %parallel_loop3A_458], %parallel_loop3A_456 : memref<1024x16xi32, #tpu.memory_space<vmem>>[vector<16xi32>, vector<16xi32>], vector<16xi32>,
        %parallel_loop3A_464 = tpu.pack_subelements %parallel_loop3A_319, %parallel_loop3A_325 {pack_format = #tpu.pack_format<interleaved>, positions = array<i32: 0, 1>} : vector<16xf32>, vector<16xf32> -> vector<32xbf16>
        %parallel_loop3A_465 = vector.bitcast %parallel_loop3A_464 : vector<32xbf16> to vector<16xi32>
        %parallel_loop3A_466 = arith.constant 6 : i32
        %parallel_loop3A_467 = vector.broadcast %parallel_loop3A_466 : i32 to vector<16xi32>
        %parallel_loop3A_468 = arith.constant 0 : i32
        %parallel_loop3A_469 = arith.constant 0 : i32
        %parallel_loop3A_470 = arith.constant 0 : i32
        %parallel_loop3A_471 = tpu.memref_slice %arg5[%parallel_loop3A_468, %parallel_loop3A_469, %parallel_loop3A_470] : memref<2x1024x16xi32, #tpu.memory_space<vmem>> -> memref<1x1024x16xi32, #tpu.memory_space<vmem>>
        %parallel_loop3A_472 = tpu.memref_squeeze %parallel_loop3A_471 : memref<1x1024x16xi32, #tpu.memory_space<vmem>> -> memref<1024x16xi32, #tpu.memory_space<vmem>>
        tpu.vector_store_idx %parallel_loop3A_472[%parallel_loop3A_241, %parallel_loop3A_467], %parallel_loop3A_465 : memref<1024x16xi32, #tpu.memory_space<vmem>>[vector<16xi32>, vector<16xi32>], vector<16xi32>,
        %parallel_loop3A_473 = tpu.pack_subelements %parallel_loop3A_331, %parallel_loop3A_337 {pack_format = #tpu.pack_format<interleaved>, positions = array<i32: 0, 1>} : vector<16xf32>, vector<16xf32> -> vector<32xbf16>
        %parallel_loop3A_474 = vector.bitcast %parallel_loop3A_473 : vector<32xbf16> to vector<16xi32>
        %parallel_loop3A_475 = arith.constant 7 : i32
        %parallel_loop3A_476 = vector.broadcast %parallel_loop3A_475 : i32 to vector<16xi32>
        %parallel_loop3A_477 = arith.constant 0 : i32
        %parallel_loop3A_478 = arith.constant 0 : i32
        %parallel_loop3A_479 = arith.constant 0 : i32
        %parallel_loop3A_480 = tpu.memref_slice %arg5[%parallel_loop3A_477, %parallel_loop3A_478, %parallel_loop3A_479] : memref<2x1024x16xi32, #tpu.memory_space<vmem>> -> memref<1x1024x16xi32, #tpu.memory_space<vmem>>
        %parallel_loop3A_481 = tpu.memref_squeeze %parallel_loop3A_480 : memref<1x1024x16xi32, #tpu.memory_space<vmem>> -> memref<1024x16xi32, #tpu.memory_space<vmem>>
        tpu.vector_store_idx %parallel_loop3A_481[%parallel_loop3A_241, %parallel_loop3A_476], %parallel_loop3A_474 : memref<1024x16xi32, #tpu.memory_space<vmem>>[vector<16xi32>, vector<16xi32>], vector<16xi32>,
        %parallel_loop3A_482 = tpu.pack_subelements %parallel_loop3A_343, %parallel_loop3A_349 {pack_format = #tpu.pack_format<interleaved>, positions = array<i32: 0, 1>} : vector<16xf32>, vector<16xf32> -> vector<32xbf16>
        %parallel_loop3A_483 = vector.bitcast %parallel_loop3A_482 : vector<32xbf16> to vector<16xi32>
        %parallel_loop3A_484 = arith.constant 8 : i32
        %parallel_loop3A_485 = vector.broadcast %parallel_loop3A_484 : i32 to vector<16xi32>
        %parallel_loop3A_486 = arith.constant 0 : i32
        %parallel_loop3A_487 = arith.constant 0 : i32
        %parallel_loop3A_488 = arith.constant 0 : i32
        %parallel_loop3A_489 = tpu.memref_slice %arg5[%parallel_loop3A_486, %parallel_loop3A_487, %parallel_loop3A_488] : memref<2x1024x16xi32, #tpu.memory_space<vmem>> -> memref<1x1024x16xi32, #tpu.memory_space<vmem>>
        %parallel_loop3A_490 = tpu.memref_squeeze %parallel_loop3A_489 : memref<1x1024x16xi32, #tpu.memory_space<vmem>> -> memref<1024x16xi32, #tpu.memory_space<vmem>>
        tpu.vector_store_idx %parallel_loop3A_490[%parallel_loop3A_241, %parallel_loop3A_485], %parallel_loop3A_483 : memref<1024x16xi32, #tpu.memory_space<vmem>>[vector<16xi32>, vector<16xi32>], vector<16xi32>,
        %parallel_loop3A_491 = tpu.pack_subelements %parallel_loop3A_355, %parallel_loop3A_361 {pack_format = #tpu.pack_format<interleaved>, positions = array<i32: 0, 1>} : vector<16xf32>, vector<16xf32> -> vector<32xbf16>
        %parallel_loop3A_492 = vector.bitcast %parallel_loop3A_491 : vector<32xbf16> to vector<16xi32>
        %parallel_loop3A_493 = arith.constant 9 : i32
        %parallel_loop3A_494 = vector.broadcast %parallel_loop3A_493 : i32 to vector<16xi32>
        %parallel_loop3A_495 = arith.constant 0 : i32
        %parallel_loop3A_496 = arith.constant 0 : i32
        %parallel_loop3A_497 = arith.constant 0 : i32
        %parallel_loop3A_498 = tpu.memref_slice %arg5[%parallel_loop3A_495, %parallel_loop3A_496, %parallel_loop3A_497] : memref<2x1024x16xi32, #tpu.memory_space<vmem>> -> memref<1x1024x16xi32, #tpu.memory_space<vmem>>
        %parallel_loop3A_499 = tpu.memref_squeeze %parallel_loop3A_498 : memref<1x1024x16xi32, #tpu.memory_space<vmem>> -> memref<1024x16xi32, #tpu.memory_space<vmem>>
        tpu.vector_store_idx %parallel_loop3A_499[%parallel_loop3A_241, %parallel_loop3A_494], %parallel_loop3A_492 : memref<1024x16xi32, #tpu.memory_space<vmem>>[vector<16xi32>, vector<16xi32>], vector<16xi32>,
        %parallel_loop3A_500 = tpu.pack_subelements %parallel_loop3A_367, %parallel_loop3A_373 {pack_format = #tpu.pack_format<interleaved>, positions = array<i32: 0, 1>} : vector<16xf32>, vector<16xf32> -> vector<32xbf16>
        %parallel_loop3A_501 = vector.bitcast %parallel_loop3A_500 : vector<32xbf16> to vector<16xi32>
        %parallel_loop3A_502 = arith.constant 10 : i32
        %parallel_loop3A_503 = vector.broadcast %parallel_loop3A_502 : i32 to vector<16xi32>
        %parallel_loop3A_504 = arith.constant 0 : i32
        %parallel_loop3A_505 = arith.constant 0 : i32
        %parallel_loop3A_506 = arith.constant 0 : i32
        %parallel_loop3A_507 = tpu.memref_slice %arg5[%parallel_loop3A_504, %parallel_loop3A_505, %parallel_loop3A_506] : memref<2x1024x16xi32, #tpu.memory_space<vmem>> -> memref<1x1024x16xi32, #tpu.memory_space<vmem>>
        %parallel_loop3A_508 = tpu.memref_squeeze %parallel_loop3A_507 : memref<1x1024x16xi32, #tpu.memory_space<vmem>> -> memref<1024x16xi32, #tpu.memory_space<vmem>>
        tpu.vector_store_idx %parallel_loop3A_508[%parallel_loop3A_241, %parallel_loop3A_503], %parallel_loop3A_501 : memref<1024x16xi32, #tpu.memory_space<vmem>>[vector<16xi32>, vector<16xi32>], vector<16xi32>,
        %parallel_loop3A_509 = tpu.pack_subelements %parallel_loop3A_379, %parallel_loop3A_385 {pack_format = #tpu.pack_format<interleaved>, positions = array<i32: 0, 1>} : vector<16xf32>, vector<16xf32> -> vector<32xbf16>
        %parallel_loop3A_510 = vector.bitcast %parallel_loop3A_509 : vector<32xbf16> to vector<16xi32>
        %parallel_loop3A_511 = arith.constant 11 : i32
        %parallel_loop3A_512 = vector.broadcast %parallel_loop3A_511 : i32 to vector<16xi32>
        %parallel_loop3A_513 = arith.constant 0 : i32
        %parallel_loop3A_514 = arith.constant 0 : i32
        %parallel_loop3A_515 = arith.constant 0 : i32
        %parallel_loop3A_516 = tpu.memref_slice %arg5[%parallel_loop3A_513, %parallel_loop3A_514, %parallel_loop3A_515] : memref<2x1024x16xi32, #tpu.memory_space<vmem>> -> memref<1x1024x16xi32, #tpu.memory_space<vmem>>
        %parallel_loop3A_517 = tpu.memref_squeeze %parallel_loop3A_516 : memref<1x1024x16xi32, #tpu.memory_space<vmem>> -> memref<1024x16xi32, #tpu.memory_space<vmem>>
        tpu.vector_store_idx %parallel_loop3A_517[%parallel_loop3A_241, %parallel_loop3A_512], %parallel_loop3A_510 : memref<1024x16xi32, #tpu.memory_space<vmem>>[vector<16xi32>, vector<16xi32>], vector<16xi32>,
        %parallel_loop3A_518 = tpu.pack_subelements %parallel_loop3A_391, %parallel_loop3A_397 {pack_format = #tpu.pack_format<interleaved>, positions = array<i32: 0, 1>} : vector<16xf32>, vector<16xf32> -> vector<32xbf16>
        %parallel_loop3A_519 = vector.bitcast %parallel_loop3A_518 : vector<32xbf16> to vector<16xi32>
        %parallel_loop3A_520 = arith.constant 12 : i32
        %parallel_loop3A_521 = vector.broadcast %parallel_loop3A_520 : i32 to vector<16xi32>
        %parallel_loop3A_522 = arith.constant 0 : i32
        %parallel_loop3A_523 = arith.constant 0 : i32
        %parallel_loop3A_524 = arith.constant 0 : i32
        %parallel_loop3A_525 = tpu.memref_slice %arg5[%parallel_loop3A_522, %parallel_loop3A_523, %parallel_loop3A_524] : memref<2x1024x16xi32, #tpu.memory_space<vmem>> -> memref<1x1024x16xi32, #tpu.memory_space<vmem>>
        %parallel_loop3A_526 = tpu.memref_squeeze %parallel_loop3A_525 : memref<1x1024x16xi32, #tpu.memory_space<vmem>> -> memref<1024x16xi32, #tpu.memory_space<vmem>>
        tpu.vector_store_idx %parallel_loop3A_526[%parallel_loop3A_241, %parallel_loop3A_521], %parallel_loop3A_519 : memref<1024x16xi32, #tpu.memory_space<vmem>>[vector<16xi32>, vector<16xi32>], vector<16xi32>,
        %parallel_loop3A_527 = tpu.pack_subelements %parallel_loop3A_403, %parallel_loop3A_409 {pack_format = #tpu.pack_format<interleaved>, positions = array<i32: 0, 1>} : vector<16xf32>, vector<16xf32> -> vector<32xbf16>
        %parallel_loop3A_528 = vector.bitcast %parallel_loop3A_527 : vector<32xbf16> to vector<16xi32>
        %parallel_loop3A_529 = arith.constant 13 : i32
        %parallel_loop3A_530 = vector.broadcast %parallel_loop3A_529 : i32 to vector<16xi32>
        %parallel_loop3A_531 = arith.constant 0 : i32
        %parallel_loop3A_532 = arith.constant 0 : i32
        %parallel_loop3A_533 = arith.constant 0 : i32
        %parallel_loop3A_534 = tpu.memref_slice %arg5[%parallel_loop3A_531, %parallel_loop3A_532, %parallel_loop3A_533] : memref<2x1024x16xi32, #tpu.memory_space<vmem>> -> memref<1x1024x16xi32, #tpu.memory_space<vmem>>
        %parallel_loop3A_535 = tpu.memref_squeeze %parallel_loop3A_534 : memref<1x1024x16xi32, #tpu.memory_space<vmem>> -> memref<1024x16xi32, #tpu.memory_space<vmem>>
        tpu.vector_store_idx %parallel_loop3A_535[%parallel_loop3A_241, %parallel_loop3A_530], %parallel_loop3A_528 : memref<1024x16xi32, #tpu.memory_space<vmem>>[vector<16xi32>, vector<16xi32>], vector<16xi32>,
      } {sc.loop_unroll_factor = 2 : i64, sc.parallel_access}
      %mul3A_136 = arith.constant 65536 : i32
      %mul3A_137 = arith.muli %add3A, %mul3A_136 : i32
      %mul3A_138 = arith.constant 1024 : i32
      %mul3A_139 = arith.muli %add3A_80, %mul3A_138 : i32
      %add3A_140 = arith.addi %mul3A_137, %mul3A_139 : i32
      %dma_start3A_141 = arith.constant 0 : i32
      %dma_start3A_142 = arith.constant 0 : i32
      %dma_start3A_143 = arith.constant 0 : i32
      %dma_start3A_144 = tpu.memref_slice %arg5[%dma_start3A_141, %dma_start3A_142, %dma_start3A_143] : memref<2x1024x16xi32, #tpu.memory_space<vmem>> -> memref<1x1024x16xi32, #tpu.memory_space<vmem>>
      %dma_start3A_145 = tpu.memref_squeeze %dma_start3A_144 : memref<1x1024x16xi32, #tpu.memory_space<vmem>> -> memref<1024x16xi32, #tpu.memory_space<vmem>>
      %dma_start3A_146 = arith.constant 0 : i32
      %dma_start3A_147 = tpu.memref_slice %arg3[%add3A_140, %dma_start3A_146] : memref<2097152x16xi32, #tpu.memory_space<hbm>> -> memref<1024x16xi32, #tpu.memory_space<hbm>>
      %dma_start3A_148 = arith.constant 0 : i32
      %dma_start3A_149 = tpu.memref_slice %arg3[%add3A_140, %dma_start3A_148] : memref<2097152x16xi32, #tpu.memory_space<hbm>> -> memref<1024x16xi32, #tpu.memory_space<hbm>>
      %dma_start3A_150 = arith.constant 0 : i32
      %dma_start3A_151 = arith.constant 0 : i32
      %dma_start3A_152 = tpu.memref_slice %arg5[%dma_start3A_141, %dma_start3A_150, %dma_start3A_151] : memref<2x1024x16xi32, #tpu.memory_space<vmem>> -> memref<1x1024x16xi32, #tpu.memory_space<vmem>>
      %dma_start3A_153 = tpu.memref_squeeze %dma_start3A_152 : memref<1x1024x16xi32, #tpu.memory_space<vmem>> -> memref<1024x16xi32, #tpu.memory_space<vmem>>
      tpu.enqueue_dma source(%dma_start3A_153 : memref<1024x16xi32, #tpu.memory_space<vmem>>) target(%dma_start3A_149 : memref<1024x16xi32, #tpu.memory_space<hbm>>) target_semaphore(%arg7 : memref<!tpu.dma_semaphore, #tpu.memory_space<semaphore_mem>>)
      %mul3A_154 = arith.constant 2 : i32
      %mul3A_155 = arith.muli %scan3A_75, %mul3A_154 : i32
      %add3A_156 = arith.constant 1 : i32
      %add3A_157 = arith.addi %mul3A_155, %add3A_156 : i32
      %add3A_158 = arith.constant 1 : i32
      %add3A_159 = arith.addi %add3A_157, %add3A_158 : i32
      %lt3A_160 = arith.constant 64 : i32
      %lt3A_161 = arith.cmpi slt, %add3A_159, %lt3A_160 : i32
      %convert_element_type3A_162 = arith.extui %lt3A_161 : i1 to i32
      %cond3A_163 = arith.constant 0 : i32
      %cond3A_164 = arith.cmpi ne, %convert_element_type3A_162, %cond3A_163 : i32
      scf.if %cond3A_164 {
        %add3A_237 = arith.constant 1 : i32
        %add3A_238 = arith.addi %add3A_157, %add3A_237 : i32
        %mul3A_239 = arith.constant 65536 : i32
        %mul3A_240 = arith.muli %add3A, %mul3A_239 : i32
        %mul3A_241 = arith.constant 1024 : i32
        %mul3A_242 = arith.muli %add3A_238, %mul3A_241 : i32
        %add3A_243 = arith.addi %mul3A_240, %mul3A_242 : i32
        %jit3A_244 = arith.constant 16384 : i32
        %div3A_245 = arith.divsi %add3A_243, %jit3A_244 : i32
        %sign3A_246 = arith.constant 0 : i32
        %sign3A_247 = arith.cmpi sgt, %add3A_243, %sign3A_246 : i32
        %sign3A_248 = arith.extui %sign3A_247 : i1 to i32
        %sign3A_249 = arith.constant 0 : i32
        %sign3A_250 = arith.cmpi slt, %add3A_243, %sign3A_249 : i32
        %sign3A_251 = arith.extui %sign3A_250 : i1 to i32
        %sign3A_252 = arith.subi %sign3A_248, %sign3A_251 : i32
        %sign3A_253 = arith.constant 0 : i32
        %sign3A_254 = arith.cmpi sgt, %jit3A_244, %sign3A_253 : i32
        %sign3A_255 = arith.extui %sign3A_254 : i1 to i32
        %sign3A_256 = arith.constant 0 : i32
        %sign3A_257 = arith.cmpi slt, %jit3A_244, %sign3A_256 : i32
        %sign3A_258 = arith.extui %sign3A_257 : i1 to i32
        %sign3A_259 = arith.subi %sign3A_255, %sign3A_258 : i32
        %ne3A_260 = arith.cmpi ne, %sign3A_252, %sign3A_259 : i32
        %rem3A_261 = arith.remsi %add3A_243, %jit3A_244 : i32
        %ne3A_262 = arith.constant 0 : i32
        %ne3A_263 = arith.cmpi ne, %rem3A_261, %ne3A_262 : i32
        %and3A_264 = arith.andi %ne3A_260, %ne3A_263 : i1
        %sub3A_265 = arith.constant 1 : i32
        %sub3A_266 = arith.subi %div3A_245, %sub3A_265 : i32
        %select_n3A_267 = arith.select %and3A_264, %sub3A_266, %div3A_245 : i32
        %mul3A_268 = arith.constant 16384 : i32
        %mul3A_269 = arith.muli %select_n3A_267, %mul3A_268 : i32
        %sub3A_270 = arith.subi %add3A_243, %mul3A_269 : i32
        %mul3A_271 = arith.constant 28 : i32
        %mul3A_272 = arith.muli %select_n3A_267, %mul3A_271 : i32
        %dma_start3A_273 = arith.constant 0 : i32
        %dma_start3A_274 = arith.constant 0 : i32
        %dma_start3A_275 = arith.constant 0 : i32
        %dma_start3A_276 = tpu.memref_slice %arg4[%dma_start3A_273, %dma_start3A_274, %dma_start3A_275] : memref<2x28x1024xf32, #tpu.memory_space<vmem>> -> memref<1x28x1024xf32, #tpu.memory_space<vmem>>
        %dma_start3A_277 = tpu.memref_squeeze %dma_start3A_276 : memref<1x28x1024xf32, #tpu.memory_space<vmem>> -> memref<28x1024xf32, #tpu.memory_space<vmem>>
        %dma_start3A_278 = tpu.memref_slice %arg2[%mul3A_272, %sub3A_270] : memref<3584x16384xf32, #tpu.memory_space<hbm>> -> memref<28x1024xf32, #tpu.memory_space<hbm>>
        %dma_start3A_279 = arith.constant 0 : i32
        %dma_start3A_280 = arith.constant 0 : i32
        %dma_start3A_281 = tpu.memref_slice %arg4[%dma_start3A_273, %dma_start3A_279, %dma_start3A_280] : memref<2x28x1024xf32, #tpu.memory_space<vmem>> -> memref<1x28x1024xf32, #tpu.memory_space<vmem>>
        %dma_start3A_282 = tpu.memref_squeeze %dma_start3A_281 : memref<1x28x1024xf32, #tpu.memory_space<vmem>> -> memref<28x1024xf32, #tpu.memory_space<vmem>>
        %dma_start3A_283 = tpu.memref_slice %arg2[%mul3A_272, %sub3A_270] : memref<3584x16384xf32, #tpu.memory_space<hbm>> -> memref<28x1024xf32, #tpu.memory_space<hbm>>
        tpu.enqueue_dma source(%dma_start3A_283 : memref<28x1024xf32, #tpu.memory_space<hbm>>) target(%dma_start3A_282 : memref<28x1024xf32, #tpu.memory_space<vmem>>) target_semaphore(%arg6 : memref<!tpu.dma_semaphore, #tpu.memory_space<semaphore_mem>>)
      } else {
      }
      %mul3A_165 = arith.constant 65536 : i32
      %mul3A_166 = arith.muli %add3A, %mul3A_165 : i32
      %mul3A_167 = arith.constant 1024 : i32
      %mul3A_168 = arith.muli %add3A_157, %mul3A_167 : i32
      %add3A_169 = arith.addi %mul3A_166, %mul3A_168 : i32
      %jit3A_170 = arith.constant 16384 : i32
      %div3A_171 = arith.divsi %add3A_169, %jit3A_170 : i32
      %sign3A_172 = arith.constant 0 : i32
      %sign3A_173 = arith.cmpi sgt, %add3A_169, %sign3A_172 : i32
      %sign3A_174 = arith.extui %sign3A_173 : i1 to i32
      %sign3A_175 = arith.constant 0 : i32
      %sign3A_176 = arith.cmpi slt, %add3A_169, %sign3A_175 : i32
      %sign3A_177 = arith.extui %sign3A_176 : i1 to i32
      %sign3A_178 = arith.subi %sign3A_174, %sign3A_177 : i32
      %sign3A_179 = arith.constant 0 : i32
      %sign3A_180 = arith.cmpi sgt, %jit3A_170, %sign3A_179 : i32
      %sign3A_181 = arith.extui %sign3A_180 : i1 to i32
      %sign3A_182 = arith.constant 0 : i32
      %sign3A_183 = arith.cmpi slt, %jit3A_170, %sign3A_182 : i32
      %sign3A_184 = arith.extui %sign3A_183 : i1 to i32
      %sign3A_185 = arith.subi %sign3A_181, %sign3A_184 : i32
      %ne3A_186 = arith.cmpi ne, %sign3A_178, %sign3A_185 : i32
      %rem3A_187 = arith.remsi %add3A_169, %jit3A_170 : i32
      %ne3A_188 = arith.constant 0 : i32
      %ne3A_189 = arith.cmpi ne, %rem3A_187, %ne3A_188 : i32
      %and3A_190 = arith.andi %ne3A_186, %ne3A_189 : i1
      %sub3A_191 = arith.constant 1 : i32
      %sub3A_192 = arith.subi %div3A_171, %sub3A_191 : i32
      %select_n3A_193 = arith.select %and3A_190, %sub3A_192, %div3A_171 : i32
      %mul3A_194 = arith.constant 16384 : i32
      %mul3A_195 = arith.muli %select_n3A_193, %mul3A_194 : i32
      %sub3A_196 = arith.subi %add3A_169, %mul3A_195 : i32
      %mul3A_197 = arith.constant 28 : i32
      %mul3A_198 = arith.muli %select_n3A_193, %mul3A_197 : i32
      %dma_wait3A_199 = arith.constant 1 : i32
      %dma_wait3A_200 = arith.constant 0 : i32
      %dma_wait3A_201 = arith.constant 0 : i32
      %dma_wait3A_202 = tpu.memref_slice %arg4[%dma_wait3A_199, %dma_wait3A_200, %dma_wait3A_201] : memref<2x28x1024xf32, #tpu.memory_space<vmem>> -> memref<1x28x1024xf32, #tpu.memory_space<vmem>>
      %dma_wait3A_203 = tpu.memref_squeeze %dma_wait3A_202 : memref<1x28x1024xf32, #tpu.memory_space<vmem>> -> memref<28x1024xf32, #tpu.memory_space<vmem>>
      %dma_wait3A_204 = tpu.memref_slice %arg2[%mul3A_198, %sub3A_196] : memref<3584x16384xf32, #tpu.memory_space<hbm>> -> memref<28x1024xf32, #tpu.memory_space<hbm>>
      %dma_wait3A_205 = arith.constant 0 : i32
      %dma_wait3A_206 = arith.constant 0 : i32
      %dma_wait3A_207 = tpu.memref_slice %arg4[%dma_wait3A_199, %dma_wait3A_205, %dma_wait3A_206] : memref<2x28x1024xf32, #tpu.memory_space<vmem>> -> memref<1x28x1024xf32, #tpu.memory_space<vmem>>
      %dma_wait3A_208 = tpu.memref_squeeze %dma_wait3A_207 : memref<1x28x1024xf32, #tpu.memory_space<vmem>> -> memref<28x1024xf32, #tpu.memory_space<vmem>>
      %dma_wait3A_209 = tpu.memref_slice %arg2[%mul3A_198, %sub3A_196] : memref<3584x16384xf32, #tpu.memory_space<hbm>> -> memref<28x1024xf32, #tpu.memory_space<hbm>>
      tpu.wait_dma2 semaphore(%arg6 : memref<!tpu.dma_semaphore, #tpu.memory_space<semaphore_mem>>) src(%dma_wait3A_209 : memref<28x1024xf32, #tpu.memory_space<hbm>>) dst(%dma_wait3A_208 : memref<28x1024xf32, #tpu.memory_space<vmem>>)
      %ge3A_210 = arith.constant 2 : i32
      %ge3A_211 = arith.cmpi sge, %add3A_157, %ge3A_210 : i32
      %convert_element_type3A_212 = arith.extui %ge3A_211 : i1 to i32
      %cond3A_213 = arith.constant 0 : i32
      %cond3A_214 = arith.cmpi ne, %convert_element_type3A_212, %cond3A_213 : i32
      scf.if %cond3A_214 {
        %sub3A_237 = arith.constant 2 : i32
        %sub3A_238 = arith.subi %add3A_157, %sub3A_237 : i32
        %mul3A_239 = arith.constant 65536 : i32
        %mul3A_240 = arith.muli %add3A, %mul3A_239 : i32
        %mul3A_241 = arith.constant 1024 : i32
        %mul3A_242 = arith.muli %sub3A_238, %mul3A_241 : i32
        %add3A_243 = arith.addi %mul3A_240, %mul3A_242 : i32
        %dma_wait3A_244 = arith.constant 1 : i32
        %dma_wait3A_245 = arith.constant 0 : i32
        %dma_wait3A_246 = arith.constant 0 : i32
        %dma_wait3A_247 = tpu.memref_slice %arg5[%dma_wait3A_244, %dma_wait3A_245, %dma_wait3A_246] : memref<2x1024x16xi32, #tpu.memory_space<vmem>> -> memref<1x1024x16xi32, #tpu.memory_space<vmem>>
        %dma_wait3A_248 = tpu.memref_squeeze %dma_wait3A_247 : memref<1x1024x16xi32, #tpu.memory_space<vmem>> -> memref<1024x16xi32, #tpu.memory_space<vmem>>
        %dma_wait3A_249 = arith.constant 0 : i32
        %dma_wait3A_250 = tpu.memref_slice %arg3[%add3A_243, %dma_wait3A_249] : memref<2097152x16xi32, #tpu.memory_space<hbm>> -> memref<1024x16xi32, #tpu.memory_space<hbm>>
        %dma_wait3A_251 = arith.constant 0 : i32
        %dma_wait3A_252 = tpu.memref_slice %arg3[%add3A_243, %dma_wait3A_251] : memref<2097152x16xi32, #tpu.memory_space<hbm>> -> memref<1024x16xi32, #tpu.memory_space<hbm>>
        %dma_wait3A_253 = arith.constant 0 : i32
        %dma_wait3A_254 = arith.constant 0 : i32
        %dma_wait3A_255 = tpu.memref_slice %arg5[%dma_wait3A_244, %dma_wait3A_253, %dma_wait3A_254] : memref<2x1024x16xi32, #tpu.memory_space<vmem>> -> memref<1x1024x16xi32, #tpu.memory_space<vmem>>
        %dma_wait3A_256 = tpu.memref_squeeze %dma_wait3A_255 : memref<1x1024x16xi32, #tpu.memory_space<vmem>> -> memref<1024x16xi32, #tpu.memory_space<vmem>>
        tpu.wait_dma2 semaphore(%arg7 : memref<!tpu.dma_semaphore, #tpu.memory_space<semaphore_mem>>) src(%dma_wait3A_256 : memref<1024x16xi32, #tpu.memory_space<vmem>>) dst(%dma_wait3A_252 : memref<1024x16xi32, #tpu.memory_space<hbm>>)
      } else {
      }
      %parallel_loop3A_215 = arith.constant 0 : i32
      %parallel_loop3A_216 = arith.constant 64 : i32
      %parallel_loop3A_217 = arith.constant 1 : i32
      scf.for %parallel_loop3A_237 = %parallel_loop3A_215 to %parallel_loop3A_216 step %parallel_loop3A_217  : i32 {
        %parallel_loop3A_238 = arith.constant 16 : i32
        %parallel_loop3A_239 = arith.muli %parallel_loop3A_237, %parallel_loop3A_238 : i32
        %parallel_loop3A_240 = vector.broadcast %parallel_loop3A_239 : i32 to vector<16xi32>
        %parallel_loop3A_241 = arith.addi %iota3A, %parallel_loop3A_240 : vector<16xi32>
        %parallel_loop3A_242 = arith.constant 1 : i32
        %parallel_loop3A_243 = arith.constant 0 : i32
        %parallel_loop3A_244 = arith.index_cast %parallel_loop3A_242 : i32 to index
        %parallel_loop3A_245 = arith.index_cast %parallel_loop3A_243 : i32 to index
        %parallel_loop3A_246 = arith.index_cast %parallel_loop3A_239 : i32 to index
        %parallel_loop3A_247 = tpu.vector_load %arg4[%parallel_loop3A_244, %parallel_loop3A_245, %parallel_loop3A_246] {strides = array<i32>} : memref<2x28x1024xf32, #tpu.memory_space<vmem>>, vector<16xf32>,
        %parallel_loop3A_248 = arith.constant 1 : i32
        %parallel_loop3A_249 = arith.constant 1 : i32
        %parallel_loop3A_250 = arith.index_cast %parallel_loop3A_248 : i32 to index
        %parallel_loop3A_251 = arith.index_cast %parallel_loop3A_249 : i32 to index
        %parallel_loop3A_252 = arith.index_cast %parallel_loop3A_239 : i32 to index
        %parallel_loop3A_253 = tpu.vector_load %arg4[%parallel_loop3A_250, %parallel_loop3A_251, %parallel_loop3A_252] {strides = array<i32>} : memref<2x28x1024xf32, #tpu.memory_space<vmem>>, vector<16xf32>,
        %parallel_loop3A_254 = arith.constant 1 : i32
        %parallel_loop3A_255 = arith.constant 2 : i32
        %parallel_loop3A_256 = arith.index_cast %parallel_loop3A_254 : i32 to index
        %parallel_loop3A_257 = arith.index_cast %parallel_loop3A_255 : i32 to index
        %parallel_loop3A_258 = arith.index_cast %parallel_loop3A_239 : i32 to index
        %parallel_loop3A_259 = tpu.vector_load %arg4[%parallel_loop3A_256, %parallel_loop3A_257, %parallel_loop3A_258] {strides = array<i32>} : memref<2x28x1024xf32, #tpu.memory_space<vmem>>, vector<16xf32>,
        %parallel_loop3A_260 = arith.constant 1 : i32
        %parallel_loop3A_261 = arith.constant 3 : i32
        %parallel_loop3A_262 = arith.index_cast %parallel_loop3A_260 : i32 to index
        %parallel_loop3A_263 = arith.index_cast %parallel_loop3A_261 : i32 to index
        %parallel_loop3A_264 = arith.index_cast %parallel_loop3A_239 : i32 to index
        %parallel_loop3A_265 = tpu.vector_load %arg4[%parallel_loop3A_262, %parallel_loop3A_263, %parallel_loop3A_264] {strides = array<i32>} : memref<2x28x1024xf32, #tpu.memory_space<vmem>>, vector<16xf32>,
        %parallel_loop3A_266 = arith.constant 1 : i32
        %parallel_loop3A_267 = arith.constant 4 : i32
        %parallel_loop3A_268 = arith.index_cast %parallel_loop3A_266 : i32 to index
        %parallel_loop3A_269 = arith.index_cast %parallel_loop3A_267 : i32 to index
        %parallel_loop3A_270 = arith.index_cast %parallel_loop3A_239 : i32 to index
        %parallel_loop3A_271 = tpu.vector_load %arg4[%parallel_loop3A_268, %parallel_loop3A_269, %parallel_loop3A_270] {strides = array<i32>} : memref<2x28x1024xf32, #tpu.memory_space<vmem>>, vector<16xf32>,
        %parallel_loop3A_272 = arith.constant 1 : i32
        %parallel_loop3A_273 = arith.constant 5 : i32
        %parallel_loop3A_274 = arith.index_cast %parallel_loop3A_272 : i32 to index
        %parallel_loop3A_275 = arith.index_cast %parallel_loop3A_273 : i32 to index
        %parallel_loop3A_276 = arith.index_cast %parallel_loop3A_239 : i32 to index
        %parallel_loop3A_277 = tpu.vector_load %arg4[%parallel_loop3A_274, %parallel_loop3A_275, %parallel_loop3A_276] {strides = array<i32>} : memref<2x28x1024xf32, #tpu.memory_space<vmem>>, vector<16xf32>,
        %parallel_loop3A_278 = arith.constant 1 : i32
        %parallel_loop3A_279 = arith.constant 6 : i32
        %parallel_loop3A_280 = arith.index_cast %parallel_loop3A_278 : i32 to index
        %parallel_loop3A_281 = arith.index_cast %parallel_loop3A_279 : i32 to index
        %parallel_loop3A_282 = arith.index_cast %parallel_loop3A_239 : i32 to index
        %parallel_loop3A_283 = tpu.vector_load %arg4[%parallel_loop3A_280, %parallel_loop3A_281, %parallel_loop3A_282] {strides = array<i32>} : memref<2x28x1024xf32, #tpu.memory_space<vmem>>, vector<16xf32>,
        %parallel_loop3A_284 = arith.constant 1 : i32
        %parallel_loop3A_285 = arith.constant 7 : i32
        %parallel_loop3A_286 = arith.index_cast %parallel_loop3A_284 : i32 to index
        %parallel_loop3A_287 = arith.index_cast %parallel_loop3A_285 : i32 to index
        %parallel_loop3A_288 = arith.index_cast %parallel_loop3A_239 : i32 to index
        %parallel_loop3A_289 = tpu.vector_load %arg4[%parallel_loop3A_286, %parallel_loop3A_287, %parallel_loop3A_288] {strides = array<i32>} : memref<2x28x1024xf32, #tpu.memory_space<vmem>>, vector<16xf32>,
        %parallel_loop3A_290 = arith.constant 1 : i32
        %parallel_loop3A_291 = arith.constant 8 : i32
        %parallel_loop3A_292 = arith.index_cast %parallel_loop3A_290 : i32 to index
        %parallel_loop3A_293 = arith.index_cast %parallel_loop3A_291 : i32 to index
        %parallel_loop3A_294 = arith.index_cast %parallel_loop3A_239 : i32 to index
        %parallel_loop3A_295 = tpu.vector_load %arg4[%parallel_loop3A_292, %parallel_loop3A_293, %parallel_loop3A_294] {strides = array<i32>} : memref<2x28x1024xf32, #tpu.memory_space<vmem>>, vector<16xf32>,
        %parallel_loop3A_296 = arith.constant 1 : i32
        %parallel_loop3A_297 = arith.constant 9 : i32
        %parallel_loop3A_298 = arith.index_cast %parallel_loop3A_296 : i32 to index
        %parallel_loop3A_299 = arith.index_cast %parallel_loop3A_297 : i32 to index
        %parallel_loop3A_300 = arith.index_cast %parallel_loop3A_239 : i32 to index
        %parallel_loop3A_301 = tpu.vector_load %arg4[%parallel_loop3A_298, %parallel_loop3A_299, %parallel_loop3A_300] {strides = array<i32>} : memref<2x28x1024xf32, #tpu.memory_space<vmem>>, vector<16xf32>,
        %parallel_loop3A_302 = arith.constant 1 : i32
        %parallel_loop3A_303 = arith.constant 10 : i32
        %parallel_loop3A_304 = arith.index_cast %parallel_loop3A_302 : i32 to index
        %parallel_loop3A_305 = arith.index_cast %parallel_loop3A_303 : i32 to index
        %parallel_loop3A_306 = arith.index_cast %parallel_loop3A_239 : i32 to index
        %parallel_loop3A_307 = tpu.vector_load %arg4[%parallel_loop3A_304, %parallel_loop3A_305, %parallel_loop3A_306] {strides = array<i32>} : memref<2x28x1024xf32, #tpu.memory_space<vmem>>, vector<16xf32>,
        %parallel_loop3A_308 = arith.constant 1 : i32
        %parallel_loop3A_309 = arith.constant 11 : i32
        %parallel_loop3A_310 = arith.index_cast %parallel_loop3A_308 : i32 to index
        %parallel_loop3A_311 = arith.index_cast %parallel_loop3A_309 : i32 to index
        %parallel_loop3A_312 = arith.index_cast %parallel_loop3A_239 : i32 to index
        %parallel_loop3A_313 = tpu.vector_load %arg4[%parallel_loop3A_310, %parallel_loop3A_311, %parallel_loop3A_312] {strides = array<i32>} : memref<2x28x1024xf32, #tpu.memory_space<vmem>>, vector<16xf32>,
        %parallel_loop3A_314 = arith.constant 1 : i32
        %parallel_loop3A_315 = arith.constant 12 : i32
        %parallel_loop3A_316 = arith.index_cast %parallel_loop3A_314 : i32 to index
        %parallel_loop3A_317 = arith.index_cast %parallel_loop3A_315 : i32 to index
        %parallel_loop3A_318 = arith.index_cast %parallel_loop3A_239 : i32 to index
        %parallel_loop3A_319 = tpu.vector_load %arg4[%parallel_loop3A_316, %parallel_loop3A_317, %parallel_loop3A_318] {strides = array<i32>} : memref<2x28x1024xf32, #tpu.memory_space<vmem>>, vector<16xf32>,
        %parallel_loop3A_320 = arith.constant 1 : i32
        %parallel_loop3A_321 = arith.constant 13 : i32
        %parallel_loop3A_322 = arith.index_cast %parallel_loop3A_320 : i32 to index
        %parallel_loop3A_323 = arith.index_cast %parallel_loop3A_321 : i32 to index
        %parallel_loop3A_324 = arith.index_cast %parallel_loop3A_239 : i32 to index
        %parallel_loop3A_325 = tpu.vector_load %arg4[%parallel_loop3A_322, %parallel_loop3A_323, %parallel_loop3A_324] {strides = array<i32>} : memref<2x28x1024xf32, #tpu.memory_space<vmem>>, vector<16xf32>,
        %parallel_loop3A_326 = arith.constant 1 : i32
        %parallel_loop3A_327 = arith.constant 14 : i32
        %parallel_loop3A_328 = arith.index_cast %parallel_loop3A_326 : i32 to index
        %parallel_loop3A_329 = arith.index_cast %parallel_loop3A_327 : i32 to index
        %parallel_loop3A_330 = arith.index_cast %parallel_loop3A_239 : i32 to index
        %parallel_loop3A_331 = tpu.vector_load %arg4[%parallel_loop3A_328, %parallel_loop3A_329, %parallel_loop3A_330] {strides = array<i32>} : memref<2x28x1024xf32, #tpu.memory_space<vmem>>, vector<16xf32>,
        %parallel_loop3A_332 = arith.constant 1 : i32
        %parallel_loop3A_333 = arith.constant 15 : i32
        %parallel_loop3A_334 = arith.index_cast %parallel_loop3A_332 : i32 to index
        %parallel_loop3A_335 = arith.index_cast %parallel_loop3A_333 : i32 to index
        %parallel_loop3A_336 = arith.index_cast %parallel_loop3A_239 : i32 to index
        %parallel_loop3A_337 = tpu.vector_load %arg4[%parallel_loop3A_334, %parallel_loop3A_335, %parallel_loop3A_336] {strides = array<i32>} : memref<2x28x1024xf32, #tpu.memory_space<vmem>>, vector<16xf32>,
        %parallel_loop3A_338 = arith.constant 1 : i32
        %parallel_loop3A_339 = arith.constant 16 : i32
        %parallel_loop3A_340 = arith.index_cast %parallel_loop3A_338 : i32 to index
        %parallel_loop3A_341 = arith.index_cast %parallel_loop3A_339 : i32 to index
        %parallel_loop3A_342 = arith.index_cast %parallel_loop3A_239 : i32 to index
        %parallel_loop3A_343 = tpu.vector_load %arg4[%parallel_loop3A_340, %parallel_loop3A_341, %parallel_loop3A_342] {strides = array<i32>} : memref<2x28x1024xf32, #tpu.memory_space<vmem>>, vector<16xf32>,
        %parallel_loop3A_344 = arith.constant 1 : i32
        %parallel_loop3A_345 = arith.constant 17 : i32
        %parallel_loop3A_346 = arith.index_cast %parallel_loop3A_344 : i32 to index
        %parallel_loop3A_347 = arith.index_cast %parallel_loop3A_345 : i32 to index
        %parallel_loop3A_348 = arith.index_cast %parallel_loop3A_239 : i32 to index
        %parallel_loop3A_349 = tpu.vector_load %arg4[%parallel_loop3A_346, %parallel_loop3A_347, %parallel_loop3A_348] {strides = array<i32>} : memref<2x28x1024xf32, #tpu.memory_space<vmem>>, vector<16xf32>,
        %parallel_loop3A_350 = arith.constant 1 : i32
        %parallel_loop3A_351 = arith.constant 18 : i32
        %parallel_loop3A_352 = arith.index_cast %parallel_loop3A_350 : i32 to index
        %parallel_loop3A_353 = arith.index_cast %parallel_loop3A_351 : i32 to index
        %parallel_loop3A_354 = arith.index_cast %parallel_loop3A_239 : i32 to index
        %parallel_loop3A_355 = tpu.vector_load %arg4[%parallel_loop3A_352, %parallel_loop3A_353, %parallel_loop3A_354] {strides = array<i32>} : memref<2x28x1024xf32, #tpu.memory_space<vmem>>, vector<16xf32>,
        %parallel_loop3A_356 = arith.constant 1 : i32
        %parallel_loop3A_357 = arith.constant 19 : i32
        %parallel_loop3A_358 = arith.index_cast %parallel_loop3A_356 : i32 to index
        %parallel_loop3A_359 = arith.index_cast %parallel_loop3A_357 : i32 to index
        %parallel_loop3A_360 = arith.index_cast %parallel_loop3A_239 : i32 to index
        %parallel_loop3A_361 = tpu.vector_load %arg4[%parallel_loop3A_358, %parallel_loop3A_359, %parallel_loop3A_360] {strides = array<i32>} : memref<2x28x1024xf32, #tpu.memory_space<vmem>>, vector<16xf32>,
        %parallel_loop3A_362 = arith.constant 1 : i32
        %parallel_loop3A_363 = arith.constant 20 : i32
        %parallel_loop3A_364 = arith.index_cast %parallel_loop3A_362 : i32 to index
        %parallel_loop3A_365 = arith.index_cast %parallel_loop3A_363 : i32 to index
        %parallel_loop3A_366 = arith.index_cast %parallel_loop3A_239 : i32 to index
        %parallel_loop3A_367 = tpu.vector_load %arg4[%parallel_loop3A_364, %parallel_loop3A_365, %parallel_loop3A_366] {strides = array<i32>} : memref<2x28x1024xf32, #tpu.memory_space<vmem>>, vector<16xf32>,
        %parallel_loop3A_368 = arith.constant 1 : i32
        %parallel_loop3A_369 = arith.constant 21 : i32
        %parallel_loop3A_370 = arith.index_cast %parallel_loop3A_368 : i32 to index
        %parallel_loop3A_371 = arith.index_cast %parallel_loop3A_369 : i32 to index
        %parallel_loop3A_372 = arith.index_cast %parallel_loop3A_239 : i32 to index
        %parallel_loop3A_373 = tpu.vector_load %arg4[%parallel_loop3A_370, %parallel_loop3A_371, %parallel_loop3A_372] {strides = array<i32>} : memref<2x28x1024xf32, #tpu.memory_space<vmem>>, vector<16xf32>,
        %parallel_loop3A_374 = arith.constant 1 : i32
        %parallel_loop3A_375 = arith.constant 22 : i32
        %parallel_loop3A_376 = arith.index_cast %parallel_loop3A_374 : i32 to index
        %parallel_loop3A_377 = arith.index_cast %parallel_loop3A_375 : i32 to index
        %parallel_loop3A_378 = arith.index_cast %parallel_loop3A_239 : i32 to index
        %parallel_loop3A_379 = tpu.vector_load %arg4[%parallel_loop3A_376, %parallel_loop3A_377, %parallel_loop3A_378] {strides = array<i32>} : memref<2x28x1024xf32, #tpu.memory_space<vmem>>, vector<16xf32>,
        %parallel_loop3A_380 = arith.constant 1 : i32
        %parallel_loop3A_381 = arith.constant 23 : i32
        %parallel_loop3A_382 = arith.index_cast %parallel_loop3A_380 : i32 to index
        %parallel_loop3A_383 = arith.index_cast %parallel_loop3A_381 : i32 to index
        %parallel_loop3A_384 = arith.index_cast %parallel_loop3A_239 : i32 to index
        %parallel_loop3A_385 = tpu.vector_load %arg4[%parallel_loop3A_382, %parallel_loop3A_383, %parallel_loop3A_384] {strides = array<i32>} : memref<2x28x1024xf32, #tpu.memory_space<vmem>>, vector<16xf32>,
        %parallel_loop3A_386 = arith.constant 1 : i32
        %parallel_loop3A_387 = arith.constant 24 : i32
        %parallel_loop3A_388 = arith.index_cast %parallel_loop3A_386 : i32 to index
        %parallel_loop3A_389 = arith.index_cast %parallel_loop3A_387 : i32 to index
        %parallel_loop3A_390 = arith.index_cast %parallel_loop3A_239 : i32 to index
        %parallel_loop3A_391 = tpu.vector_load %arg4[%parallel_loop3A_388, %parallel_loop3A_389, %parallel_loop3A_390] {strides = array<i32>} : memref<2x28x1024xf32, #tpu.memory_space<vmem>>, vector<16xf32>,
        %parallel_loop3A_392 = arith.constant 1 : i32
        %parallel_loop3A_393 = arith.constant 25 : i32
        %parallel_loop3A_394 = arith.index_cast %parallel_loop3A_392 : i32 to index
        %parallel_loop3A_395 = arith.index_cast %parallel_loop3A_393 : i32 to index
        %parallel_loop3A_396 = arith.index_cast %parallel_loop3A_239 : i32 to index
        %parallel_loop3A_397 = tpu.vector_load %arg4[%parallel_loop3A_394, %parallel_loop3A_395, %parallel_loop3A_396] {strides = array<i32>} : memref<2x28x1024xf32, #tpu.memory_space<vmem>>, vector<16xf32>,
        %parallel_loop3A_398 = arith.constant 1 : i32
        %parallel_loop3A_399 = arith.constant 26 : i32
        %parallel_loop3A_400 = arith.index_cast %parallel_loop3A_398 : i32 to index
        %parallel_loop3A_401 = arith.index_cast %parallel_loop3A_399 : i32 to index
        %parallel_loop3A_402 = arith.index_cast %parallel_loop3A_239 : i32 to index
        %parallel_loop3A_403 = tpu.vector_load %arg4[%parallel_loop3A_400, %parallel_loop3A_401, %parallel_loop3A_402] {strides = array<i32>} : memref<2x28x1024xf32, #tpu.memory_space<vmem>>, vector<16xf32>,
        %parallel_loop3A_404 = arith.constant 1 : i32
        %parallel_loop3A_405 = arith.constant 27 : i32
        %parallel_loop3A_406 = arith.index_cast %parallel_loop3A_404 : i32 to index
        %parallel_loop3A_407 = arith.index_cast %parallel_loop3A_405 : i32 to index
        %parallel_loop3A_408 = arith.index_cast %parallel_loop3A_239 : i32 to index
        %parallel_loop3A_409 = tpu.vector_load %arg4[%parallel_loop3A_406, %parallel_loop3A_407, %parallel_loop3A_408] {strides = array<i32>} : memref<2x28x1024xf32, #tpu.memory_space<vmem>>, vector<16xf32>,
        %parallel_loop3A_410 = tpu.pack_subelements %parallel_loop3A_247, %parallel_loop3A_253 {pack_format = #tpu.pack_format<interleaved>, positions = array<i32: 0, 1>} : vector<16xf32>, vector<16xf32> -> vector<32xbf16>
        %parallel_loop3A_411 = vector.bitcast %parallel_loop3A_410 : vector<32xbf16> to vector<16xi32>
        %parallel_loop3A_412 = arith.constant 0 : i32
        %parallel_loop3A_413 = vector.broadcast %parallel_loop3A_412 : i32 to vector<16xi32>
        %parallel_loop3A_414 = arith.constant 1 : i32
        %parallel_loop3A_415 = arith.constant 0 : i32
        %parallel_loop3A_416 = arith.constant 0 : i32
        %parallel_loop3A_417 = tpu.memref_slice %arg5[%parallel_loop3A_414, %parallel_loop3A_415, %parallel_loop3A_416] : memref<2x1024x16xi32, #tpu.memory_space<vmem>> -> memref<1x1024x16xi32, #tpu.memory_space<vmem>>
        %parallel_loop3A_418 = tpu.memref_squeeze %parallel_loop3A_417 : memref<1x1024x16xi32, #tpu.memory_space<vmem>> -> memref<1024x16xi32, #tpu.memory_space<vmem>>
        tpu.vector_store_idx %parallel_loop3A_418[%parallel_loop3A_241, %parallel_loop3A_413], %parallel_loop3A_411 : memref<1024x16xi32, #tpu.memory_space<vmem>>[vector<16xi32>, vector<16xi32>], vector<16xi32>,
        %parallel_loop3A_419 = tpu.pack_subelements %parallel_loop3A_259, %parallel_loop3A_265 {pack_format = #tpu.pack_format<interleaved>, positions = array<i32: 0, 1>} : vector<16xf32>, vector<16xf32> -> vector<32xbf16>
        %parallel_loop3A_420 = vector.bitcast %parallel_loop3A_419 : vector<32xbf16> to vector<16xi32>
        %parallel_loop3A_421 = arith.constant 1 : i32
        %parallel_loop3A_422 = vector.broadcast %parallel_loop3A_421 : i32 to vector<16xi32>
        %parallel_loop3A_423 = arith.constant 1 : i32
        %parallel_loop3A_424 = arith.constant 0 : i32
        %parallel_loop3A_425 = arith.constant 0 : i32
        %parallel_loop3A_426 = tpu.memref_slice %arg5[%parallel_loop3A_423, %parallel_loop3A_424, %parallel_loop3A_425] : memref<2x1024x16xi32, #tpu.memory_space<vmem>> -> memref<1x1024x16xi32, #tpu.memory_space<vmem>>
        %parallel_loop3A_427 = tpu.memref_squeeze %parallel_loop3A_426 : memref<1x1024x16xi32, #tpu.memory_space<vmem>> -> memref<1024x16xi32, #tpu.memory_space<vmem>>
        tpu.vector_store_idx %parallel_loop3A_427[%parallel_loop3A_241, %parallel_loop3A_422], %parallel_loop3A_420 : memref<1024x16xi32, #tpu.memory_space<vmem>>[vector<16xi32>, vector<16xi32>], vector<16xi32>,
        %parallel_loop3A_428 = tpu.pack_subelements %parallel_loop3A_271, %parallel_loop3A_277 {pack_format = #tpu.pack_format<interleaved>, positions = array<i32: 0, 1>} : vector<16xf32>, vector<16xf32> -> vector<32xbf16>
        %parallel_loop3A_429 = vector.bitcast %parallel_loop3A_428 : vector<32xbf16> to vector<16xi32>
        %parallel_loop3A_430 = arith.constant 2 : i32
        %parallel_loop3A_431 = vector.broadcast %parallel_loop3A_430 : i32 to vector<16xi32>
        %parallel_loop3A_432 = arith.constant 1 : i32
        %parallel_loop3A_433 = arith.constant 0 : i32
        %parallel_loop3A_434 = arith.constant 0 : i32
        %parallel_loop3A_435 = tpu.memref_slice %arg5[%parallel_loop3A_432, %parallel_loop3A_433, %parallel_loop3A_434] : memref<2x1024x16xi32, #tpu.memory_space<vmem>> -> memref<1x1024x16xi32, #tpu.memory_space<vmem>>
        %parallel_loop3A_436 = tpu.memref_squeeze %parallel_loop3A_435 : memref<1x1024x16xi32, #tpu.memory_space<vmem>> -> memref<1024x16xi32, #tpu.memory_space<vmem>>
        tpu.vector_store_idx %parallel_loop3A_436[%parallel_loop3A_241, %parallel_loop3A_431], %parallel_loop3A_429 : memref<1024x16xi32, #tpu.memory_space<vmem>>[vector<16xi32>, vector<16xi32>], vector<16xi32>,
        %parallel_loop3A_437 = tpu.pack_subelements %parallel_loop3A_283, %parallel_loop3A_289 {pack_format = #tpu.pack_format<interleaved>, positions = array<i32: 0, 1>} : vector<16xf32>, vector<16xf32> -> vector<32xbf16>
        %parallel_loop3A_438 = vector.bitcast %parallel_loop3A_437 : vector<32xbf16> to vector<16xi32>
        %parallel_loop3A_439 = arith.constant 3 : i32
        %parallel_loop3A_440 = vector.broadcast %parallel_loop3A_439 : i32 to vector<16xi32>
        %parallel_loop3A_441 = arith.constant 1 : i32
        %parallel_loop3A_442 = arith.constant 0 : i32
        %parallel_loop3A_443 = arith.constant 0 : i32
        %parallel_loop3A_444 = tpu.memref_slice %arg5[%parallel_loop3A_441, %parallel_loop3A_442, %parallel_loop3A_443] : memref<2x1024x16xi32, #tpu.memory_space<vmem>> -> memref<1x1024x16xi32, #tpu.memory_space<vmem>>
        %parallel_loop3A_445 = tpu.memref_squeeze %parallel_loop3A_444 : memref<1x1024x16xi32, #tpu.memory_space<vmem>> -> memref<1024x16xi32, #tpu.memory_space<vmem>>
        tpu.vector_store_idx %parallel_loop3A_445[%parallel_loop3A_241, %parallel_loop3A_440], %parallel_loop3A_438 : memref<1024x16xi32, #tpu.memory_space<vmem>>[vector<16xi32>, vector<16xi32>], vector<16xi32>,
        %parallel_loop3A_446 = tpu.pack_subelements %parallel_loop3A_295, %parallel_loop3A_301 {pack_format = #tpu.pack_format<interleaved>, positions = array<i32: 0, 1>} : vector<16xf32>, vector<16xf32> -> vector<32xbf16>
        %parallel_loop3A_447 = vector.bitcast %parallel_loop3A_446 : vector<32xbf16> to vector<16xi32>
        %parallel_loop3A_448 = arith.constant 4 : i32
        %parallel_loop3A_449 = vector.broadcast %parallel_loop3A_448 : i32 to vector<16xi32>
        %parallel_loop3A_450 = arith.constant 1 : i32
        %parallel_loop3A_451 = arith.constant 0 : i32
        %parallel_loop3A_452 = arith.constant 0 : i32
        %parallel_loop3A_453 = tpu.memref_slice %arg5[%parallel_loop3A_450, %parallel_loop3A_451, %parallel_loop3A_452] : memref<2x1024x16xi32, #tpu.memory_space<vmem>> -> memref<1x1024x16xi32, #tpu.memory_space<vmem>>
        %parallel_loop3A_454 = tpu.memref_squeeze %parallel_loop3A_453 : memref<1x1024x16xi32, #tpu.memory_space<vmem>> -> memref<1024x16xi32, #tpu.memory_space<vmem>>
        tpu.vector_store_idx %parallel_loop3A_454[%parallel_loop3A_241, %parallel_loop3A_449], %parallel_loop3A_447 : memref<1024x16xi32, #tpu.memory_space<vmem>>[vector<16xi32>, vector<16xi32>], vector<16xi32>,
        %parallel_loop3A_455 = tpu.pack_subelements %parallel_loop3A_307, %parallel_loop3A_313 {pack_format = #tpu.pack_format<interleaved>, positions = array<i32: 0, 1>} : vector<16xf32>, vector<16xf32> -> vector<32xbf16>
        %parallel_loop3A_456 = vector.bitcast %parallel_loop3A_455 : vector<32xbf16> to vector<16xi32>
        %parallel_loop3A_457 = arith.constant 5 : i32
        %parallel_loop3A_458 = vector.broadcast %parallel_loop3A_457 : i32 to vector<16xi32>
        %parallel_loop3A_459 = arith.constant 1 : i32
        %parallel_loop3A_460 = arith.constant 0 : i32
        %parallel_loop3A_461 = arith.constant 0 : i32
        %parallel_loop3A_462 = tpu.memref_slice %arg5[%parallel_loop3A_459, %parallel_loop3A_460, %parallel_loop3A_461] : memref<2x1024x16xi32, #tpu.memory_space<vmem>> -> memref<1x1024x16xi32, #tpu.memory_space<vmem>>
        %parallel_loop3A_463 = tpu.memref_squeeze %parallel_loop3A_462 : memref<1x1024x16xi32, #tpu.memory_space<vmem>> -> memref<1024x16xi32, #tpu.memory_space<vmem>>
        tpu.vector_store_idx %parallel_loop3A_463[%parallel_loop3A_241, %parallel_loop3A_458], %parallel_loop3A_456 : memref<1024x16xi32, #tpu.memory_space<vmem>>[vector<16xi32>, vector<16xi32>], vector<16xi32>,
        %parallel_loop3A_464 = tpu.pack_subelements %parallel_loop3A_319, %parallel_loop3A_325 {pack_format = #tpu.pack_format<interleaved>, positions = array<i32: 0, 1>} : vector<16xf32>, vector<16xf32> -> vector<32xbf16>
        %parallel_loop3A_465 = vector.bitcast %parallel_loop3A_464 : vector<32xbf16> to vector<16xi32>
        %parallel_loop3A_466 = arith.constant 6 : i32
        %parallel_loop3A_467 = vector.broadcast %parallel_loop3A_466 : i32 to vector<16xi32>
        %parallel_loop3A_468 = arith.constant 1 : i32
        %parallel_loop3A_469 = arith.constant 0 : i32
        %parallel_loop3A_470 = arith.constant 0 : i32
        %parallel_loop3A_471 = tpu.memref_slice %arg5[%parallel_loop3A_468, %parallel_loop3A_469, %parallel_loop3A_470] : memref<2x1024x16xi32, #tpu.memory_space<vmem>> -> memref<1x1024x16xi32, #tpu.memory_space<vmem>>
        %parallel_loop3A_472 = tpu.memref_squeeze %parallel_loop3A_471 : memref<1x1024x16xi32, #tpu.memory_space<vmem>> -> memref<1024x16xi32, #tpu.memory_space<vmem>>
        tpu.vector_store_idx %parallel_loop3A_472[%parallel_loop3A_241, %parallel_loop3A_467], %parallel_loop3A_465 : memref<1024x16xi32, #tpu.memory_space<vmem>>[vector<16xi32>, vector<16xi32>], vector<16xi32>,
        %parallel_loop3A_473 = tpu.pack_subelements %parallel_loop3A_331, %parallel_loop3A_337 {pack_format = #tpu.pack_format<interleaved>, positions = array<i32: 0, 1>} : vector<16xf32>, vector<16xf32> -> vector<32xbf16>
        %parallel_loop3A_474 = vector.bitcast %parallel_loop3A_473 : vector<32xbf16> to vector<16xi32>
        %parallel_loop3A_475 = arith.constant 7 : i32
        %parallel_loop3A_476 = vector.broadcast %parallel_loop3A_475 : i32 to vector<16xi32>
        %parallel_loop3A_477 = arith.constant 1 : i32
        %parallel_loop3A_478 = arith.constant 0 : i32
        %parallel_loop3A_479 = arith.constant 0 : i32
        %parallel_loop3A_480 = tpu.memref_slice %arg5[%parallel_loop3A_477, %parallel_loop3A_478, %parallel_loop3A_479] : memref<2x1024x16xi32, #tpu.memory_space<vmem>> -> memref<1x1024x16xi32, #tpu.memory_space<vmem>>
        %parallel_loop3A_481 = tpu.memref_squeeze %parallel_loop3A_480 : memref<1x1024x16xi32, #tpu.memory_space<vmem>> -> memref<1024x16xi32, #tpu.memory_space<vmem>>
        tpu.vector_store_idx %parallel_loop3A_481[%parallel_loop3A_241, %parallel_loop3A_476], %parallel_loop3A_474 : memref<1024x16xi32, #tpu.memory_space<vmem>>[vector<16xi32>, vector<16xi32>], vector<16xi32>,
        %parallel_loop3A_482 = tpu.pack_subelements %parallel_loop3A_343, %parallel_loop3A_349 {pack_format = #tpu.pack_format<interleaved>, positions = array<i32: 0, 1>} : vector<16xf32>, vector<16xf32> -> vector<32xbf16>
        %parallel_loop3A_483 = vector.bitcast %parallel_loop3A_482 : vector<32xbf16> to vector<16xi32>
        %parallel_loop3A_484 = arith.constant 8 : i32
        %parallel_loop3A_485 = vector.broadcast %parallel_loop3A_484 : i32 to vector<16xi32>
        %parallel_loop3A_486 = arith.constant 1 : i32
        %parallel_loop3A_487 = arith.constant 0 : i32
        %parallel_loop3A_488 = arith.constant 0 : i32
        %parallel_loop3A_489 = tpu.memref_slice %arg5[%parallel_loop3A_486, %parallel_loop3A_487, %parallel_loop3A_488] : memref<2x1024x16xi32, #tpu.memory_space<vmem>> -> memref<1x1024x16xi32, #tpu.memory_space<vmem>>
        %parallel_loop3A_490 = tpu.memref_squeeze %parallel_loop3A_489 : memref<1x1024x16xi32, #tpu.memory_space<vmem>> -> memref<1024x16xi32, #tpu.memory_space<vmem>>
        tpu.vector_store_idx %parallel_loop3A_490[%parallel_loop3A_241, %parallel_loop3A_485], %parallel_loop3A_483 : memref<1024x16xi32, #tpu.memory_space<vmem>>[vector<16xi32>, vector<16xi32>], vector<16xi32>,
        %parallel_loop3A_491 = tpu.pack_subelements %parallel_loop3A_355, %parallel_loop3A_361 {pack_format = #tpu.pack_format<interleaved>, positions = array<i32: 0, 1>} : vector<16xf32>, vector<16xf32> -> vector<32xbf16>
        %parallel_loop3A_492 = vector.bitcast %parallel_loop3A_491 : vector<32xbf16> to vector<16xi32>
        %parallel_loop3A_493 = arith.constant 9 : i32
        %parallel_loop3A_494 = vector.broadcast %parallel_loop3A_493 : i32 to vector<16xi32>
        %parallel_loop3A_495 = arith.constant 1 : i32
        %parallel_loop3A_496 = arith.constant 0 : i32
        %parallel_loop3A_497 = arith.constant 0 : i32
        %parallel_loop3A_498 = tpu.memref_slice %arg5[%parallel_loop3A_495, %parallel_loop3A_496, %parallel_loop3A_497] : memref<2x1024x16xi32, #tpu.memory_space<vmem>> -> memref<1x1024x16xi32, #tpu.memory_space<vmem>>
        %parallel_loop3A_499 = tpu.memref_squeeze %parallel_loop3A_498 : memref<1x1024x16xi32, #tpu.memory_space<vmem>> -> memref<1024x16xi32, #tpu.memory_space<vmem>>
        tpu.vector_store_idx %parallel_loop3A_499[%parallel_loop3A_241, %parallel_loop3A_494], %parallel_loop3A_492 : memref<1024x16xi32, #tpu.memory_space<vmem>>[vector<16xi32>, vector<16xi32>], vector<16xi32>,
        %parallel_loop3A_500 = tpu.pack_subelements %parallel_loop3A_367, %parallel_loop3A_373 {pack_format = #tpu.pack_format<interleaved>, positions = array<i32: 0, 1>} : vector<16xf32>, vector<16xf32> -> vector<32xbf16>
        %parallel_loop3A_501 = vector.bitcast %parallel_loop3A_500 : vector<32xbf16> to vector<16xi32>
        %parallel_loop3A_502 = arith.constant 10 : i32
        %parallel_loop3A_503 = vector.broadcast %parallel_loop3A_502 : i32 to vector<16xi32>
        %parallel_loop3A_504 = arith.constant 1 : i32
        %parallel_loop3A_505 = arith.constant 0 : i32
        %parallel_loop3A_506 = arith.constant 0 : i32
        %parallel_loop3A_507 = tpu.memref_slice %arg5[%parallel_loop3A_504, %parallel_loop3A_505, %parallel_loop3A_506] : memref<2x1024x16xi32, #tpu.memory_space<vmem>> -> memref<1x1024x16xi32, #tpu.memory_space<vmem>>
        %parallel_loop3A_508 = tpu.memref_squeeze %parallel_loop3A_507 : memref<1x1024x16xi32, #tpu.memory_space<vmem>> -> memref<1024x16xi32, #tpu.memory_space<vmem>>
        tpu.vector_store_idx %parallel_loop3A_508[%parallel_loop3A_241, %parallel_loop3A_503], %parallel_loop3A_501 : memref<1024x16xi32, #tpu.memory_space<vmem>>[vector<16xi32>, vector<16xi32>], vector<16xi32>,
        %parallel_loop3A_509 = tpu.pack_subelements %parallel_loop3A_379, %parallel_loop3A_385 {pack_format = #tpu.pack_format<interleaved>, positions = array<i32: 0, 1>} : vector<16xf32>, vector<16xf32> -> vector<32xbf16>
        %parallel_loop3A_510 = vector.bitcast %parallel_loop3A_509 : vector<32xbf16> to vector<16xi32>
        %parallel_loop3A_511 = arith.constant 11 : i32
        %parallel_loop3A_512 = vector.broadcast %parallel_loop3A_511 : i32 to vector<16xi32>
        %parallel_loop3A_513 = arith.constant 1 : i32
        %parallel_loop3A_514 = arith.constant 0 : i32
        %parallel_loop3A_515 = arith.constant 0 : i32
        %parallel_loop3A_516 = tpu.memref_slice %arg5[%parallel_loop3A_513, %parallel_loop3A_514, %parallel_loop3A_515] : memref<2x1024x16xi32, #tpu.memory_space<vmem>> -> memref<1x1024x16xi32, #tpu.memory_space<vmem>>
        %parallel_loop3A_517 = tpu.memref_squeeze %parallel_loop3A_516 : memref<1x1024x16xi32, #tpu.memory_space<vmem>> -> memref<1024x16xi32, #tpu.memory_space<vmem>>
        tpu.vector_store_idx %parallel_loop3A_517[%parallel_loop3A_241, %parallel_loop3A_512], %parallel_loop3A_510 : memref<1024x16xi32, #tpu.memory_space<vmem>>[vector<16xi32>, vector<16xi32>], vector<16xi32>,
        %parallel_loop3A_518 = tpu.pack_subelements %parallel_loop3A_391, %parallel_loop3A_397 {pack_format = #tpu.pack_format<interleaved>, positions = array<i32: 0, 1>} : vector<16xf32>, vector<16xf32> -> vector<32xbf16>
        %parallel_loop3A_519 = vector.bitcast %parallel_loop3A_518 : vector<32xbf16> to vector<16xi32>
        %parallel_loop3A_520 = arith.constant 12 : i32
        %parallel_loop3A_521 = vector.broadcast %parallel_loop3A_520 : i32 to vector<16xi32>
        %parallel_loop3A_522 = arith.constant 1 : i32
        %parallel_loop3A_523 = arith.constant 0 : i32
        %parallel_loop3A_524 = arith.constant 0 : i32
        %parallel_loop3A_525 = tpu.memref_slice %arg5[%parallel_loop3A_522, %parallel_loop3A_523, %parallel_loop3A_524] : memref<2x1024x16xi32, #tpu.memory_space<vmem>> -> memref<1x1024x16xi32, #tpu.memory_space<vmem>>
        %parallel_loop3A_526 = tpu.memref_squeeze %parallel_loop3A_525 : memref<1x1024x16xi32, #tpu.memory_space<vmem>> -> memref<1024x16xi32, #tpu.memory_space<vmem>>
        tpu.vector_store_idx %parallel_loop3A_526[%parallel_loop3A_241, %parallel_loop3A_521], %parallel_loop3A_519 : memref<1024x16xi32, #tpu.memory_space<vmem>>[vector<16xi32>, vector<16xi32>], vector<16xi32>,
        %parallel_loop3A_527 = tpu.pack_subelements %parallel_loop3A_403, %parallel_loop3A_409 {pack_format = #tpu.pack_format<interleaved>, positions = array<i32: 0, 1>} : vector<16xf32>, vector<16xf32> -> vector<32xbf16>
        %parallel_loop3A_528 = vector.bitcast %parallel_loop3A_527 : vector<32xbf16> to vector<16xi32>
        %parallel_loop3A_529 = arith.constant 13 : i32
        %parallel_loop3A_530 = vector.broadcast %parallel_loop3A_529 : i32 to vector<16xi32>
        %parallel_loop3A_531 = arith.constant 1 : i32
        %parallel_loop3A_532 = arith.constant 0 : i32
        %parallel_loop3A_533 = arith.constant 0 : i32
        %parallel_loop3A_534 = tpu.memref_slice %arg5[%parallel_loop3A_531, %parallel_loop3A_532, %parallel_loop3A_533] : memref<2x1024x16xi32, #tpu.memory_space<vmem>> -> memref<1x1024x16xi32, #tpu.memory_space<vmem>>
        %parallel_loop3A_535 = tpu.memref_squeeze %parallel_loop3A_534 : memref<1x1024x16xi32, #tpu.memory_space<vmem>> -> memref<1024x16xi32, #tpu.memory_space<vmem>>
        tpu.vector_store_idx %parallel_loop3A_535[%parallel_loop3A_241, %parallel_loop3A_530], %parallel_loop3A_528 : memref<1024x16xi32, #tpu.memory_space<vmem>>[vector<16xi32>, vector<16xi32>], vector<16xi32>,
      } {sc.loop_unroll_factor = 2 : i64, sc.parallel_access}
      %mul3A_218 = arith.constant 65536 : i32
      %mul3A_219 = arith.muli %add3A, %mul3A_218 : i32
      %mul3A_220 = arith.constant 1024 : i32
      %mul3A_221 = arith.muli %add3A_157, %mul3A_220 : i32
      %add3A_222 = arith.addi %mul3A_219, %mul3A_221 : i32
      %dma_start3A_223 = arith.constant 1 : i32
      %dma_start3A_224 = arith.constant 0 : i32
      %dma_start3A_225 = arith.constant 0 : i32
      %dma_start3A_226 = tpu.memref_slice %arg5[%dma_start3A_223, %dma_start3A_224, %dma_start3A_225] : memref<2x1024x16xi32, #tpu.memory_space<vmem>> -> memref<1x1024x16xi32, #tpu.memory_space<vmem>>
      %dma_start3A_227 = tpu.memref_squeeze %dma_start3A_226 : memref<1x1024x16xi32, #tpu.memory_space<vmem>> -> memref<1024x16xi32, #tpu.memory_space<vmem>>
      %dma_start3A_228 = arith.constant 0 : i32
      %dma_start3A_229 = tpu.memref_slice %arg3[%add3A_222, %dma_start3A_228] : memref<2097152x16xi32, #tpu.memory_space<hbm>> -> memref<1024x16xi32, #tpu.memory_space<hbm>>
      %dma_start3A_230 = arith.constant 0 : i32
      %dma_start3A_231 = tpu.memref_slice %arg3[%add3A_222, %dma_start3A_230] : memref<2097152x16xi32, #tpu.memory_space<hbm>> -> memref<1024x16xi32, #tpu.memory_space<hbm>>
      %dma_start3A_232 = arith.constant 0 : i32
      %dma_start3A_233 = arith.constant 0 : i32
      %dma_start3A_234 = tpu.memref_slice %arg5[%dma_start3A_223, %dma_start3A_232, %dma_start3A_233] : memref<2x1024x16xi32, #tpu.memory_space<vmem>> -> memref<1x1024x16xi32, #tpu.memory_space<vmem>>
      %dma_start3A_235 = tpu.memref_squeeze %dma_start3A_234 : memref<1x1024x16xi32, #tpu.memory_space<vmem>> -> memref<1024x16xi32, #tpu.memory_space<vmem>>
      tpu.enqueue_dma source(%dma_start3A_235 : memref<1024x16xi32, #tpu.memory_space<vmem>>) target(%dma_start3A_231 : memref<1024x16xi32, #tpu.memory_space<hbm>>) target_semaphore(%arg7 : memref<!tpu.dma_semaphore, #tpu.memory_space<semaphore_mem>>)
      %scan3A_236 = arith.constant 0 : i32
      scf.yield %scan3A_236 : i32
    }
    %scan3A_41 = arith.constant 32 : i32
    %mul3A_42 = arith.constant 65536 : i32
    %mul3A_43 = arith.muli %add3A, %mul3A_42 : i32
    %add3A_44 = arith.constant 63488 : i32
    %add3A_45 = arith.addi %mul3A_43, %add3A_44 : i32
    %dma_wait3A = arith.constant 0 : i32
    %dma_wait3A_46 = arith.constant 0 : i32
    %dma_wait3A_47 = arith.constant 0 : i32
    %dma_wait3A_48 = tpu.memref_slice %arg5[%dma_wait3A, %dma_wait3A_46, %dma_wait3A_47] : memref<2x1024x16xi32, #tpu.memory_space<vmem>> -> memref<1x1024x16xi32, #tpu.memory_space<vmem>>
    %dma_wait3A_49 = tpu.memref_squeeze %dma_wait3A_48 : memref<1x1024x16xi32, #tpu.memory_space<vmem>> -> memref<1024x16xi32, #tpu.memory_space<vmem>>
    %dma_wait3A_50 = arith.constant 0 : i32
    %dma_wait3A_51 = tpu.memref_slice %arg3[%add3A_45, %dma_wait3A_50] : memref<2097152x16xi32, #tpu.memory_space<hbm>> -> memref<1024x16xi32, #tpu.memory_space<hbm>>
    %dma_wait3A_52 = arith.constant 0 : i32
    %dma_wait3A_53 = tpu.memref_slice %arg3[%add3A_45, %dma_wait3A_52] : memref<2097152x16xi32, #tpu.memory_space<hbm>> -> memref<1024x16xi32, #tpu.memory_space<hbm>>
    %dma_wait3A_54 = arith.constant 0 : i32
    %dma_wait3A_55 = arith.constant 0 : i32
    %dma_wait3A_56 = tpu.memref_slice %arg5[%dma_wait3A, %dma_wait3A_54, %dma_wait3A_55] : memref<2x1024x16xi32, #tpu.memory_space<vmem>> -> memref<1x1024x16xi32, #tpu.memory_space<vmem>>
    %dma_wait3A_57 = tpu.memref_squeeze %dma_wait3A_56 : memref<1x1024x16xi32, #tpu.memory_space<vmem>> -> memref<1024x16xi32, #tpu.memory_space<vmem>>
    tpu.wait_dma2 semaphore(%arg7 : memref<!tpu.dma_semaphore, #tpu.memory_space<semaphore_mem>>) src(%dma_wait3A_57 : memref<1024x16xi32, #tpu.memory_space<vmem>>) dst(%dma_wait3A_53 : memref<1024x16xi32, #tpu.memory_space<hbm>>)
    %mul3A_58 = arith.constant 65536 : i32
    %mul3A_59 = arith.muli %add3A, %mul3A_58 : i32
    %add3A_60 = arith.constant 64512 : i32
    %add3A_61 = arith.addi %mul3A_59, %add3A_60 : i32
    %dma_wait3A_62 = arith.constant 1 : i32
    %dma_wait3A_63 = arith.constant 0 : i32
    %dma_wait3A_64 = arith.constant 0 : i32
    %dma_wait3A_65 = tpu.memref_slice %arg5[%dma_wait3A_62, %dma_wait3A_63, %dma_wait3A_64] : memref<2x1024x16xi32, #tpu.memory_space<vmem>> -> memref<1x1024x16xi32, #tpu.memory_space<vmem>>
    %dma_wait3A_66 = tpu.memref_squeeze %dma_wait3A_65 : memref<1x1024x16xi32, #tpu.memory_space<vmem>> -> memref<1024x16xi32, #tpu.memory_space<vmem>>
    %dma_wait3A_67 = arith.constant 0 : i32
    %dma_wait3A_68 = tpu.memref_slice %arg3[%add3A_61, %dma_wait3A_67] : memref<2097152x16xi32, #tpu.memory_space<hbm>> -> memref<1024x16xi32, #tpu.memory_space<hbm>>
    %dma_wait3A_69 = arith.constant 0 : i32
    %dma_wait3A_70 = tpu.memref_slice %arg3[%add3A_61, %dma_wait3A_69] : memref<2097152x16xi32, #tpu.memory_space<hbm>> -> memref<1024x16xi32, #tpu.memory_space<hbm>>
    %dma_wait3A_71 = arith.constant 0 : i32
    %dma_wait3A_72 = arith.constant 0 : i32
    %dma_wait3A_73 = tpu.memref_slice %arg5[%dma_wait3A_62, %dma_wait3A_71, %dma_wait3A_72] : memref<2x1024x16xi32, #tpu.memory_space<vmem>> -> memref<1x1024x16xi32, #tpu.memory_space<vmem>>
    %dma_wait3A_74 = tpu.memref_squeeze %dma_wait3A_73 : memref<1x1024x16xi32, #tpu.memory_space<vmem>> -> memref<1024x16xi32, #tpu.memory_space<vmem>>
    tpu.wait_dma2 semaphore(%arg7 : memref<!tpu.dma_semaphore, #tpu.memory_space<semaphore_mem>>) src(%dma_wait3A_74 : memref<1024x16xi32, #tpu.memory_space<vmem>>) dst(%dma_wait3A_70 : memref<1024x16xi32, #tpu.memory_space<hbm>>)
    return
  }
}

#map = affine_map<(d0, d1) -> (0)>
#map1 = affine_map<(d0, d1) -> (0, 0)>
module attributes {stable_mosaic.version = 14 : i64} {
  func.func @_shade_body(%arg0: i32, %arg1: i32, %arg2: memref<1048576xf32, #tpu.memory_space<hbm>>, %arg3: memref<1048576xf32, #tpu.memory_space<hbm>>, %arg4: memref<1048576xf32, #tpu.memory_space<hbm>>, %arg5: memref<1048576xf32, #tpu.memory_space<hbm>>, %arg6: memref<1048576xf32, #tpu.memory_space<hbm>>, %arg7: memref<1048576xf32, #tpu.memory_space<hbm>>, %arg8: memref<2097152x16xi32, #tpu.memory_space<hbm>>, %arg9: memref<1048576xf32, #tpu.memory_space<hbm>>, %arg10: memref<1048576xf32, #tpu.memory_space<hbm>>, %arg11: memref<1048576xf32, #tpu.memory_space<hbm>>, %arg12: memref<1048576xf32, #tpu.memory_space<hbm>>, %arg13: memref<6x1024xf32, #tpu.memory_space<vmem>>, %arg14: memref<8x128xi32, #tpu.memory_space<vmem>>, %arg15: memref<1024xf32, #tpu.memory_space<vmem>>, %arg16: memref<1024x16xi32, #tpu.memory_space<vmem>>, %arg17: memref<4x1024xf32, #tpu.memory_space<vmem>>, %arg18: memref<!tpu.dma_semaphore, #tpu.memory_space<semaphore_mem>>, %arg19: memref<!tpu.dma_semaphore, #tpu.memory_space<semaphore_mem>>) attributes {dimension_semantics = [#tpu.dimension_semantics<core_parallel>, #tpu.dimension_semantics<subcore_parallel>], iteration_bounds = array<i64: 2, 16>, scalar_prefetch = 0 : i64, scratch_operands = 7 : i64, tpu.core_type = #tpu.core_type<sc_vector_subcore>, window_params = [{transform_indices = #map}, {transform_indices = #map}, {transform_indices = #map}, {transform_indices = #map}, {transform_indices = #map}, {transform_indices = #map}, {transform_indices = #map1}, {transform_indices = #map}, {transform_indices = #map}, {transform_indices = #map}, {transform_indices = #map}]} {
    %mul3A = arith.constant 2 : i32
    %mul3A_0 = arith.muli %arg1, %mul3A : i32
    %add3A = arith.addi %mul3A_0, %arg0 : i32
    %scan3A = arith.constant 0 : i32
    %scan3A_1 = arith.constant 0 : i32
    %scan3A_2 = arith.constant 32 : i32
    %scan3A_3 = arith.addi %scan3A_1, %scan3A_2 : i32
    %scan3A_4 = arith.constant 1 : i32
    %scan3A_5 = scf.for %scan3A_7 = %scan3A_1 to %scan3A_3 step %scan3A_4 iter_args(%scan3A_8 = %scan3A) -> (i32)  : i32 {
      %mul3A_9 = arith.constant 32768 : i32
      %mul3A_10 = arith.muli %add3A, %mul3A_9 : i32
      %mul3A_11 = arith.constant 1024 : i32
      %mul3A_12 = arith.muli %scan3A_7, %mul3A_11 : i32
      %add3A_13 = arith.addi %mul3A_10, %mul3A_12 : i32
      %dma_start3A = arith.constant 0 : i32
      %dma_start3A_14 = arith.constant 0 : i32
      %dma_start3A_15 = tpu.memref_slice %arg13[%dma_start3A, %dma_start3A_14] : memref<6x1024xf32, #tpu.memory_space<vmem>> -> memref<1x1024xf32, #tpu.memory_space<vmem>>
      %dma_start3A_16 = tpu.memref_squeeze %dma_start3A_15 : memref<1x1024xf32, #tpu.memory_space<vmem>> -> memref<1024xf32, #tpu.memory_space<vmem>>
      %dma_start3A_17 = tpu.memref_slice %arg2[%add3A_13] : memref<1048576xf32, #tpu.memory_space<hbm>> -> memref<1024xf32, #tpu.memory_space<hbm>>
      %dma_start3A_18 = arith.constant 0 : i32
      %dma_start3A_19 = tpu.memref_slice %arg13[%dma_start3A, %dma_start3A_18] : memref<6x1024xf32, #tpu.memory_space<vmem>> -> memref<1x1024xf32, #tpu.memory_space<vmem>>
      %dma_start3A_20 = tpu.memref_squeeze %dma_start3A_19 : memref<1x1024xf32, #tpu.memory_space<vmem>> -> memref<1024xf32, #tpu.memory_space<vmem>>
      %dma_start3A_21 = tpu.memref_slice %arg2[%add3A_13] : memref<1048576xf32, #tpu.memory_space<hbm>> -> memref<1024xf32, #tpu.memory_space<hbm>>
      tpu.enqueue_dma source(%dma_start3A_21 : memref<1024xf32, #tpu.memory_space<hbm>>) target(%dma_start3A_20 : memref<1024xf32, #tpu.memory_space<vmem>>) target_semaphore(%arg18 : memref<!tpu.dma_semaphore, #tpu.memory_space<semaphore_mem>>)
      %dma_start3A_22 = arith.constant 1 : i32
      %dma_start3A_23 = arith.constant 0 : i32
      %dma_start3A_24 = tpu.memref_slice %arg13[%dma_start3A_22, %dma_start3A_23] : memref<6x1024xf32, #tpu.memory_space<vmem>> -> memref<1x1024xf32, #tpu.memory_space<vmem>>
      %dma_start3A_25 = tpu.memref_squeeze %dma_start3A_24 : memref<1x1024xf32, #tpu.memory_space<vmem>> -> memref<1024xf32, #tpu.memory_space<vmem>>
      %dma_start3A_26 = tpu.memref_slice %arg3[%add3A_13] : memref<1048576xf32, #tpu.memory_space<hbm>> -> memref<1024xf32, #tpu.memory_space<hbm>>
      %dma_start3A_27 = arith.constant 0 : i32
      %dma_start3A_28 = tpu.memref_slice %arg13[%dma_start3A_22, %dma_start3A_27] : memref<6x1024xf32, #tpu.memory_space<vmem>> -> memref<1x1024xf32, #tpu.memory_space<vmem>>
      %dma_start3A_29 = tpu.memref_squeeze %dma_start3A_28 : memref<1x1024xf32, #tpu.memory_space<vmem>> -> memref<1024xf32, #tpu.memory_space<vmem>>
      %dma_start3A_30 = tpu.memref_slice %arg3[%add3A_13] : memref<1048576xf32, #tpu.memory_space<hbm>> -> memref<1024xf32, #tpu.memory_space<hbm>>
      tpu.enqueue_dma source(%dma_start3A_30 : memref<1024xf32, #tpu.memory_space<hbm>>) target(%dma_start3A_29 : memref<1024xf32, #tpu.memory_space<vmem>>) target_semaphore(%arg18 : memref<!tpu.dma_semaphore, #tpu.memory_space<semaphore_mem>>)
      %dma_start3A_31 = arith.constant 2 : i32
      %dma_start3A_32 = arith.constant 0 : i32
      %dma_start3A_33 = tpu.memref_slice %arg13[%dma_start3A_31, %dma_start3A_32] : memref<6x1024xf32, #tpu.memory_space<vmem>> -> memref<1x1024xf32, #tpu.memory_space<vmem>>
      %dma_start3A_34 = tpu.memref_squeeze %dma_start3A_33 : memref<1x1024xf32, #tpu.memory_space<vmem>> -> memref<1024xf32, #tpu.memory_space<vmem>>
      %dma_start3A_35 = tpu.memref_slice %arg4[%add3A_13] : memref<1048576xf32, #tpu.memory_space<hbm>> -> memref<1024xf32, #tpu.memory_space<hbm>>
      %dma_start3A_36 = arith.constant 0 : i32
      %dma_start3A_37 = tpu.memref_slice %arg13[%dma_start3A_31, %dma_start3A_36] : memref<6x1024xf32, #tpu.memory_space<vmem>> -> memref<1x1024xf32, #tpu.memory_space<vmem>>
      %dma_start3A_38 = tpu.memref_squeeze %dma_start3A_37 : memref<1x1024xf32, #tpu.memory_space<vmem>> -> memref<1024xf32, #tpu.memory_space<vmem>>
      %dma_start3A_39 = tpu.memref_slice %arg4[%add3A_13] : memref<1048576xf32, #tpu.memory_space<hbm>> -> memref<1024xf32, #tpu.memory_space<hbm>>
      tpu.enqueue_dma source(%dma_start3A_39 : memref<1024xf32, #tpu.memory_space<hbm>>) target(%dma_start3A_38 : memref<1024xf32, #tpu.memory_space<vmem>>) target_semaphore(%arg18 : memref<!tpu.dma_semaphore, #tpu.memory_space<semaphore_mem>>)
      %dma_start3A_40 = arith.constant 3 : i32
      %dma_start3A_41 = arith.constant 0 : i32
      %dma_start3A_42 = tpu.memref_slice %arg13[%dma_start3A_40, %dma_start3A_41] : memref<6x1024xf32, #tpu.memory_space<vmem>> -> memref<1x1024xf32, #tpu.memory_space<vmem>>
      %dma_start3A_43 = tpu.memref_squeeze %dma_start3A_42 : memref<1x1024xf32, #tpu.memory_space<vmem>> -> memref<1024xf32, #tpu.memory_space<vmem>>
      %dma_start3A_44 = tpu.memref_slice %arg5[%add3A_13] : memref<1048576xf32, #tpu.memory_space<hbm>> -> memref<1024xf32, #tpu.memory_space<hbm>>
      %dma_start3A_45 = arith.constant 0 : i32
      %dma_start3A_46 = tpu.memref_slice %arg13[%dma_start3A_40, %dma_start3A_45] : memref<6x1024xf32, #tpu.memory_space<vmem>> -> memref<1x1024xf32, #tpu.memory_space<vmem>>
      %dma_start3A_47 = tpu.memref_squeeze %dma_start3A_46 : memref<1x1024xf32, #tpu.memory_space<vmem>> -> memref<1024xf32, #tpu.memory_space<vmem>>
      %dma_start3A_48 = tpu.memref_slice %arg5[%add3A_13] : memref<1048576xf32, #tpu.memory_space<hbm>> -> memref<1024xf32, #tpu.memory_space<hbm>>
      tpu.enqueue_dma source(%dma_start3A_48 : memref<1024xf32, #tpu.memory_space<hbm>>) target(%dma_start3A_47 : memref<1024xf32, #tpu.memory_space<vmem>>) target_semaphore(%arg18 : memref<!tpu.dma_semaphore, #tpu.memory_space<semaphore_mem>>)
      %dma_start3A_49 = arith.constant 4 : i32
      %dma_start3A_50 = arith.constant 0 : i32
      %dma_start3A_51 = tpu.memref_slice %arg13[%dma_start3A_49, %dma_start3A_50] : memref<6x1024xf32, #tpu.memory_space<vmem>> -> memref<1x1024xf32, #tpu.memory_space<vmem>>
      %dma_start3A_52 = tpu.memref_squeeze %dma_start3A_51 : memref<1x1024xf32, #tpu.memory_space<vmem>> -> memref<1024xf32, #tpu.memory_space<vmem>>
      %dma_start3A_53 = tpu.memref_slice %arg6[%add3A_13] : memref<1048576xf32, #tpu.memory_space<hbm>> -> memref<1024xf32, #tpu.memory_space<hbm>>
      %dma_start3A_54 = arith.constant 0 : i32
      %dma_start3A_55 = tpu.memref_slice %arg13[%dma_start3A_49, %dma_start3A_54] : memref<6x1024xf32, #tpu.memory_space<vmem>> -> memref<1x1024xf32, #tpu.memory_space<vmem>>
      %dma_start3A_56 = tpu.memref_squeeze %dma_start3A_55 : memref<1x1024xf32, #tpu.memory_space<vmem>> -> memref<1024xf32, #tpu.memory_space<vmem>>
      %dma_start3A_57 = tpu.memref_slice %arg6[%add3A_13] : memref<1048576xf32, #tpu.memory_space<hbm>> -> memref<1024xf32, #tpu.memory_space<hbm>>
      tpu.enqueue_dma source(%dma_start3A_57 : memref<1024xf32, #tpu.memory_space<hbm>>) target(%dma_start3A_56 : memref<1024xf32, #tpu.memory_space<vmem>>) target_semaphore(%arg18 : memref<!tpu.dma_semaphore, #tpu.memory_space<semaphore_mem>>)
      %dma_start3A_58 = arith.constant 5 : i32
      %dma_start3A_59 = arith.constant 0 : i32
      %dma_start3A_60 = tpu.memref_slice %arg13[%dma_start3A_58, %dma_start3A_59] : memref<6x1024xf32, #tpu.memory_space<vmem>> -> memref<1x1024xf32, #tpu.memory_space<vmem>>
      %dma_start3A_61 = tpu.memref_squeeze %dma_start3A_60 : memref<1x1024xf32, #tpu.memory_space<vmem>> -> memref<1024xf32, #tpu.memory_space<vmem>>
      %dma_start3A_62 = tpu.memref_slice %arg7[%add3A_13] : memref<1048576xf32, #tpu.memory_space<hbm>> -> memref<1024xf32, #tpu.memory_space<hbm>>
      %dma_start3A_63 = arith.constant 0 : i32
      %dma_start3A_64 = tpu.memref_slice %arg13[%dma_start3A_58, %dma_start3A_63] : memref<6x1024xf32, #tpu.memory_space<vmem>> -> memref<1x1024xf32, #tpu.memory_space<vmem>>
      %dma_start3A_65 = tpu.memref_squeeze %dma_start3A_64 : memref<1x1024xf32, #tpu.memory_space<vmem>> -> memref<1024xf32, #tpu.memory_space<vmem>>
      %dma_start3A_66 = tpu.memref_slice %arg7[%add3A_13] : memref<1048576xf32, #tpu.memory_space<hbm>> -> memref<1024xf32, #tpu.memory_space<hbm>>
      tpu.enqueue_dma source(%dma_start3A_66 : memref<1024xf32, #tpu.memory_space<hbm>>) target(%dma_start3A_65 : memref<1024xf32, #tpu.memory_space<vmem>>) target_semaphore(%arg18 : memref<!tpu.dma_semaphore, #tpu.memory_space<semaphore_mem>>)
      %dma_wait3A = arith.constant 0 : i32
      %dma_wait3A_67 = arith.constant 0 : i32
      %dma_wait3A_68 = tpu.memref_slice %arg13[%dma_wait3A, %dma_wait3A_67] : memref<6x1024xf32, #tpu.memory_space<vmem>> -> memref<1x1024xf32, #tpu.memory_space<vmem>>
      %dma_wait3A_69 = tpu.memref_squeeze %dma_wait3A_68 : memref<1x1024xf32, #tpu.memory_space<vmem>> -> memref<1024xf32, #tpu.memory_space<vmem>>
      %dma_wait3A_70 = tpu.memref_slice %arg2[%add3A_13] : memref<1048576xf32, #tpu.memory_space<hbm>> -> memref<1024xf32, #tpu.memory_space<hbm>>
      %dma_wait3A_71 = arith.constant 0 : i32
      %dma_wait3A_72 = tpu.memref_slice %arg13[%dma_wait3A, %dma_wait3A_71] : memref<6x1024xf32, #tpu.memory_space<vmem>> -> memref<1x1024xf32, #tpu.memory_space<vmem>>
      %dma_wait3A_73 = tpu.memref_squeeze %dma_wait3A_72 : memref<1x1024xf32, #tpu.memory_space<vmem>> -> memref<1024xf32, #tpu.memory_space<vmem>>
      %dma_wait3A_74 = tpu.memref_slice %arg2[%add3A_13] : memref<1048576xf32, #tpu.memory_space<hbm>> -> memref<1024xf32, #tpu.memory_space<hbm>>
      tpu.wait_dma2 semaphore(%arg18 : memref<!tpu.dma_semaphore, #tpu.memory_space<semaphore_mem>>) src(%dma_wait3A_74 : memref<1024xf32, #tpu.memory_space<hbm>>) dst(%dma_wait3A_73 : memref<1024xf32, #tpu.memory_space<vmem>>)
      %dma_wait3A_75 = arith.constant 1 : i32
      %dma_wait3A_76 = arith.constant 0 : i32
      %dma_wait3A_77 = tpu.memref_slice %arg13[%dma_wait3A_75, %dma_wait3A_76] : memref<6x1024xf32, #tpu.memory_space<vmem>> -> memref<1x1024xf32, #tpu.memory_space<vmem>>
      %dma_wait3A_78 = tpu.memref_squeeze %dma_wait3A_77 : memref<1x1024xf32, #tpu.memory_space<vmem>> -> memref<1024xf32, #tpu.memory_space<vmem>>
      %dma_wait3A_79 = tpu.memref_slice %arg3[%add3A_13] : memref<1048576xf32, #tpu.memory_space<hbm>> -> memref<1024xf32, #tpu.memory_space<hbm>>
      %dma_wait3A_80 = arith.constant 0 : i32
      %dma_wait3A_81 = tpu.memref_slice %arg13[%dma_wait3A_75, %dma_wait3A_80] : memref<6x1024xf32, #tpu.memory_space<vmem>> -> memref<1x1024xf32, #tpu.memory_space<vmem>>
      %dma_wait3A_82 = tpu.memref_squeeze %dma_wait3A_81 : memref<1x1024xf32, #tpu.memory_space<vmem>> -> memref<1024xf32, #tpu.memory_space<vmem>>
      %dma_wait3A_83 = tpu.memref_slice %arg3[%add3A_13] : memref<1048576xf32, #tpu.memory_space<hbm>> -> memref<1024xf32, #tpu.memory_space<hbm>>
      tpu.wait_dma2 semaphore(%arg18 : memref<!tpu.dma_semaphore, #tpu.memory_space<semaphore_mem>>) src(%dma_wait3A_83 : memref<1024xf32, #tpu.memory_space<hbm>>) dst(%dma_wait3A_82 : memref<1024xf32, #tpu.memory_space<vmem>>)
      %dma_wait3A_84 = arith.constant 2 : i32
      %dma_wait3A_85 = arith.constant 0 : i32
      %dma_wait3A_86 = tpu.memref_slice %arg13[%dma_wait3A_84, %dma_wait3A_85] : memref<6x1024xf32, #tpu.memory_space<vmem>> -> memref<1x1024xf32, #tpu.memory_space<vmem>>
      %dma_wait3A_87 = tpu.memref_squeeze %dma_wait3A_86 : memref<1x1024xf32, #tpu.memory_space<vmem>> -> memref<1024xf32, #tpu.memory_space<vmem>>
      %dma_wait3A_88 = tpu.memref_slice %arg4[%add3A_13] : memref<1048576xf32, #tpu.memory_space<hbm>> -> memref<1024xf32, #tpu.memory_space<hbm>>
      %dma_wait3A_89 = arith.constant 0 : i32
      %dma_wait3A_90 = tpu.memref_slice %arg13[%dma_wait3A_84, %dma_wait3A_89] : memref<6x1024xf32, #tpu.memory_space<vmem>> -> memref<1x1024xf32, #tpu.memory_space<vmem>>
      %dma_wait3A_91 = tpu.memref_squeeze %dma_wait3A_90 : memref<1x1024xf32, #tpu.memory_space<vmem>> -> memref<1024xf32, #tpu.memory_space<vmem>>
      %dma_wait3A_92 = tpu.memref_slice %arg4[%add3A_13] : memref<1048576xf32, #tpu.memory_space<hbm>> -> memref<1024xf32, #tpu.memory_space<hbm>>
      tpu.wait_dma2 semaphore(%arg18 : memref<!tpu.dma_semaphore, #tpu.memory_space<semaphore_mem>>) src(%dma_wait3A_92 : memref<1024xf32, #tpu.memory_space<hbm>>) dst(%dma_wait3A_91 : memref<1024xf32, #tpu.memory_space<vmem>>)
      %dma_wait3A_93 = arith.constant 3 : i32
      %dma_wait3A_94 = arith.constant 0 : i32
      %dma_wait3A_95 = tpu.memref_slice %arg13[%dma_wait3A_93, %dma_wait3A_94] : memref<6x1024xf32, #tpu.memory_space<vmem>> -> memref<1x1024xf32, #tpu.memory_space<vmem>>
      %dma_wait3A_96 = tpu.memref_squeeze %dma_wait3A_95 : memref<1x1024xf32, #tpu.memory_space<vmem>> -> memref<1024xf32, #tpu.memory_space<vmem>>
      %dma_wait3A_97 = tpu.memref_slice %arg5[%add3A_13] : memref<1048576xf32, #tpu.memory_space<hbm>> -> memref<1024xf32, #tpu.memory_space<hbm>>
      %dma_wait3A_98 = arith.constant 0 : i32
      %dma_wait3A_99 = tpu.memref_slice %arg13[%dma_wait3A_93, %dma_wait3A_98] : memref<6x1024xf32, #tpu.memory_space<vmem>> -> memref<1x1024xf32, #tpu.memory_space<vmem>>
      %dma_wait3A_100 = tpu.memref_squeeze %dma_wait3A_99 : memref<1x1024xf32, #tpu.memory_space<vmem>> -> memref<1024xf32, #tpu.memory_space<vmem>>
      %dma_wait3A_101 = tpu.memref_slice %arg5[%add3A_13] : memref<1048576xf32, #tpu.memory_space<hbm>> -> memref<1024xf32, #tpu.memory_space<hbm>>
      tpu.wait_dma2 semaphore(%arg18 : memref<!tpu.dma_semaphore, #tpu.memory_space<semaphore_mem>>) src(%dma_wait3A_101 : memref<1024xf32, #tpu.memory_space<hbm>>) dst(%dma_wait3A_100 : memref<1024xf32, #tpu.memory_space<vmem>>)
      %dma_wait3A_102 = arith.constant 4 : i32
      %dma_wait3A_103 = arith.constant 0 : i32
      %dma_wait3A_104 = tpu.memref_slice %arg13[%dma_wait3A_102, %dma_wait3A_103] : memref<6x1024xf32, #tpu.memory_space<vmem>> -> memref<1x1024xf32, #tpu.memory_space<vmem>>
      %dma_wait3A_105 = tpu.memref_squeeze %dma_wait3A_104 : memref<1x1024xf32, #tpu.memory_space<vmem>> -> memref<1024xf32, #tpu.memory_space<vmem>>
      %dma_wait3A_106 = tpu.memref_slice %arg6[%add3A_13] : memref<1048576xf32, #tpu.memory_space<hbm>> -> memref<1024xf32, #tpu.memory_space<hbm>>
      %dma_wait3A_107 = arith.constant 0 : i32
      %dma_wait3A_108 = tpu.memref_slice %arg13[%dma_wait3A_102, %dma_wait3A_107] : memref<6x1024xf32, #tpu.memory_space<vmem>> -> memref<1x1024xf32, #tpu.memory_space<vmem>>
      %dma_wait3A_109 = tpu.memref_squeeze %dma_wait3A_108 : memref<1x1024xf32, #tpu.memory_space<vmem>> -> memref<1024xf32, #tpu.memory_space<vmem>>
      %dma_wait3A_110 = tpu.memref_slice %arg6[%add3A_13] : memref<1048576xf32, #tpu.memory_space<hbm>> -> memref<1024xf32, #tpu.memory_space<hbm>>
      tpu.wait_dma2 semaphore(%arg18 : memref<!tpu.dma_semaphore, #tpu.memory_space<semaphore_mem>>) src(%dma_wait3A_110 : memref<1024xf32, #tpu.memory_space<hbm>>) dst(%dma_wait3A_109 : memref<1024xf32, #tpu.memory_space<vmem>>)
      %dma_wait3A_111 = arith.constant 5 : i32
      %dma_wait3A_112 = arith.constant 0 : i32
      %dma_wait3A_113 = tpu.memref_slice %arg13[%dma_wait3A_111, %dma_wait3A_112] : memref<6x1024xf32, #tpu.memory_space<vmem>> -> memref<1x1024xf32, #tpu.memory_space<vmem>>
      %dma_wait3A_114 = tpu.memref_squeeze %dma_wait3A_113 : memref<1x1024xf32, #tpu.memory_space<vmem>> -> memref<1024xf32, #tpu.memory_space<vmem>>
      %dma_wait3A_115 = tpu.memref_slice %arg7[%add3A_13] : memref<1048576xf32, #tpu.memory_space<hbm>> -> memref<1024xf32, #tpu.memory_space<hbm>>
      %dma_wait3A_116 = arith.constant 0 : i32
      %dma_wait3A_117 = tpu.memref_slice %arg13[%dma_wait3A_111, %dma_wait3A_116] : memref<6x1024xf32, #tpu.memory_space<vmem>> -> memref<1x1024xf32, #tpu.memory_space<vmem>>
      %dma_wait3A_118 = tpu.memref_squeeze %dma_wait3A_117 : memref<1x1024xf32, #tpu.memory_space<vmem>> -> memref<1024xf32, #tpu.memory_space<vmem>>
      %dma_wait3A_119 = tpu.memref_slice %arg7[%add3A_13] : memref<1048576xf32, #tpu.memory_space<hbm>> -> memref<1024xf32, #tpu.memory_space<hbm>>
      tpu.wait_dma2 semaphore(%arg18 : memref<!tpu.dma_semaphore, #tpu.memory_space<semaphore_mem>>) src(%dma_wait3A_119 : memref<1024xf32, #tpu.memory_space<hbm>>) dst(%dma_wait3A_118 : memref<1024xf32, #tpu.memory_space<vmem>>)
      %parallel_loop3A = arith.constant 0 : i32
      %parallel_loop3A_120 = arith.constant 64 : i32
      %parallel_loop3A_121 = arith.constant 1 : i32
      scf.for %parallel_loop3A_289 = %parallel_loop3A to %parallel_loop3A_120 step %parallel_loop3A_121  : i32 {
        %parallel_loop3A_290 = arith.constant 16 : i32
        %parallel_loop3A_291 = arith.muli %parallel_loop3A_289, %parallel_loop3A_290 : i32
        %parallel_loop3A_292 = arith.constant 0 : i32
        %parallel_loop3A_293 = arith.index_cast %parallel_loop3A_292 : i32 to index
        %parallel_loop3A_294 = arith.index_cast %parallel_loop3A_291 : i32 to index
        %parallel_loop3A_295 = tpu.vector_load %arg13[%parallel_loop3A_293, %parallel_loop3A_294] {strides = array<i32>} : memref<6x1024xf32, #tpu.memory_space<vmem>>, vector<16xf32>,
        %parallel_loop3A_296 = arith.constant 1 : i32
        %parallel_loop3A_297 = arith.index_cast %parallel_loop3A_296 : i32 to index
        %parallel_loop3A_298 = arith.index_cast %parallel_loop3A_291 : i32 to index
        %parallel_loop3A_299 = tpu.vector_load %arg13[%parallel_loop3A_297, %parallel_loop3A_298] {strides = array<i32>} : memref<6x1024xf32, #tpu.memory_space<vmem>>, vector<16xf32>,
        %parallel_loop3A_300 = arith.constant 2 : i32
        %parallel_loop3A_301 = arith.index_cast %parallel_loop3A_300 : i32 to index
        %parallel_loop3A_302 = arith.index_cast %parallel_loop3A_291 : i32 to index
        %parallel_loop3A_303 = tpu.vector_load %arg13[%parallel_loop3A_301, %parallel_loop3A_302] {strides = array<i32>} : memref<6x1024xf32, #tpu.memory_space<vmem>>, vector<16xf32>,
        %parallel_loop3A_304 = arith.constant 2.343750e-02 : f32
        %parallel_loop3A_305 = vector.broadcast %parallel_loop3A_304 : f32 to vector<16xf32>
        %parallel_loop3A_306 = arith.divf %parallel_loop3A_295, %parallel_loop3A_305 : vector<16xf32>
        %parallel_loop3A_307 = arith.constant 6.400000e+01 : f32
        %parallel_loop3A_308 = vector.broadcast %parallel_loop3A_307 : f32 to vector<16xf32>
        %parallel_loop3A_309 = arith.addf %parallel_loop3A_306, %parallel_loop3A_308 : vector<16xf32>
        %parallel_loop3A_310 = arith.fptosi %parallel_loop3A_309 : vector<16xf32> to vector<16xi32>
        %parallel_loop3A_311 = arith.constant 0 : i32
        %parallel_loop3A_312 = arith.constant 127 : i32
        %parallel_loop3A_313 = vector.broadcast %parallel_loop3A_311 : i32 to vector<16xi32>
        %parallel_loop3A_314 = arith.maxsi %parallel_loop3A_313, %parallel_loop3A_310 : vector<16xi32>
        %parallel_loop3A_315 = vector.broadcast %parallel_loop3A_312 : i32 to vector<16xi32>
        %parallel_loop3A_316 = arith.minsi %parallel_loop3A_315, %parallel_loop3A_314 : vector<16xi32>
        %parallel_loop3A_317 = arith.constant 2.343750e-02 : f32
        %parallel_loop3A_318 = vector.broadcast %parallel_loop3A_317 : f32 to vector<16xf32>
        %parallel_loop3A_319 = arith.divf %parallel_loop3A_299, %parallel_loop3A_318 : vector<16xf32>
        %parallel_loop3A_320 = arith.constant 6.400000e+01 : f32
        %parallel_loop3A_321 = vector.broadcast %parallel_loop3A_320 : f32 to vector<16xf32>
        %parallel_loop3A_322 = arith.addf %parallel_loop3A_319, %parallel_loop3A_321 : vector<16xf32>
        %parallel_loop3A_323 = arith.fptosi %parallel_loop3A_322 : vector<16xf32> to vector<16xi32>
        %parallel_loop3A_324 = arith.constant 0 : i32
        %parallel_loop3A_325 = arith.constant 127 : i32
        %parallel_loop3A_326 = vector.broadcast %parallel_loop3A_324 : i32 to vector<16xi32>
        %parallel_loop3A_327 = arith.maxsi %parallel_loop3A_326, %parallel_loop3A_323 : vector<16xi32>
        %parallel_loop3A_328 = vector.broadcast %parallel_loop3A_325 : i32 to vector<16xi32>
        %parallel_loop3A_329 = arith.minsi %parallel_loop3A_328, %parallel_loop3A_327 : vector<16xi32>
        %parallel_loop3A_330 = arith.constant 2.343750e-02 : f32
        %parallel_loop3A_331 = vector.broadcast %parallel_loop3A_330 : f32 to vector<16xf32>
        %parallel_loop3A_332 = arith.divf %parallel_loop3A_303, %parallel_loop3A_331 : vector<16xf32>
        %parallel_loop3A_333 = arith.constant 6.400000e+01 : f32
        %parallel_loop3A_334 = vector.broadcast %parallel_loop3A_333 : f32 to vector<16xf32>
        %parallel_loop3A_335 = arith.addf %parallel_loop3A_332, %parallel_loop3A_334 : vector<16xf32>
        %parallel_loop3A_336 = arith.fptosi %parallel_loop3A_335 : vector<16xf32> to vector<16xi32>
        %parallel_loop3A_337 = arith.constant 0 : i32
        %parallel_loop3A_338 = arith.constant 127 : i32
        %parallel_loop3A_339 = vector.broadcast %parallel_loop3A_337 : i32 to vector<16xi32>
        %parallel_loop3A_340 = arith.maxsi %parallel_loop3A_339, %parallel_loop3A_336 : vector<16xi32>
        %parallel_loop3A_341 = vector.broadcast %parallel_loop3A_338 : i32 to vector<16xi32>
        %parallel_loop3A_342 = arith.minsi %parallel_loop3A_341, %parallel_loop3A_340 : vector<16xi32>
        %parallel_loop3A_343 = arith.constant 16384 : i32
        %parallel_loop3A_344 = vector.broadcast %parallel_loop3A_343 : i32 to vector<16xi32>
        %parallel_loop3A_345 = arith.muli %parallel_loop3A_316, %parallel_loop3A_344 : vector<16xi32>
        %parallel_loop3A_346 = arith.constant 128 : i32
        %parallel_loop3A_347 = vector.broadcast %parallel_loop3A_346 : i32 to vector<16xi32>
        %parallel_loop3A_348 = arith.muli %parallel_loop3A_329, %parallel_loop3A_347 : vector<16xi32>
        %parallel_loop3A_349 = arith.addi %parallel_loop3A_345, %parallel_loop3A_348 : vector<16xi32>
        %parallel_loop3A_350 = arith.addi %parallel_loop3A_349, %parallel_loop3A_342 : vector<16xi32>
        %parallel_loop3A_351 = math.absf %parallel_loop3A_295 : vector<16xf32>
        %parallel_loop3A_352 = arith.constant 1.500000e+00 : f32
        %parallel_loop3A_353 = vector.broadcast %parallel_loop3A_352 : f32 to vector<16xf32>
        %parallel_loop3A_354 = arith.cmpf olt, %parallel_loop3A_351, %parallel_loop3A_353 : vector<16xf32>
        %parallel_loop3A_355 = math.absf %parallel_loop3A_299 : vector<16xf32>
        %parallel_loop3A_356 = arith.constant 1.500000e+00 : f32
        %parallel_loop3A_357 = vector.broadcast %parallel_loop3A_356 : f32 to vector<16xf32>
        %parallel_loop3A_358 = arith.cmpf olt, %parallel_loop3A_355, %parallel_loop3A_357 : vector<16xf32>
        %parallel_loop3A_359 = arith.andi %parallel_loop3A_354, %parallel_loop3A_358 : vector<16xi1>
        %parallel_loop3A_360 = math.absf %parallel_loop3A_303 : vector<16xf32>
        %parallel_loop3A_361 = arith.constant 1.500000e+00 : f32
        %parallel_loop3A_362 = vector.broadcast %parallel_loop3A_361 : f32 to vector<16xf32>
        %parallel_loop3A_363 = arith.cmpf olt, %parallel_loop3A_360, %parallel_loop3A_362 : vector<16xf32>
        %parallel_loop3A_364 = arith.andi %parallel_loop3A_359, %parallel_loop3A_363 : vector<16xi1>
        %parallel_loop3A_365 = arith.constant 8 : i32
        %parallel_loop3A_366 = arith.divsi %parallel_loop3A_289, %parallel_loop3A_365 : i32
        %parallel_loop3A_367 = arith.constant 0 : i32
        %parallel_loop3A_368 = arith.cmpi sgt, %parallel_loop3A_289, %parallel_loop3A_367 : i32
        %parallel_loop3A_369 = arith.extui %parallel_loop3A_368 : i1 to i32
        %parallel_loop3A_370 = arith.constant 0 : i32
        %parallel_loop3A_371 = arith.cmpi slt, %parallel_loop3A_289, %parallel_loop3A_370 : i32
        %parallel_loop3A_372 = arith.extui %parallel_loop3A_371 : i1 to i32
        %parallel_loop3A_373 = arith.subi %parallel_loop3A_369, %parallel_loop3A_372 : i32
        %parallel_loop3A_374 = arith.constant 0 : i32
        %parallel_loop3A_375 = arith.cmpi sgt, %parallel_loop3A_365, %parallel_loop3A_374 : i32
        %parallel_loop3A_376 = arith.extui %parallel_loop3A_375 : i1 to i32
        %parallel_loop3A_377 = arith.constant 0 : i32
        %parallel_loop3A_378 = arith.cmpi slt, %parallel_loop3A_365, %parallel_loop3A_377 : i32
        %parallel_loop3A_379 = arith.extui %parallel_loop3A_378 : i1 to i32
        %parallel_loop3A_380 = arith.subi %parallel_loop3A_376, %parallel_loop3A_379 : i32
        %parallel_loop3A_381 = arith.cmpi ne, %parallel_loop3A_373, %parallel_loop3A_380 : i32
        %parallel_loop3A_382 = arith.remsi %parallel_loop3A_289, %parallel_loop3A_365 : i32
        %parallel_loop3A_383 = arith.constant 0 : i32
        %parallel_loop3A_384 = arith.cmpi ne, %parallel_loop3A_382, %parallel_loop3A_383 : i32
        %parallel_loop3A_385 = arith.andi %parallel_loop3A_381, %parallel_loop3A_384 : i1
        %parallel_loop3A_386 = arith.constant 1 : i32
        %parallel_loop3A_387 = arith.subi %parallel_loop3A_366, %parallel_loop3A_386 : i32
        %parallel_loop3A_388 = arith.select %parallel_loop3A_385, %parallel_loop3A_387, %parallel_loop3A_366 : i32
        %parallel_loop3A_389 = arith.constant 8 : i32
        %parallel_loop3A_390 = arith.constant 0 : i32
        %parallel_loop3A_391 = arith.cmpi eq, %parallel_loop3A_389, %parallel_loop3A_390 : i32
        %parallel_loop3A_392 = arith.constant 1 : i32
        %parallel_loop3A_393 = arith.select %parallel_loop3A_391, %parallel_loop3A_392, %parallel_loop3A_389 : i32
        %parallel_loop3A_394 = arith.remsi %parallel_loop3A_289, %parallel_loop3A_393 : i32
        %parallel_loop3A_395 = arith.constant 0 : i32
        %parallel_loop3A_396 = arith.cmpi ne, %parallel_loop3A_394, %parallel_loop3A_395 : i32
        %parallel_loop3A_397 = arith.constant 0 : i32
        %parallel_loop3A_398 = arith.cmpi slt, %parallel_loop3A_394, %parallel_loop3A_397 : i32
        %parallel_loop3A_399 = arith.constant 0 : i32
        %parallel_loop3A_400 = arith.cmpi slt, %parallel_loop3A_393, %parallel_loop3A_399 : i32
        %parallel_loop3A_401 = arith.xori %parallel_loop3A_398, %parallel_loop3A_400 : i1
        %parallel_loop3A_402 = arith.andi %parallel_loop3A_401, %parallel_loop3A_396 : i1
        %parallel_loop3A_403 = arith.addi %parallel_loop3A_394, %parallel_loop3A_393 : i32
        %parallel_loop3A_404 = arith.select %parallel_loop3A_402, %parallel_loop3A_403, %parallel_loop3A_394 : i32
        %parallel_loop3A_405 = arith.constant 16 : i32
        %parallel_loop3A_406 = arith.muli %parallel_loop3A_404, %parallel_loop3A_405 : i32
        %parallel_loop3A_407 = arith.index_cast %parallel_loop3A_388 : i32 to index
        %parallel_loop3A_408 = arith.index_cast %parallel_loop3A_406 : i32 to index
        %parallel_loop3A_409 = tpu.vector_load %arg14[%parallel_loop3A_407, %parallel_loop3A_408] {strides = array<i32>} : memref<8x128xi32, #tpu.memory_space<vmem>>, vector<16xi32>,
        tpu.vector_store %arg14[%parallel_loop3A_407, %parallel_loop3A_408], %parallel_loop3A_350 {strides = array<i32>} : memref<8x128xi32, #tpu.memory_space<vmem>>, vector<16xi32>,
        %parallel_loop3A_410 = arith.constant 1.000000e+00 : f32
        %parallel_loop3A_411 = arith.constant 0.000000e+00 : f32
        %parallel_loop3A_412 = vector.broadcast %parallel_loop3A_410 : f32 to vector<16xf32>
        %parallel_loop3A_413 = vector.broadcast %parallel_loop3A_411 : f32 to vector<16xf32>
        %parallel_loop3A_414 = arith.select %parallel_loop3A_364, %parallel_loop3A_412, %parallel_loop3A_413 : vector<16xi1>, vector<16xf32>
        %parallel_loop3A_415 = arith.constant 16 : i32
        %parallel_loop3A_416 = arith.muli %parallel_loop3A_289, %parallel_loop3A_415 : i32
        %parallel_loop3A_417 = arith.index_cast %parallel_loop3A_416 : i32 to index
        %parallel_loop3A_418 = tpu.vector_load %arg15[%parallel_loop3A_417] {strides = array<i32>} : memref<1024xf32, #tpu.memory_space<vmem>>, vector<16xf32>,
        tpu.vector_store %arg15[%parallel_loop3A_417], %parallel_loop3A_414 {strides = array<i32>} : memref<1024xf32, #tpu.memory_space<vmem>>, vector<16xf32>,
      } {sc.loop_unroll_factor = 2 : i64, sc.parallel_access}
      %dma_start3A_122 = arith.constant 0 : i32
      %dma_start3A_123 = arith.constant 0 : i32
      %dma_start3A_124 = arith.constant 0 : i32
      %dma_start3A_125 = tpu.memref_slice %arg16[%dma_start3A_123, %dma_start3A_124] : memref<1024x16xi32, #tpu.memory_space<vmem>> -> memref<128x16xi32, #tpu.memory_space<vmem>>
      %dma_start3A_126 = arith.constant 0 : i32
      %dma_start3A_127 = tpu.memref_slice %arg14[%dma_start3A_122, %dma_start3A_126] : memref<8x128xi32, #tpu.memory_space<vmem>> -> memref<1x128xi32, #tpu.memory_space<vmem>>
      %dma_start3A_128 = tpu.memref_squeeze %dma_start3A_127 : memref<1x128xi32, #tpu.memory_space<vmem>> -> memref<128xi32, #tpu.memory_space<vmem>>
      %dma_start3A_129 = arith.constant 0 : i32
      %dma_start3A_130 = arith.constant 0 : i32
      %dma_start3A_131 = tpu.memref_slice %arg8[%dma_start3A_129, %dma_start3A_130] : memref<2097152x16xi32, #tpu.memory_space<hbm>> -> memref<2097152x16xi32, #tpu.memory_space<hbm>>
      tpu.enqueue_indirect_dma source(%dma_start3A_131 : memref<2097152x16xi32, #tpu.memory_space<hbm>>) target(%dma_start3A_125 : memref<128x16xi32, #tpu.memory_space<vmem>>) offsets(%dma_start3A_128 : memref<128xi32, #tpu.memory_space<vmem>>) semaphore(%arg19 : memref<!tpu.dma_semaphore, #tpu.memory_space<semaphore_mem>>)
      %dma_start3A_132 = arith.constant 1 : i32
      %dma_start3A_133 = arith.constant 128 : i32
      %dma_start3A_134 = arith.constant 0 : i32
      %dma_start3A_135 = tpu.memref_slice %arg16[%dma_start3A_133, %dma_start3A_134] : memref<1024x16xi32, #tpu.memory_space<vmem>> -> memref<128x16xi32, #tpu.memory_space<vmem>>
      %dma_start3A_136 = arith.constant 0 : i32
      %dma_start3A_137 = tpu.memref_slice %arg14[%dma_start3A_132, %dma_start3A_136] : memref<8x128xi32, #tpu.memory_space<vmem>> -> memref<1x128xi32, #tpu.memory_space<vmem>>
      %dma_start3A_138 = tpu.memref_squeeze %dma_start3A_137 : memref<1x128xi32, #tpu.memory_space<vmem>> -> memref<128xi32, #tpu.memory_space<vmem>>
      %dma_start3A_139 = arith.constant 0 : i32
      %dma_start3A_140 = arith.constant 0 : i32
      %dma_start3A_141 = tpu.memref_slice %arg8[%dma_start3A_139, %dma_start3A_140] : memref<2097152x16xi32, #tpu.memory_space<hbm>> -> memref<2097152x16xi32, #tpu.memory_space<hbm>>
      tpu.enqueue_indirect_dma source(%dma_start3A_141 : memref<2097152x16xi32, #tpu.memory_space<hbm>>) target(%dma_start3A_135 : memref<128x16xi32, #tpu.memory_space<vmem>>) offsets(%dma_start3A_138 : memref<128xi32, #tpu.memory_space<vmem>>) semaphore(%arg19 : memref<!tpu.dma_semaphore, #tpu.memory_space<semaphore_mem>>)
      %dma_start3A_142 = arith.constant 2 : i32
      %dma_start3A_143 = arith.constant 256 : i32
      %dma_start3A_144 = arith.constant 0 : i32
      %dma_start3A_145 = tpu.memref_slice %arg16[%dma_start3A_143, %dma_start3A_144] : memref<1024x16xi32, #tpu.memory_space<vmem>> -> memref<128x16xi32, #tpu.memory_space<vmem>>
      %dma_start3A_146 = arith.constant 0 : i32
      %dma_start3A_147 = tpu.memref_slice %arg14[%dma_start3A_142, %dma_start3A_146] : memref<8x128xi32, #tpu.memory_space<vmem>> -> memref<1x128xi32, #tpu.memory_space<vmem>>
      %dma_start3A_148 = tpu.memref_squeeze %dma_start3A_147 : memref<1x128xi32, #tpu.memory_space<vmem>> -> memref<128xi32, #tpu.memory_space<vmem>>
      %dma_start3A_149 = arith.constant 0 : i32
      %dma_start3A_150 = arith.constant 0 : i32
      %dma_start3A_151 = tpu.memref_slice %arg8[%dma_start3A_149, %dma_start3A_150] : memref<2097152x16xi32, #tpu.memory_space<hbm>> -> memref<2097152x16xi32, #tpu.memory_space<hbm>>
      tpu.enqueue_indirect_dma source(%dma_start3A_151 : memref<2097152x16xi32, #tpu.memory_space<hbm>>) target(%dma_start3A_145 : memref<128x16xi32, #tpu.memory_space<vmem>>) offsets(%dma_start3A_148 : memref<128xi32, #tpu.memory_space<vmem>>) semaphore(%arg19 : memref<!tpu.dma_semaphore, #tpu.memory_space<semaphore_mem>>)
      %dma_start3A_152 = arith.constant 3 : i32
      %dma_start3A_153 = arith.constant 384 : i32
      %dma_start3A_154 = arith.constant 0 : i32
      %dma_start3A_155 = tpu.memref_slice %arg16[%dma_start3A_153, %dma_start3A_154] : memref<1024x16xi32, #tpu.memory_space<vmem>> -> memref<128x16xi32, #tpu.memory_space<vmem>>
      %dma_start3A_156 = arith.constant 0 : i32
      %dma_start3A_157 = tpu.memref_slice %arg14[%dma_start3A_152, %dma_start3A_156] : memref<8x128xi32, #tpu.memory_space<vmem>> -> memref<1x128xi32, #tpu.memory_space<vmem>>
      %dma_start3A_158 = tpu.memref_squeeze %dma_start3A_157 : memref<1x128xi32, #tpu.memory_space<vmem>> -> memref<128xi32, #tpu.memory_space<vmem>>
      %dma_start3A_159 = arith.constant 0 : i32
      %dma_start3A_160 = arith.constant 0 : i32
      %dma_start3A_161 = tpu.memref_slice %arg8[%dma_start3A_159, %dma_start3A_160] : memref<2097152x16xi32, #tpu.memory_space<hbm>> -> memref<2097152x16xi32, #tpu.memory_space<hbm>>
      tpu.enqueue_indirect_dma source(%dma_start3A_161 : memref<2097152x16xi32, #tpu.memory_space<hbm>>) target(%dma_start3A_155 : memref<128x16xi32, #tpu.memory_space<vmem>>) offsets(%dma_start3A_158 : memref<128xi32, #tpu.memory_space<vmem>>) semaphore(%arg19 : memref<!tpu.dma_semaphore, #tpu.memory_space<semaphore_mem>>)
      %dma_start3A_162 = arith.constant 4 : i32
      %dma_start3A_163 = arith.constant 512 : i32
      %dma_start3A_164 = arith.constant 0 : i32
      %dma_start3A_165 = tpu.memref_slice %arg16[%dma_start3A_163, %dma_start3A_164] : memref<1024x16xi32, #tpu.memory_space<vmem>> -> memref<128x16xi32, #tpu.memory_space<vmem>>
      %dma_start3A_166 = arith.constant 0 : i32
      %dma_start3A_167 = tpu.memref_slice %arg14[%dma_start3A_162, %dma_start3A_166] : memref<8x128xi32, #tpu.memory_space<vmem>> -> memref<1x128xi32, #tpu.memory_space<vmem>>
      %dma_start3A_168 = tpu.memref_squeeze %dma_start3A_167 : memref<1x128xi32, #tpu.memory_space<vmem>> -> memref<128xi32, #tpu.memory_space<vmem>>
      %dma_start3A_169 = arith.constant 0 : i32
      %dma_start3A_170 = arith.constant 0 : i32
      %dma_start3A_171 = tpu.memref_slice %arg8[%dma_start3A_169, %dma_start3A_170] : memref<2097152x16xi32, #tpu.memory_space<hbm>> -> memref<2097152x16xi32, #tpu.memory_space<hbm>>
      tpu.enqueue_indirect_dma source(%dma_start3A_171 : memref<2097152x16xi32, #tpu.memory_space<hbm>>) target(%dma_start3A_165 : memref<128x16xi32, #tpu.memory_space<vmem>>) offsets(%dma_start3A_168 : memref<128xi32, #tpu.memory_space<vmem>>) semaphore(%arg19 : memref<!tpu.dma_semaphore, #tpu.memory_space<semaphore_mem>>)
      %dma_start3A_172 = arith.constant 5 : i32
      %dma_start3A_173 = arith.constant 640 : i32
      %dma_start3A_174 = arith.constant 0 : i32
      %dma_start3A_175 = tpu.memref_slice %arg16[%dma_start3A_173, %dma_start3A_174] : memref<1024x16xi32, #tpu.memory_space<vmem>> -> memref<128x16xi32, #tpu.memory_space<vmem>>
      %dma_start3A_176 = arith.constant 0 : i32
      %dma_start3A_177 = tpu.memref_slice %arg14[%dma_start3A_172, %dma_start3A_176] : memref<8x128xi32, #tpu.memory_space<vmem>> -> memref<1x128xi32, #tpu.memory_space<vmem>>
      %dma_start3A_178 = tpu.memref_squeeze %dma_start3A_177 : memref<1x128xi32, #tpu.memory_space<vmem>> -> memref<128xi32, #tpu.memory_space<vmem>>
      %dma_start3A_179 = arith.constant 0 : i32
      %dma_start3A_180 = arith.constant 0 : i32
      %dma_start3A_181 = tpu.memref_slice %arg8[%dma_start3A_179, %dma_start3A_180] : memref<2097152x16xi32, #tpu.memory_space<hbm>> -> memref<2097152x16xi32, #tpu.memory_space<hbm>>
      tpu.enqueue_indirect_dma source(%dma_start3A_181 : memref<2097152x16xi32, #tpu.memory_space<hbm>>) target(%dma_start3A_175 : memref<128x16xi32, #tpu.memory_space<vmem>>) offsets(%dma_start3A_178 : memref<128xi32, #tpu.memory_space<vmem>>) semaphore(%arg19 : memref<!tpu.dma_semaphore, #tpu.memory_space<semaphore_mem>>)
      %dma_start3A_182 = arith.constant 6 : i32
      %dma_start3A_183 = arith.constant 768 : i32
      %dma_start3A_184 = arith.constant 0 : i32
      %dma_start3A_185 = tpu.memref_slice %arg16[%dma_start3A_183, %dma_start3A_184] : memref<1024x16xi32, #tpu.memory_space<vmem>> -> memref<128x16xi32, #tpu.memory_space<vmem>>
      %dma_start3A_186 = arith.constant 0 : i32
      %dma_start3A_187 = tpu.memref_slice %arg14[%dma_start3A_182, %dma_start3A_186] : memref<8x128xi32, #tpu.memory_space<vmem>> -> memref<1x128xi32, #tpu.memory_space<vmem>>
      %dma_start3A_188 = tpu.memref_squeeze %dma_start3A_187 : memref<1x128xi32, #tpu.memory_space<vmem>> -> memref<128xi32, #tpu.memory_space<vmem>>
      %dma_start3A_189 = arith.constant 0 : i32
      %dma_start3A_190 = arith.constant 0 : i32
      %dma_start3A_191 = tpu.memref_slice %arg8[%dma_start3A_189, %dma_start3A_190] : memref<2097152x16xi32, #tpu.memory_space<hbm>> -> memref<2097152x16xi32, #tpu.memory_space<hbm>>
      tpu.enqueue_indirect_dma source(%dma_start3A_191 : memref<2097152x16xi32, #tpu.memory_space<hbm>>) target(%dma_start3A_185 : memref<128x16xi32, #tpu.memory_space<vmem>>) offsets(%dma_start3A_188 : memref<128xi32, #tpu.memory_space<vmem>>) semaphore(%arg19 : memref<!tpu.dma_semaphore, #tpu.memory_space<semaphore_mem>>)
      %dma_start3A_192 = arith.constant 7 : i32
      %dma_start3A_193 = arith.constant 896 : i32
      %dma_start3A_194 = arith.constant 0 : i32
      %dma_start3A_195 = tpu.memref_slice %arg16[%dma_start3A_193, %dma_start3A_194] : memref<1024x16xi32, #tpu.memory_space<vmem>> -> memref<128x16xi32, #tpu.memory_space<vmem>>
      %dma_start3A_196 = arith.constant 0 : i32
      %dma_start3A_197 = tpu.memref_slice %arg14[%dma_start3A_192, %dma_start3A_196] : memref<8x128xi32, #tpu.memory_space<vmem>> -> memref<1x128xi32, #tpu.memory_space<vmem>>
      %dma_start3A_198 = tpu.memref_squeeze %dma_start3A_197 : memref<1x128xi32, #tpu.memory_space<vmem>> -> memref<128xi32, #tpu.memory_space<vmem>>
      %dma_start3A_199 = arith.constant 0 : i32
      %dma_start3A_200 = arith.constant 0 : i32
      %dma_start3A_201 = tpu.memref_slice %arg8[%dma_start3A_199, %dma_start3A_200] : memref<2097152x16xi32, #tpu.memory_space<hbm>> -> memref<2097152x16xi32, #tpu.memory_space<hbm>>
      tpu.enqueue_indirect_dma source(%dma_start3A_201 : memref<2097152x16xi32, #tpu.memory_space<hbm>>) target(%dma_start3A_195 : memref<128x16xi32, #tpu.memory_space<vmem>>) offsets(%dma_start3A_198 : memref<128xi32, #tpu.memory_space<vmem>>) semaphore(%arg19 : memref<!tpu.dma_semaphore, #tpu.memory_space<semaphore_mem>>)
      %dma_wait3A_202 = arith.constant 0 : i32
      %dma_wait3A_203 = arith.constant 0 : i32
      %dma_wait3A_204 = arith.constant 0 : i32
      %dma_wait3A_205 = tpu.memref_slice %arg16[%dma_wait3A_203, %dma_wait3A_204] : memref<1024x16xi32, #tpu.memory_space<vmem>> -> memref<128x16xi32, #tpu.memory_space<vmem>>
      %dma_wait3A_206 = arith.constant 0 : i32
      %dma_wait3A_207 = tpu.memref_slice %arg14[%dma_wait3A_202, %dma_wait3A_206] : memref<8x128xi32, #tpu.memory_space<vmem>> -> memref<1x128xi32, #tpu.memory_space<vmem>>
      %dma_wait3A_208 = tpu.memref_squeeze %dma_wait3A_207 : memref<1x128xi32, #tpu.memory_space<vmem>> -> memref<128xi32, #tpu.memory_space<vmem>>
      %dma_wait3A_209 = arith.constant 0 : i32
      %dma_wait3A_210 = arith.constant 0 : i32
      %dma_wait3A_211 = tpu.memref_slice %arg8[%dma_wait3A_209, %dma_wait3A_210] : memref<2097152x16xi32, #tpu.memory_space<hbm>> -> memref<2097152x16xi32, #tpu.memory_space<hbm>>
      tpu.wait_indirect_dma semaphore(%arg19 : memref<!tpu.dma_semaphore, #tpu.memory_space<semaphore_mem>>) src(%dma_wait3A_211 : memref<2097152x16xi32, #tpu.memory_space<hbm>>) dst(%dma_wait3A_205 : memref<128x16xi32, #tpu.memory_space<vmem>>)
      %dma_wait3A_212 = arith.constant 1 : i32
      %dma_wait3A_213 = arith.constant 128 : i32
      %dma_wait3A_214 = arith.constant 0 : i32
      %dma_wait3A_215 = tpu.memref_slice %arg16[%dma_wait3A_213, %dma_wait3A_214] : memref<1024x16xi32, #tpu.memory_space<vmem>> -> memref<128x16xi32, #tpu.memory_space<vmem>>
      %dma_wait3A_216 = arith.constant 0 : i32
      %dma_wait3A_217 = tpu.memref_slice %arg14[%dma_wait3A_212, %dma_wait3A_216] : memref<8x128xi32, #tpu.memory_space<vmem>> -> memref<1x128xi32, #tpu.memory_space<vmem>>
      %dma_wait3A_218 = tpu.memref_squeeze %dma_wait3A_217 : memref<1x128xi32, #tpu.memory_space<vmem>> -> memref<128xi32, #tpu.memory_space<vmem>>
      %dma_wait3A_219 = arith.constant 0 : i32
      %dma_wait3A_220 = arith.constant 0 : i32
      %dma_wait3A_221 = tpu.memref_slice %arg8[%dma_wait3A_219, %dma_wait3A_220] : memref<2097152x16xi32, #tpu.memory_space<hbm>> -> memref<2097152x16xi32, #tpu.memory_space<hbm>>
      tpu.wait_indirect_dma semaphore(%arg19 : memref<!tpu.dma_semaphore, #tpu.memory_space<semaphore_mem>>) src(%dma_wait3A_221 : memref<2097152x16xi32, #tpu.memory_space<hbm>>) dst(%dma_wait3A_215 : memref<128x16xi32, #tpu.memory_space<vmem>>)
      %dma_wait3A_222 = arith.constant 2 : i32
      %dma_wait3A_223 = arith.constant 256 : i32
      %dma_wait3A_224 = arith.constant 0 : i32
      %dma_wait3A_225 = tpu.memref_slice %arg16[%dma_wait3A_223, %dma_wait3A_224] : memref<1024x16xi32, #tpu.memory_space<vmem>> -> memref<128x16xi32, #tpu.memory_space<vmem>>
      %dma_wait3A_226 = arith.constant 0 : i32
      %dma_wait3A_227 = tpu.memref_slice %arg14[%dma_wait3A_222, %dma_wait3A_226] : memref<8x128xi32, #tpu.memory_space<vmem>> -> memref<1x128xi32, #tpu.memory_space<vmem>>
      %dma_wait3A_228 = tpu.memref_squeeze %dma_wait3A_227 : memref<1x128xi32, #tpu.memory_space<vmem>> -> memref<128xi32, #tpu.memory_space<vmem>>
      %dma_wait3A_229 = arith.constant 0 : i32
      %dma_wait3A_230 = arith.constant 0 : i32
      %dma_wait3A_231 = tpu.memref_slice %arg8[%dma_wait3A_229, %dma_wait3A_230] : memref<2097152x16xi32, #tpu.memory_space<hbm>> -> memref<2097152x16xi32, #tpu.memory_space<hbm>>
      tpu.wait_indirect_dma semaphore(%arg19 : memref<!tpu.dma_semaphore, #tpu.memory_space<semaphore_mem>>) src(%dma_wait3A_231 : memref<2097152x16xi32, #tpu.memory_space<hbm>>) dst(%dma_wait3A_225 : memref<128x16xi32, #tpu.memory_space<vmem>>)
      %dma_wait3A_232 = arith.constant 3 : i32
      %dma_wait3A_233 = arith.constant 384 : i32
      %dma_wait3A_234 = arith.constant 0 : i32
      %dma_wait3A_235 = tpu.memref_slice %arg16[%dma_wait3A_233, %dma_wait3A_234] : memref<1024x16xi32, #tpu.memory_space<vmem>> -> memref<128x16xi32, #tpu.memory_space<vmem>>
      %dma_wait3A_236 = arith.constant 0 : i32
      %dma_wait3A_237 = tpu.memref_slice %arg14[%dma_wait3A_232, %dma_wait3A_236] : memref<8x128xi32, #tpu.memory_space<vmem>> -> memref<1x128xi32, #tpu.memory_space<vmem>>
      %dma_wait3A_238 = tpu.memref_squeeze %dma_wait3A_237 : memref<1x128xi32, #tpu.memory_space<vmem>> -> memref<128xi32, #tpu.memory_space<vmem>>
      %dma_wait3A_239 = arith.constant 0 : i32
      %dma_wait3A_240 = arith.constant 0 : i32
      %dma_wait3A_241 = tpu.memref_slice %arg8[%dma_wait3A_239, %dma_wait3A_240] : memref<2097152x16xi32, #tpu.memory_space<hbm>> -> memref<2097152x16xi32, #tpu.memory_space<hbm>>
      tpu.wait_indirect_dma semaphore(%arg19 : memref<!tpu.dma_semaphore, #tpu.memory_space<semaphore_mem>>) src(%dma_wait3A_241 : memref<2097152x16xi32, #tpu.memory_space<hbm>>) dst(%dma_wait3A_235 : memref<128x16xi32, #tpu.memory_space<vmem>>)
      %dma_wait3A_242 = arith.constant 4 : i32
      %dma_wait3A_243 = arith.constant 512 : i32
      %dma_wait3A_244 = arith.constant 0 : i32
      %dma_wait3A_245 = tpu.memref_slice %arg16[%dma_wait3A_243, %dma_wait3A_244] : memref<1024x16xi32, #tpu.memory_space<vmem>> -> memref<128x16xi32, #tpu.memory_space<vmem>>
      %dma_wait3A_246 = arith.constant 0 : i32
      %dma_wait3A_247 = tpu.memref_slice %arg14[%dma_wait3A_242, %dma_wait3A_246] : memref<8x128xi32, #tpu.memory_space<vmem>> -> memref<1x128xi32, #tpu.memory_space<vmem>>
      %dma_wait3A_248 = tpu.memref_squeeze %dma_wait3A_247 : memref<1x128xi32, #tpu.memory_space<vmem>> -> memref<128xi32, #tpu.memory_space<vmem>>
      %dma_wait3A_249 = arith.constant 0 : i32
      %dma_wait3A_250 = arith.constant 0 : i32
      %dma_wait3A_251 = tpu.memref_slice %arg8[%dma_wait3A_249, %dma_wait3A_250] : memref<2097152x16xi32, #tpu.memory_space<hbm>> -> memref<2097152x16xi32, #tpu.memory_space<hbm>>
      tpu.wait_indirect_dma semaphore(%arg19 : memref<!tpu.dma_semaphore, #tpu.memory_space<semaphore_mem>>) src(%dma_wait3A_251 : memref<2097152x16xi32, #tpu.memory_space<hbm>>) dst(%dma_wait3A_245 : memref<128x16xi32, #tpu.memory_space<vmem>>)
      %dma_wait3A_252 = arith.constant 5 : i32
      %dma_wait3A_253 = arith.constant 640 : i32
      %dma_wait3A_254 = arith.constant 0 : i32
      %dma_wait3A_255 = tpu.memref_slice %arg16[%dma_wait3A_253, %dma_wait3A_254] : memref<1024x16xi32, #tpu.memory_space<vmem>> -> memref<128x16xi32, #tpu.memory_space<vmem>>
      %dma_wait3A_256 = arith.constant 0 : i32
      %dma_wait3A_257 = tpu.memref_slice %arg14[%dma_wait3A_252, %dma_wait3A_256] : memref<8x128xi32, #tpu.memory_space<vmem>> -> memref<1x128xi32, #tpu.memory_space<vmem>>
      %dma_wait3A_258 = tpu.memref_squeeze %dma_wait3A_257 : memref<1x128xi32, #tpu.memory_space<vmem>> -> memref<128xi32, #tpu.memory_space<vmem>>
      %dma_wait3A_259 = arith.constant 0 : i32
      %dma_wait3A_260 = arith.constant 0 : i32
      %dma_wait3A_261 = tpu.memref_slice %arg8[%dma_wait3A_259, %dma_wait3A_260] : memref<2097152x16xi32, #tpu.memory_space<hbm>> -> memref<2097152x16xi32, #tpu.memory_space<hbm>>
      tpu.wait_indirect_dma semaphore(%arg19 : memref<!tpu.dma_semaphore, #tpu.memory_space<semaphore_mem>>) src(%dma_wait3A_261 : memref<2097152x16xi32, #tpu.memory_space<hbm>>) dst(%dma_wait3A_255 : memref<128x16xi32, #tpu.memory_space<vmem>>)
      %dma_wait3A_262 = arith.constant 6 : i32
      %dma_wait3A_263 = arith.constant 768 : i32
      %dma_wait3A_264 = arith.constant 0 : i32
      %dma_wait3A_265 = tpu.memref_slice %arg16[%dma_wait3A_263, %dma_wait3A_264] : memref<1024x16xi32, #tpu.memory_space<vmem>> -> memref<128x16xi32, #tpu.memory_space<vmem>>
      %dma_wait3A_266 = arith.constant 0 : i32
      %dma_wait3A_267 = tpu.memref_slice %arg14[%dma_wait3A_262, %dma_wait3A_266] : memref<8x128xi32, #tpu.memory_space<vmem>> -> memref<1x128xi32, #tpu.memory_space<vmem>>
      %dma_wait3A_268 = tpu.memref_squeeze %dma_wait3A_267 : memref<1x128xi32, #tpu.memory_space<vmem>> -> memref<128xi32, #tpu.memory_space<vmem>>
      %dma_wait3A_269 = arith.constant 0 : i32
      %dma_wait3A_270 = arith.constant 0 : i32
      %dma_wait3A_271 = tpu.memref_slice %arg8[%dma_wait3A_269, %dma_wait3A_270] : memref<2097152x16xi32, #tpu.memory_space<hbm>> -> memref<2097152x16xi32, #tpu.memory_space<hbm>>
      tpu.wait_indirect_dma semaphore(%arg19 : memref<!tpu.dma_semaphore, #tpu.memory_space<semaphore_mem>>) src(%dma_wait3A_271 : memref<2097152x16xi32, #tpu.memory_space<hbm>>) dst(%dma_wait3A_265 : memref<128x16xi32, #tpu.memory_space<vmem>>)
      %dma_wait3A_272 = arith.constant 7 : i32
      %dma_wait3A_273 = arith.constant 896 : i32
      %dma_wait3A_274 = arith.constant 0 : i32
      %dma_wait3A_275 = tpu.memref_slice %arg16[%dma_wait3A_273, %dma_wait3A_274] : memref<1024x16xi32, #tpu.memory_space<vmem>> -> memref<128x16xi32, #tpu.memory_space<vmem>>
      %dma_wait3A_276 = arith.constant 0 : i32
      %dma_wait3A_277 = tpu.memref_slice %arg14[%dma_wait3A_272, %dma_wait3A_276] : memref<8x128xi32, #tpu.memory_space<vmem>> -> memref<1x128xi32, #tpu.memory_space<vmem>>
      %dma_wait3A_278 = tpu.memref_squeeze %dma_wait3A_277 : memref<1x128xi32, #tpu.memory_space<vmem>> -> memref<128xi32, #tpu.memory_space<vmem>>
      %dma_wait3A_279 = arith.constant 0 : i32
      %dma_wait3A_280 = arith.constant 0 : i32
      %dma_wait3A_281 = tpu.memref_slice %arg8[%dma_wait3A_279, %dma_wait3A_280] : memref<2097152x16xi32, #tpu.memory_space<hbm>> -> memref<2097152x16xi32, #tpu.memory_space<hbm>>
      tpu.wait_indirect_dma semaphore(%arg19 : memref<!tpu.dma_semaphore, #tpu.memory_space<semaphore_mem>>) src(%dma_wait3A_281 : memref<2097152x16xi32, #tpu.memory_space<hbm>>) dst(%dma_wait3A_275 : memref<128x16xi32, #tpu.memory_space<vmem>>)
      %parallel_loop3A_282 = arith.constant 0 : i32
      %parallel_loop3A_283 = arith.constant 64 : i32
      %parallel_loop3A_284 = arith.constant 1 : i32
      scf.for %parallel_loop3A_289 = %parallel_loop3A_282 to %parallel_loop3A_283 step %parallel_loop3A_284  : i32 {
        %parallel_loop3A_290 = arith.constant 16 : i32
        %parallel_loop3A_291 = arith.muli %parallel_loop3A_289, %parallel_loop3A_290 : i32
        %parallel_loop3A_292 = arith.constant 16 : i32
        %parallel_loop3A_293 = arith.muli %parallel_loop3A_289, %parallel_loop3A_292 : i32
        %parallel_loop3A_294 = tpu.iota {dimensions = array<i32: 0>} : vector<16xi32>
        %parallel_loop3A_295 = vector.broadcast %parallel_loop3A_293 : i32 to vector<16xi32>
        %parallel_loop3A_296 = arith.addi %parallel_loop3A_295, %parallel_loop3A_294 : vector<16xi32>
        %parallel_loop3A_297 = arith.index_cast %parallel_loop3A_291 : i32 to index
        %parallel_loop3A_298 = tpu.vector_load %arg15[%parallel_loop3A_297] {strides = array<i32>} : memref<1024xf32, #tpu.memory_space<vmem>>, vector<16xf32>,
        %parallel_loop3A_299 = arith.constant 3 : i32
        %parallel_loop3A_300 = arith.index_cast %parallel_loop3A_299 : i32 to index
        %parallel_loop3A_301 = arith.index_cast %parallel_loop3A_291 : i32 to index
        %parallel_loop3A_302 = tpu.vector_load %arg13[%parallel_loop3A_300, %parallel_loop3A_301] {strides = array<i32>} : memref<6x1024xf32, #tpu.memory_space<vmem>>, vector<16xf32>,
        %parallel_loop3A_303 = arith.constant 4 : i32
        %parallel_loop3A_304 = arith.index_cast %parallel_loop3A_303 : i32 to index
        %parallel_loop3A_305 = arith.index_cast %parallel_loop3A_291 : i32 to index
        %parallel_loop3A_306 = tpu.vector_load %arg13[%parallel_loop3A_304, %parallel_loop3A_305] {strides = array<i32>} : memref<6x1024xf32, #tpu.memory_space<vmem>>, vector<16xf32>,
        %parallel_loop3A_307 = arith.constant 5 : i32
        %parallel_loop3A_308 = arith.index_cast %parallel_loop3A_307 : i32 to index
        %parallel_loop3A_309 = arith.index_cast %parallel_loop3A_291 : i32 to index
        %parallel_loop3A_310 = tpu.vector_load %arg13[%parallel_loop3A_308, %parallel_loop3A_309] {strides = array<i32>} : memref<6x1024xf32, #tpu.memory_space<vmem>>, vector<16xf32>,
        %parallel_loop3A_311 = arith.constant 0 : i32
        %parallel_loop3A_312 = vector.broadcast %parallel_loop3A_311 : i32 to vector<16xi32>
        %parallel_loop3A_313 = tpu.vector_load_idx %arg16[%parallel_loop3A_296, %parallel_loop3A_312] : memref<1024x16xi32, #tpu.memory_space<vmem>>[vector<16xi32>, vector<16xi32>], vector<16xi32>,
        %parallel_loop3A_314 = vector.bitcast %parallel_loop3A_313 : vector<16xi32> to vector<32xbf16>
        %parallel_loop3A_315 = tpu.unpack_subelements %parallel_loop3A_314, 0 {pack_format = #tpu.pack_format<interleaved>} : vector<32xbf16> -> vector<16xf32>
        %parallel_loop3A_316 = tpu.unpack_subelements %parallel_loop3A_314, 1 {pack_format = #tpu.pack_format<interleaved>} : vector<32xbf16> -> vector<16xf32>
        %parallel_loop3A_317 = arith.constant 1 : i32
        %parallel_loop3A_318 = vector.broadcast %parallel_loop3A_317 : i32 to vector<16xi32>
        %parallel_loop3A_319 = tpu.vector_load_idx %arg16[%parallel_loop3A_296, %parallel_loop3A_318] : memref<1024x16xi32, #tpu.memory_space<vmem>>[vector<16xi32>, vector<16xi32>], vector<16xi32>,
        %parallel_loop3A_320 = vector.bitcast %parallel_loop3A_319 : vector<16xi32> to vector<32xbf16>
        %parallel_loop3A_321 = tpu.unpack_subelements %parallel_loop3A_320, 0 {pack_format = #tpu.pack_format<interleaved>} : vector<32xbf16> -> vector<16xf32>
        %parallel_loop3A_322 = tpu.unpack_subelements %parallel_loop3A_320, 1 {pack_format = #tpu.pack_format<interleaved>} : vector<32xbf16> -> vector<16xf32>
        %parallel_loop3A_323 = arith.constant 2 : i32
        %parallel_loop3A_324 = vector.broadcast %parallel_loop3A_323 : i32 to vector<16xi32>
        %parallel_loop3A_325 = tpu.vector_load_idx %arg16[%parallel_loop3A_296, %parallel_loop3A_324] : memref<1024x16xi32, #tpu.memory_space<vmem>>[vector<16xi32>, vector<16xi32>], vector<16xi32>,
        %parallel_loop3A_326 = vector.bitcast %parallel_loop3A_325 : vector<16xi32> to vector<32xbf16>
        %parallel_loop3A_327 = tpu.unpack_subelements %parallel_loop3A_326, 0 {pack_format = #tpu.pack_format<interleaved>} : vector<32xbf16> -> vector<16xf32>
        %parallel_loop3A_328 = tpu.unpack_subelements %parallel_loop3A_326, 1 {pack_format = #tpu.pack_format<interleaved>} : vector<32xbf16> -> vector<16xf32>
        %parallel_loop3A_329 = arith.constant 3 : i32
        %parallel_loop3A_330 = vector.broadcast %parallel_loop3A_329 : i32 to vector<16xi32>
        %parallel_loop3A_331 = tpu.vector_load_idx %arg16[%parallel_loop3A_296, %parallel_loop3A_330] : memref<1024x16xi32, #tpu.memory_space<vmem>>[vector<16xi32>, vector<16xi32>], vector<16xi32>,
        %parallel_loop3A_332 = vector.bitcast %parallel_loop3A_331 : vector<16xi32> to vector<32xbf16>
        %parallel_loop3A_333 = tpu.unpack_subelements %parallel_loop3A_332, 0 {pack_format = #tpu.pack_format<interleaved>} : vector<32xbf16> -> vector<16xf32>
        %parallel_loop3A_334 = tpu.unpack_subelements %parallel_loop3A_332, 1 {pack_format = #tpu.pack_format<interleaved>} : vector<32xbf16> -> vector<16xf32>
        %parallel_loop3A_335 = arith.constant 4 : i32
        %parallel_loop3A_336 = vector.broadcast %parallel_loop3A_335 : i32 to vector<16xi32>
        %parallel_loop3A_337 = tpu.vector_load_idx %arg16[%parallel_loop3A_296, %parallel_loop3A_336] : memref<1024x16xi32, #tpu.memory_space<vmem>>[vector<16xi32>, vector<16xi32>], vector<16xi32>,
        %parallel_loop3A_338 = vector.bitcast %parallel_loop3A_337 : vector<16xi32> to vector<32xbf16>
        %parallel_loop3A_339 = tpu.unpack_subelements %parallel_loop3A_338, 0 {pack_format = #tpu.pack_format<interleaved>} : vector<32xbf16> -> vector<16xf32>
        %parallel_loop3A_340 = tpu.unpack_subelements %parallel_loop3A_338, 1 {pack_format = #tpu.pack_format<interleaved>} : vector<32xbf16> -> vector<16xf32>
        %parallel_loop3A_341 = arith.constant 5 : i32
        %parallel_loop3A_342 = vector.broadcast %parallel_loop3A_341 : i32 to vector<16xi32>
        %parallel_loop3A_343 = tpu.vector_load_idx %arg16[%parallel_loop3A_296, %parallel_loop3A_342] : memref<1024x16xi32, #tpu.memory_space<vmem>>[vector<16xi32>, vector<16xi32>], vector<16xi32>,
        %parallel_loop3A_344 = vector.bitcast %parallel_loop3A_343 : vector<16xi32> to vector<32xbf16>
        %parallel_loop3A_345 = tpu.unpack_subelements %parallel_loop3A_344, 0 {pack_format = #tpu.pack_format<interleaved>} : vector<32xbf16> -> vector<16xf32>
        %parallel_loop3A_346 = tpu.unpack_subelements %parallel_loop3A_344, 1 {pack_format = #tpu.pack_format<interleaved>} : vector<32xbf16> -> vector<16xf32>
        %parallel_loop3A_347 = arith.constant 6 : i32
        %parallel_loop3A_348 = vector.broadcast %parallel_loop3A_347 : i32 to vector<16xi32>
        %parallel_loop3A_349 = tpu.vector_load_idx %arg16[%parallel_loop3A_296, %parallel_loop3A_348] : memref<1024x16xi32, #tpu.memory_space<vmem>>[vector<16xi32>, vector<16xi32>], vector<16xi32>,
        %parallel_loop3A_350 = vector.bitcast %parallel_loop3A_349 : vector<16xi32> to vector<32xbf16>
        %parallel_loop3A_351 = tpu.unpack_subelements %parallel_loop3A_350, 0 {pack_format = #tpu.pack_format<interleaved>} : vector<32xbf16> -> vector<16xf32>
        %parallel_loop3A_352 = tpu.unpack_subelements %parallel_loop3A_350, 1 {pack_format = #tpu.pack_format<interleaved>} : vector<32xbf16> -> vector<16xf32>
        %parallel_loop3A_353 = arith.constant 7 : i32
        %parallel_loop3A_354 = vector.broadcast %parallel_loop3A_353 : i32 to vector<16xi32>
        %parallel_loop3A_355 = tpu.vector_load_idx %arg16[%parallel_loop3A_296, %parallel_loop3A_354] : memref<1024x16xi32, #tpu.memory_space<vmem>>[vector<16xi32>, vector<16xi32>], vector<16xi32>,
        %parallel_loop3A_356 = vector.bitcast %parallel_loop3A_355 : vector<16xi32> to vector<32xbf16>
        %parallel_loop3A_357 = tpu.unpack_subelements %parallel_loop3A_356, 0 {pack_format = #tpu.pack_format<interleaved>} : vector<32xbf16> -> vector<16xf32>
        %parallel_loop3A_358 = tpu.unpack_subelements %parallel_loop3A_356, 1 {pack_format = #tpu.pack_format<interleaved>} : vector<32xbf16> -> vector<16xf32>
        %parallel_loop3A_359 = arith.constant 8 : i32
        %parallel_loop3A_360 = vector.broadcast %parallel_loop3A_359 : i32 to vector<16xi32>
        %parallel_loop3A_361 = tpu.vector_load_idx %arg16[%parallel_loop3A_296, %parallel_loop3A_360] : memref<1024x16xi32, #tpu.memory_space<vmem>>[vector<16xi32>, vector<16xi32>], vector<16xi32>,
        %parallel_loop3A_362 = vector.bitcast %parallel_loop3A_361 : vector<16xi32> to vector<32xbf16>
        %parallel_loop3A_363 = tpu.unpack_subelements %parallel_loop3A_362, 0 {pack_format = #tpu.pack_format<interleaved>} : vector<32xbf16> -> vector<16xf32>
        %parallel_loop3A_364 = tpu.unpack_subelements %parallel_loop3A_362, 1 {pack_format = #tpu.pack_format<interleaved>} : vector<32xbf16> -> vector<16xf32>
        %parallel_loop3A_365 = arith.constant 9 : i32
        %parallel_loop3A_366 = vector.broadcast %parallel_loop3A_365 : i32 to vector<16xi32>
        %parallel_loop3A_367 = tpu.vector_load_idx %arg16[%parallel_loop3A_296, %parallel_loop3A_366] : memref<1024x16xi32, #tpu.memory_space<vmem>>[vector<16xi32>, vector<16xi32>], vector<16xi32>,
        %parallel_loop3A_368 = vector.bitcast %parallel_loop3A_367 : vector<16xi32> to vector<32xbf16>
        %parallel_loop3A_369 = tpu.unpack_subelements %parallel_loop3A_368, 0 {pack_format = #tpu.pack_format<interleaved>} : vector<32xbf16> -> vector<16xf32>
        %parallel_loop3A_370 = tpu.unpack_subelements %parallel_loop3A_368, 1 {pack_format = #tpu.pack_format<interleaved>} : vector<32xbf16> -> vector<16xf32>
        %parallel_loop3A_371 = arith.constant 10 : i32
        %parallel_loop3A_372 = vector.broadcast %parallel_loop3A_371 : i32 to vector<16xi32>
        %parallel_loop3A_373 = tpu.vector_load_idx %arg16[%parallel_loop3A_296, %parallel_loop3A_372] : memref<1024x16xi32, #tpu.memory_space<vmem>>[vector<16xi32>, vector<16xi32>], vector<16xi32>,
        %parallel_loop3A_374 = vector.bitcast %parallel_loop3A_373 : vector<16xi32> to vector<32xbf16>
        %parallel_loop3A_375 = tpu.unpack_subelements %parallel_loop3A_374, 0 {pack_format = #tpu.pack_format<interleaved>} : vector<32xbf16> -> vector<16xf32>
        %parallel_loop3A_376 = tpu.unpack_subelements %parallel_loop3A_374, 1 {pack_format = #tpu.pack_format<interleaved>} : vector<32xbf16> -> vector<16xf32>
        %parallel_loop3A_377 = arith.constant 11 : i32
        %parallel_loop3A_378 = vector.broadcast %parallel_loop3A_377 : i32 to vector<16xi32>
        %parallel_loop3A_379 = tpu.vector_load_idx %arg16[%parallel_loop3A_296, %parallel_loop3A_378] : memref<1024x16xi32, #tpu.memory_space<vmem>>[vector<16xi32>, vector<16xi32>], vector<16xi32>,
        %parallel_loop3A_380 = vector.bitcast %parallel_loop3A_379 : vector<16xi32> to vector<32xbf16>
        %parallel_loop3A_381 = tpu.unpack_subelements %parallel_loop3A_380, 0 {pack_format = #tpu.pack_format<interleaved>} : vector<32xbf16> -> vector<16xf32>
        %parallel_loop3A_382 = tpu.unpack_subelements %parallel_loop3A_380, 1 {pack_format = #tpu.pack_format<interleaved>} : vector<32xbf16> -> vector<16xf32>
        %parallel_loop3A_383 = arith.constant 12 : i32
        %parallel_loop3A_384 = vector.broadcast %parallel_loop3A_383 : i32 to vector<16xi32>
        %parallel_loop3A_385 = tpu.vector_load_idx %arg16[%parallel_loop3A_296, %parallel_loop3A_384] : memref<1024x16xi32, #tpu.memory_space<vmem>>[vector<16xi32>, vector<16xi32>], vector<16xi32>,
        %parallel_loop3A_386 = vector.bitcast %parallel_loop3A_385 : vector<16xi32> to vector<32xbf16>
        %parallel_loop3A_387 = tpu.unpack_subelements %parallel_loop3A_386, 0 {pack_format = #tpu.pack_format<interleaved>} : vector<32xbf16> -> vector<16xf32>
        %parallel_loop3A_388 = tpu.unpack_subelements %parallel_loop3A_386, 1 {pack_format = #tpu.pack_format<interleaved>} : vector<32xbf16> -> vector<16xf32>
        %parallel_loop3A_389 = arith.constant 13 : i32
        %parallel_loop3A_390 = vector.broadcast %parallel_loop3A_389 : i32 to vector<16xi32>
        %parallel_loop3A_391 = tpu.vector_load_idx %arg16[%parallel_loop3A_296, %parallel_loop3A_390] : memref<1024x16xi32, #tpu.memory_space<vmem>>[vector<16xi32>, vector<16xi32>], vector<16xi32>,
        %parallel_loop3A_392 = vector.bitcast %parallel_loop3A_391 : vector<16xi32> to vector<32xbf16>
        %parallel_loop3A_393 = tpu.unpack_subelements %parallel_loop3A_392, 0 {pack_format = #tpu.pack_format<interleaved>} : vector<32xbf16> -> vector<16xf32>
        %parallel_loop3A_394 = tpu.unpack_subelements %parallel_loop3A_392, 1 {pack_format = #tpu.pack_format<interleaved>} : vector<32xbf16> -> vector<16xf32>
        %parallel_loop3A_395 = arith.constant 0.000000e+00 : f32
        %parallel_loop3A_396 = vector.broadcast %parallel_loop3A_395 : f32 to vector<16xf32>
        %parallel_loop3A_397 = arith.maximumf %parallel_loop3A_315, %parallel_loop3A_396 : vector<16xf32>
        %parallel_loop3A_398 = arith.mulf %parallel_loop3A_298, %parallel_loop3A_397 : vector<16xf32>
        %parallel_loop3A_399 = arith.constant 3 : i32
        %parallel_loop3A_400 = arith.index_cast %parallel_loop3A_399 : i32 to index
        %parallel_loop3A_401 = arith.index_cast %parallel_loop3A_291 : i32 to index
        %parallel_loop3A_402 = tpu.vector_load %arg17[%parallel_loop3A_400, %parallel_loop3A_401] {strides = array<i32>} : memref<4x1024xf32, #tpu.memory_space<vmem>>, vector<16xf32>,
        tpu.vector_store %arg17[%parallel_loop3A_400, %parallel_loop3A_401], %parallel_loop3A_398 {strides = array<i32>} : memref<4x1024xf32, #tpu.memory_space<vmem>>, vector<16xf32>,
        %parallel_loop3A_403 = arith.constant 2.820950e-01 : f32
        %parallel_loop3A_404 = vector.broadcast %parallel_loop3A_403 : f32 to vector<16xf32>
        %parallel_loop3A_405 = arith.constant -4.886030e-01 : f32
        %parallel_loop3A_406 = vector.broadcast %parallel_loop3A_405 : f32 to vector<16xf32>
        %parallel_loop3A_407 = arith.mulf %parallel_loop3A_406, %parallel_loop3A_306 : vector<16xf32>
        %parallel_loop3A_408 = arith.constant 4.886030e-01 : f32
        %parallel_loop3A_409 = vector.broadcast %parallel_loop3A_408 : f32 to vector<16xf32>
        %parallel_loop3A_410 = arith.mulf %parallel_loop3A_409, %parallel_loop3A_310 : vector<16xf32>
        %parallel_loop3A_411 = arith.constant -4.886030e-01 : f32
        %parallel_loop3A_412 = vector.broadcast %parallel_loop3A_411 : f32 to vector<16xf32>
        %parallel_loop3A_413 = arith.mulf %parallel_loop3A_412, %parallel_loop3A_302 : vector<16xf32>
        %parallel_loop3A_414 = arith.mulf %parallel_loop3A_302, %parallel_loop3A_306 : vector<16xf32>
        %parallel_loop3A_415 = arith.constant 1.09254801 : f32
        %parallel_loop3A_416 = vector.broadcast %parallel_loop3A_415 : f32 to vector<16xf32>
        %parallel_loop3A_417 = arith.mulf %parallel_loop3A_416, %parallel_loop3A_414 : vector<16xf32>
        %parallel_loop3A_418 = arith.mulf %parallel_loop3A_306, %parallel_loop3A_310 : vector<16xf32>
        %parallel_loop3A_419 = arith.constant -1.09254801 : f32
        %parallel_loop3A_420 = vector.broadcast %parallel_loop3A_419 : f32 to vector<16xf32>
        %parallel_loop3A_421 = arith.mulf %parallel_loop3A_420, %parallel_loop3A_418 : vector<16xf32>
        %parallel_loop3A_422 = arith.constant 2.000000e+00 : f32
        %parallel_loop3A_423 = vector.broadcast %parallel_loop3A_422 : f32 to vector<16xf32>
        %parallel_loop3A_424 = arith.mulf %parallel_loop3A_423, %parallel_loop3A_310 : vector<16xf32>
        %parallel_loop3A_425 = arith.mulf %parallel_loop3A_424, %parallel_loop3A_310 : vector<16xf32>
        %parallel_loop3A_426 = arith.mulf %parallel_loop3A_302, %parallel_loop3A_302 : vector<16xf32>
        %parallel_loop3A_427 = arith.subf %parallel_loop3A_425, %parallel_loop3A_426 : vector<16xf32>
        %parallel_loop3A_428 = arith.mulf %parallel_loop3A_306, %parallel_loop3A_306 : vector<16xf32>
        %parallel_loop3A_429 = arith.subf %parallel_loop3A_427, %parallel_loop3A_428 : vector<16xf32>
        %parallel_loop3A_430 = arith.constant 3.153920e-01 : f32
        %parallel_loop3A_431 = vector.broadcast %parallel_loop3A_430 : f32 to vector<16xf32>
        %parallel_loop3A_432 = arith.mulf %parallel_loop3A_431, %parallel_loop3A_429 : vector<16xf32>
        %parallel_loop3A_433 = arith.mulf %parallel_loop3A_302, %parallel_loop3A_310 : vector<16xf32>
        %parallel_loop3A_434 = arith.constant -1.09254801 : f32
        %parallel_loop3A_435 = vector.broadcast %parallel_loop3A_434 : f32 to vector<16xf32>
        %parallel_loop3A_436 = arith.mulf %parallel_loop3A_435, %parallel_loop3A_433 : vector<16xf32>
        %parallel_loop3A_437 = arith.mulf %parallel_loop3A_302, %parallel_loop3A_302 : vector<16xf32>
        %parallel_loop3A_438 = arith.mulf %parallel_loop3A_306, %parallel_loop3A_306 : vector<16xf32>
        %parallel_loop3A_439 = arith.subf %parallel_loop3A_437, %parallel_loop3A_438 : vector<16xf32>
        %parallel_loop3A_440 = arith.constant 5.462740e-01 : f32
        %parallel_loop3A_441 = vector.broadcast %parallel_loop3A_440 : f32 to vector<16xf32>
        %parallel_loop3A_442 = arith.mulf %parallel_loop3A_441, %parallel_loop3A_439 : vector<16xf32>
        %parallel_loop3A_443 = arith.mulf %parallel_loop3A_404, %parallel_loop3A_316 : vector<16xf32>
        %parallel_loop3A_444 = arith.mulf %parallel_loop3A_407, %parallel_loop3A_321 : vector<16xf32>
        %parallel_loop3A_445 = arith.addf %parallel_loop3A_443, %parallel_loop3A_444 : vector<16xf32>
        %parallel_loop3A_446 = arith.mulf %parallel_loop3A_410, %parallel_loop3A_322 : vector<16xf32>
        %parallel_loop3A_447 = arith.addf %parallel_loop3A_445, %parallel_loop3A_446 : vector<16xf32>
        %parallel_loop3A_448 = arith.mulf %parallel_loop3A_413, %parallel_loop3A_327 : vector<16xf32>
        %parallel_loop3A_449 = arith.addf %parallel_loop3A_447, %parallel_loop3A_448 : vector<16xf32>
        %parallel_loop3A_450 = arith.mulf %parallel_loop3A_417, %parallel_loop3A_328 : vector<16xf32>
        %parallel_loop3A_451 = arith.addf %parallel_loop3A_449, %parallel_loop3A_450 : vector<16xf32>
        %parallel_loop3A_452 = arith.mulf %parallel_loop3A_421, %parallel_loop3A_333 : vector<16xf32>
        %parallel_loop3A_453 = arith.addf %parallel_loop3A_451, %parallel_loop3A_452 : vector<16xf32>
        %parallel_loop3A_454 = arith.mulf %parallel_loop3A_432, %parallel_loop3A_334 : vector<16xf32>
        %parallel_loop3A_455 = arith.addf %parallel_loop3A_453, %parallel_loop3A_454 : vector<16xf32>
        %parallel_loop3A_456 = arith.mulf %parallel_loop3A_436, %parallel_loop3A_339 : vector<16xf32>
        %parallel_loop3A_457 = arith.addf %parallel_loop3A_455, %parallel_loop3A_456 : vector<16xf32>
        %parallel_loop3A_458 = arith.mulf %parallel_loop3A_442, %parallel_loop3A_340 : vector<16xf32>
        %parallel_loop3A_459 = arith.addf %parallel_loop3A_457, %parallel_loop3A_458 : vector<16xf32>
        %parallel_loop3A_460 = arith.mulf %parallel_loop3A_298, %parallel_loop3A_459 : vector<16xf32>
        %parallel_loop3A_461 = arith.constant 0 : i32
        %parallel_loop3A_462 = arith.index_cast %parallel_loop3A_461 : i32 to index
        %parallel_loop3A_463 = arith.index_cast %parallel_loop3A_291 : i32 to index
        %parallel_loop3A_464 = tpu.vector_load %arg17[%parallel_loop3A_462, %parallel_loop3A_463] {strides = array<i32>} : memref<4x1024xf32, #tpu.memory_space<vmem>>, vector<16xf32>,
        tpu.vector_store %arg17[%parallel_loop3A_462, %parallel_loop3A_463], %parallel_loop3A_460 {strides = array<i32>} : memref<4x1024xf32, #tpu.memory_space<vmem>>, vector<16xf32>,
        %parallel_loop3A_465 = arith.mulf %parallel_loop3A_404, %parallel_loop3A_345 : vector<16xf32>
        %parallel_loop3A_466 = arith.mulf %parallel_loop3A_407, %parallel_loop3A_346 : vector<16xf32>
        %parallel_loop3A_467 = arith.addf %parallel_loop3A_465, %parallel_loop3A_466 : vector<16xf32>
        %parallel_loop3A_468 = arith.mulf %parallel_loop3A_410, %parallel_loop3A_351 : vector<16xf32>
        %parallel_loop3A_469 = arith.addf %parallel_loop3A_467, %parallel_loop3A_468 : vector<16xf32>
        %parallel_loop3A_470 = arith.mulf %parallel_loop3A_413, %parallel_loop3A_352 : vector<16xf32>
        %parallel_loop3A_471 = arith.addf %parallel_loop3A_469, %parallel_loop3A_470 : vector<16xf32>
        %parallel_loop3A_472 = arith.mulf %parallel_loop3A_417, %parallel_loop3A_357 : vector<16xf32>
        %parallel_loop3A_473 = arith.addf %parallel_loop3A_471, %parallel_loop3A_472 : vector<16xf32>
        %parallel_loop3A_474 = arith.mulf %parallel_loop3A_421, %parallel_loop3A_358 : vector<16xf32>
        %parallel_loop3A_475 = arith.addf %parallel_loop3A_473, %parallel_loop3A_474 : vector<16xf32>
        %parallel_loop3A_476 = arith.mulf %parallel_loop3A_432, %parallel_loop3A_363 : vector<16xf32>
        %parallel_loop3A_477 = arith.addf %parallel_loop3A_475, %parallel_loop3A_476 : vector<16xf32>
        %parallel_loop3A_478 = arith.mulf %parallel_loop3A_436, %parallel_loop3A_364 : vector<16xf32>
        %parallel_loop3A_479 = arith.addf %parallel_loop3A_477, %parallel_loop3A_478 : vector<16xf32>
        %parallel_loop3A_480 = arith.mulf %parallel_loop3A_442, %parallel_loop3A_369 : vector<16xf32>
        %parallel_loop3A_481 = arith.addf %parallel_loop3A_479, %parallel_loop3A_480 : vector<16xf32>
        %parallel_loop3A_482 = arith.mulf %parallel_loop3A_298, %parallel_loop3A_481 : vector<16xf32>
        %parallel_loop3A_483 = arith.constant 1 : i32
        %parallel_loop3A_484 = arith.index_cast %parallel_loop3A_483 : i32 to index
        %parallel_loop3A_485 = arith.index_cast %parallel_loop3A_291 : i32 to index
        %parallel_loop3A_486 = tpu.vector_load %arg17[%parallel_loop3A_484, %parallel_loop3A_485] {strides = array<i32>} : memref<4x1024xf32, #tpu.memory_space<vmem>>, vector<16xf32>,
        tpu.vector_store %arg17[%parallel_loop3A_484, %parallel_loop3A_485], %parallel_loop3A_482 {strides = array<i32>} : memref<4x1024xf32, #tpu.memory_space<vmem>>, vector<16xf32>,
        %parallel_loop3A_487 = arith.mulf %parallel_loop3A_404, %parallel_loop3A_370 : vector<16xf32>
        %parallel_loop3A_488 = arith.mulf %parallel_loop3A_407, %parallel_loop3A_375 : vector<16xf32>
        %parallel_loop3A_489 = arith.addf %parallel_loop3A_487, %parallel_loop3A_488 : vector<16xf32>
        %parallel_loop3A_490 = arith.mulf %parallel_loop3A_410, %parallel_loop3A_376 : vector<16xf32>
        %parallel_loop3A_491 = arith.addf %parallel_loop3A_489, %parallel_loop3A_490 : vector<16xf32>
        %parallel_loop3A_492 = arith.mulf %parallel_loop3A_413, %parallel_loop3A_381 : vector<16xf32>
        %parallel_loop3A_493 = arith.addf %parallel_loop3A_491, %parallel_loop3A_492 : vector<16xf32>
        %parallel_loop3A_494 = arith.mulf %parallel_loop3A_417, %parallel_loop3A_382 : vector<16xf32>
        %parallel_loop3A_495 = arith.addf %parallel_loop3A_493, %parallel_loop3A_494 : vector<16xf32>
        %parallel_loop3A_496 = arith.mulf %parallel_loop3A_421, %parallel_loop3A_387 : vector<16xf32>
        %parallel_loop3A_497 = arith.addf %parallel_loop3A_495, %parallel_loop3A_496 : vector<16xf32>
        %parallel_loop3A_498 = arith.mulf %parallel_loop3A_432, %parallel_loop3A_388 : vector<16xf32>
        %parallel_loop3A_499 = arith.addf %parallel_loop3A_497, %parallel_loop3A_498 : vector<16xf32>
        %parallel_loop3A_500 = arith.mulf %parallel_loop3A_436, %parallel_loop3A_393 : vector<16xf32>
        %parallel_loop3A_501 = arith.addf %parallel_loop3A_499, %parallel_loop3A_500 : vector<16xf32>
        %parallel_loop3A_502 = arith.mulf %parallel_loop3A_442, %parallel_loop3A_394 : vector<16xf32>
        %parallel_loop3A_503 = arith.addf %parallel_loop3A_501, %parallel_loop3A_502 : vector<16xf32>
        %parallel_loop3A_504 = arith.mulf %parallel_loop3A_298, %parallel_loop3A_503 : vector<16xf32>
        %parallel_loop3A_505 = arith.constant 2 : i32
        %parallel_loop3A_506 = arith.index_cast %parallel_loop3A_505 : i32 to index
        %parallel_loop3A_507 = arith.index_cast %parallel_loop3A_291 : i32 to index
        %parallel_loop3A_508 = tpu.vector_load %arg17[%parallel_loop3A_506, %parallel_loop3A_507] {strides = array<i32>} : memref<4x1024xf32, #tpu.memory_space<vmem>>, vector<16xf32>,
        tpu.vector_store %arg17[%parallel_loop3A_506, %parallel_loop3A_507], %parallel_loop3A_504 {strides = array<i32>} : memref<4x1024xf32, #tpu.memory_space<vmem>>, vector<16xf32>,
      } {sc.loop_unroll_factor = 2 : i64, sc.parallel_access}
      %run_scoped3A = arith.constant 0 : i32
      "tpu.region"() ({
        %run_scoped3A_289 = tpu.sem_alloc : memref<!tpu.dma_semaphore, #tpu.memory_space<semaphore_mem>>
        %dma_start3A_290 = arith.constant 0 : i32
        %dma_start3A_291 = tpu.memref_slice %arg17[%run_scoped3A, %dma_start3A_290] : memref<4x1024xf32, #tpu.memory_space<vmem>> -> memref<1x1024xf32, #tpu.memory_space<vmem>>
        %dma_start3A_292 = tpu.memref_squeeze %dma_start3A_291 : memref<1x1024xf32, #tpu.memory_space<vmem>> -> memref<1024xf32, #tpu.memory_space<vmem>>
        %dma_start3A_293 = tpu.memref_slice %arg9[%add3A_13] : memref<1048576xf32, #tpu.memory_space<hbm>> -> memref<1024xf32, #tpu.memory_space<hbm>>
        %dma_start3A_294 = tpu.memref_slice %arg9[%add3A_13] : memref<1048576xf32, #tpu.memory_space<hbm>> -> memref<1024xf32, #tpu.memory_space<hbm>>
        %dma_start3A_295 = arith.constant 0 : i32
        %dma_start3A_296 = tpu.memref_slice %arg17[%run_scoped3A, %dma_start3A_295] : memref<4x1024xf32, #tpu.memory_space<vmem>> -> memref<1x1024xf32, #tpu.memory_space<vmem>>
        %dma_start3A_297 = tpu.memref_squeeze %dma_start3A_296 : memref<1x1024xf32, #tpu.memory_space<vmem>> -> memref<1024xf32, #tpu.memory_space<vmem>>
        tpu.enqueue_dma source(%dma_start3A_297 : memref<1024xf32, #tpu.memory_space<vmem>>) target(%dma_start3A_294 : memref<1024xf32, #tpu.memory_space<hbm>>) target_semaphore(%run_scoped3A_289 : memref<!tpu.dma_semaphore, #tpu.memory_space<semaphore_mem>>)
        %dma_wait3A_298 = arith.constant 0 : i32
        %dma_wait3A_299 = tpu.memref_slice %arg17[%run_scoped3A, %dma_wait3A_298] : memref<4x1024xf32, #tpu.memory_space<vmem>> -> memref<1x1024xf32, #tpu.memory_space<vmem>>
        %dma_wait3A_300 = tpu.memref_squeeze %dma_wait3A_299 : memref<1x1024xf32, #tpu.memory_space<vmem>> -> memref<1024xf32, #tpu.memory_space<vmem>>
        %dma_wait3A_301 = tpu.memref_slice %arg9[%add3A_13] : memref<1048576xf32, #tpu.memory_space<hbm>> -> memref<1024xf32, #tpu.memory_space<hbm>>
        %dma_wait3A_302 = tpu.memref_slice %arg9[%add3A_13] : memref<1048576xf32, #tpu.memory_space<hbm>> -> memref<1024xf32, #tpu.memory_space<hbm>>
        %dma_wait3A_303 = arith.constant 0 : i32
        %dma_wait3A_304 = tpu.memref_slice %arg17[%run_scoped3A, %dma_wait3A_303] : memref<4x1024xf32, #tpu.memory_space<vmem>> -> memref<1x1024xf32, #tpu.memory_space<vmem>>
        %dma_wait3A_305 = tpu.memref_squeeze %dma_wait3A_304 : memref<1x1024xf32, #tpu.memory_space<vmem>> -> memref<1024xf32, #tpu.memory_space<vmem>>
        tpu.wait_dma2 semaphore(%run_scoped3A_289 : memref<!tpu.dma_semaphore, #tpu.memory_space<semaphore_mem>>) src(%dma_wait3A_305 : memref<1024xf32, #tpu.memory_space<vmem>>) dst(%dma_wait3A_302 : memref<1024xf32, #tpu.memory_space<hbm>>)
        tpu.yield
      }) : () -> ()
      %run_scoped3A_285 = arith.constant 1 : i32
      "tpu.region"() ({
        %run_scoped3A_289 = tpu.sem_alloc : memref<!tpu.dma_semaphore, #tpu.memory_space<semaphore_mem>>
        %dma_start3A_290 = arith.constant 0 : i32
        %dma_start3A_291 = tpu.memref_slice %arg17[%run_scoped3A_285, %dma_start3A_290] : memref<4x1024xf32, #tpu.memory_space<vmem>> -> memref<1x1024xf32, #tpu.memory_space<vmem>>
        %dma_start3A_292 = tpu.memref_squeeze %dma_start3A_291 : memref<1x1024xf32, #tpu.memory_space<vmem>> -> memref<1024xf32, #tpu.memory_space<vmem>>
        %dma_start3A_293 = tpu.memref_slice %arg10[%add3A_13] : memref<1048576xf32, #tpu.memory_space<hbm>> -> memref<1024xf32, #tpu.memory_space<hbm>>
        %dma_start3A_294 = tpu.memref_slice %arg10[%add3A_13] : memref<1048576xf32, #tpu.memory_space<hbm>> -> memref<1024xf32, #tpu.memory_space<hbm>>
        %dma_start3A_295 = arith.constant 0 : i32
        %dma_start3A_296 = tpu.memref_slice %arg17[%run_scoped3A_285, %dma_start3A_295] : memref<4x1024xf32, #tpu.memory_space<vmem>> -> memref<1x1024xf32, #tpu.memory_space<vmem>>
        %dma_start3A_297 = tpu.memref_squeeze %dma_start3A_296 : memref<1x1024xf32, #tpu.memory_space<vmem>> -> memref<1024xf32, #tpu.memory_space<vmem>>
        tpu.enqueue_dma source(%dma_start3A_297 : memref<1024xf32, #tpu.memory_space<vmem>>) target(%dma_start3A_294 : memref<1024xf32, #tpu.memory_space<hbm>>) target_semaphore(%run_scoped3A_289 : memref<!tpu.dma_semaphore, #tpu.memory_space<semaphore_mem>>)
        %dma_wait3A_298 = arith.constant 0 : i32
        %dma_wait3A_299 = tpu.memref_slice %arg17[%run_scoped3A_285, %dma_wait3A_298] : memref<4x1024xf32, #tpu.memory_space<vmem>> -> memref<1x1024xf32, #tpu.memory_space<vmem>>
        %dma_wait3A_300 = tpu.memref_squeeze %dma_wait3A_299 : memref<1x1024xf32, #tpu.memory_space<vmem>> -> memref<1024xf32, #tpu.memory_space<vmem>>
        %dma_wait3A_301 = tpu.memref_slice %arg10[%add3A_13] : memref<1048576xf32, #tpu.memory_space<hbm>> -> memref<1024xf32, #tpu.memory_space<hbm>>
        %dma_wait3A_302 = tpu.memref_slice %arg10[%add3A_13] : memref<1048576xf32, #tpu.memory_space<hbm>> -> memref<1024xf32, #tpu.memory_space<hbm>>
        %dma_wait3A_303 = arith.constant 0 : i32
        %dma_wait3A_304 = tpu.memref_slice %arg17[%run_scoped3A_285, %dma_wait3A_303] : memref<4x1024xf32, #tpu.memory_space<vmem>> -> memref<1x1024xf32, #tpu.memory_space<vmem>>
        %dma_wait3A_305 = tpu.memref_squeeze %dma_wait3A_304 : memref<1x1024xf32, #tpu.memory_space<vmem>> -> memref<1024xf32, #tpu.memory_space<vmem>>
        tpu.wait_dma2 semaphore(%run_scoped3A_289 : memref<!tpu.dma_semaphore, #tpu.memory_space<semaphore_mem>>) src(%dma_wait3A_305 : memref<1024xf32, #tpu.memory_space<vmem>>) dst(%dma_wait3A_302 : memref<1024xf32, #tpu.memory_space<hbm>>)
        tpu.yield
      }) : () -> ()
      %run_scoped3A_286 = arith.constant 2 : i32
      "tpu.region"() ({
        %run_scoped3A_289 = tpu.sem_alloc : memref<!tpu.dma_semaphore, #tpu.memory_space<semaphore_mem>>
        %dma_start3A_290 = arith.constant 0 : i32
        %dma_start3A_291 = tpu.memref_slice %arg17[%run_scoped3A_286, %dma_start3A_290] : memref<4x1024xf32, #tpu.memory_space<vmem>> -> memref<1x1024xf32, #tpu.memory_space<vmem>>
        %dma_start3A_292 = tpu.memref_squeeze %dma_start3A_291 : memref<1x1024xf32, #tpu.memory_space<vmem>> -> memref<1024xf32, #tpu.memory_space<vmem>>
        %dma_start3A_293 = tpu.memref_slice %arg11[%add3A_13] : memref<1048576xf32, #tpu.memory_space<hbm>> -> memref<1024xf32, #tpu.memory_space<hbm>>
        %dma_start3A_294 = tpu.memref_slice %arg11[%add3A_13] : memref<1048576xf32, #tpu.memory_space<hbm>> -> memref<1024xf32, #tpu.memory_space<hbm>>
        %dma_start3A_295 = arith.constant 0 : i32
        %dma_start3A_296 = tpu.memref_slice %arg17[%run_scoped3A_286, %dma_start3A_295] : memref<4x1024xf32, #tpu.memory_space<vmem>> -> memref<1x1024xf32, #tpu.memory_space<vmem>>
        %dma_start3A_297 = tpu.memref_squeeze %dma_start3A_296 : memref<1x1024xf32, #tpu.memory_space<vmem>> -> memref<1024xf32, #tpu.memory_space<vmem>>
        tpu.enqueue_dma source(%dma_start3A_297 : memref<1024xf32, #tpu.memory_space<vmem>>) target(%dma_start3A_294 : memref<1024xf32, #tpu.memory_space<hbm>>) target_semaphore(%run_scoped3A_289 : memref<!tpu.dma_semaphore, #tpu.memory_space<semaphore_mem>>)
        %dma_wait3A_298 = arith.constant 0 : i32
        %dma_wait3A_299 = tpu.memref_slice %arg17[%run_scoped3A_286, %dma_wait3A_298] : memref<4x1024xf32, #tpu.memory_space<vmem>> -> memref<1x1024xf32, #tpu.memory_space<vmem>>
        %dma_wait3A_300 = tpu.memref_squeeze %dma_wait3A_299 : memref<1x1024xf32, #tpu.memory_space<vmem>> -> memref<1024xf32, #tpu.memory_space<vmem>>
        %dma_wait3A_301 = tpu.memref_slice %arg11[%add3A_13] : memref<1048576xf32, #tpu.memory_space<hbm>> -> memref<1024xf32, #tpu.memory_space<hbm>>
        %dma_wait3A_302 = tpu.memref_slice %arg11[%add3A_13] : memref<1048576xf32, #tpu.memory_space<hbm>> -> memref<1024xf32, #tpu.memory_space<hbm>>
        %dma_wait3A_303 = arith.constant 0 : i32
        %dma_wait3A_304 = tpu.memref_slice %arg17[%run_scoped3A_286, %dma_wait3A_303] : memref<4x1024xf32, #tpu.memory_space<vmem>> -> memref<1x1024xf32, #tpu.memory_space<vmem>>
        %dma_wait3A_305 = tpu.memref_squeeze %dma_wait3A_304 : memref<1x1024xf32, #tpu.memory_space<vmem>> -> memref<1024xf32, #tpu.memory_space<vmem>>
        tpu.wait_dma2 semaphore(%run_scoped3A_289 : memref<!tpu.dma_semaphore, #tpu.memory_space<semaphore_mem>>) src(%dma_wait3A_305 : memref<1024xf32, #tpu.memory_space<vmem>>) dst(%dma_wait3A_302 : memref<1024xf32, #tpu.memory_space<hbm>>)
        tpu.yield
      }) : () -> ()
      %run_scoped3A_287 = arith.constant 3 : i32
      "tpu.region"() ({
        %run_scoped3A_289 = tpu.sem_alloc : memref<!tpu.dma_semaphore, #tpu.memory_space<semaphore_mem>>
        %dma_start3A_290 = arith.constant 0 : i32
        %dma_start3A_291 = tpu.memref_slice %arg17[%run_scoped3A_287, %dma_start3A_290] : memref<4x1024xf32, #tpu.memory_space<vmem>> -> memref<1x1024xf32, #tpu.memory_space<vmem>>
        %dma_start3A_292 = tpu.memref_squeeze %dma_start3A_291 : memref<1x1024xf32, #tpu.memory_space<vmem>> -> memref<1024xf32, #tpu.memory_space<vmem>>
        %dma_start3A_293 = tpu.memref_slice %arg12[%add3A_13] : memref<1048576xf32, #tpu.memory_space<hbm>> -> memref<1024xf32, #tpu.memory_space<hbm>>
        %dma_start3A_294 = tpu.memref_slice %arg12[%add3A_13] : memref<1048576xf32, #tpu.memory_space<hbm>> -> memref<1024xf32, #tpu.memory_space<hbm>>
        %dma_start3A_295 = arith.constant 0 : i32
        %dma_start3A_296 = tpu.memref_slice %arg17[%run_scoped3A_287, %dma_start3A_295] : memref<4x1024xf32, #tpu.memory_space<vmem>> -> memref<1x1024xf32, #tpu.memory_space<vmem>>
        %dma_start3A_297 = tpu.memref_squeeze %dma_start3A_296 : memref<1x1024xf32, #tpu.memory_space<vmem>> -> memref<1024xf32, #tpu.memory_space<vmem>>
        tpu.enqueue_dma source(%dma_start3A_297 : memref<1024xf32, #tpu.memory_space<vmem>>) target(%dma_start3A_294 : memref<1024xf32, #tpu.memory_space<hbm>>) target_semaphore(%run_scoped3A_289 : memref<!tpu.dma_semaphore, #tpu.memory_space<semaphore_mem>>)
        %dma_wait3A_298 = arith.constant 0 : i32
        %dma_wait3A_299 = tpu.memref_slice %arg17[%run_scoped3A_287, %dma_wait3A_298] : memref<4x1024xf32, #tpu.memory_space<vmem>> -> memref<1x1024xf32, #tpu.memory_space<vmem>>
        %dma_wait3A_300 = tpu.memref_squeeze %dma_wait3A_299 : memref<1x1024xf32, #tpu.memory_space<vmem>> -> memref<1024xf32, #tpu.memory_space<vmem>>
        %dma_wait3A_301 = tpu.memref_slice %arg12[%add3A_13] : memref<1048576xf32, #tpu.memory_space<hbm>> -> memref<1024xf32, #tpu.memory_space<hbm>>
        %dma_wait3A_302 = tpu.memref_slice %arg12[%add3A_13] : memref<1048576xf32, #tpu.memory_space<hbm>> -> memref<1024xf32, #tpu.memory_space<hbm>>
        %dma_wait3A_303 = arith.constant 0 : i32
        %dma_wait3A_304 = tpu.memref_slice %arg17[%run_scoped3A_287, %dma_wait3A_303] : memref<4x1024xf32, #tpu.memory_space<vmem>> -> memref<1x1024xf32, #tpu.memory_space<vmem>>
        %dma_wait3A_305 = tpu.memref_squeeze %dma_wait3A_304 : memref<1x1024xf32, #tpu.memory_space<vmem>> -> memref<1024xf32, #tpu.memory_space<vmem>>
        tpu.wait_dma2 semaphore(%run_scoped3A_289 : memref<!tpu.dma_semaphore, #tpu.memory_space<semaphore_mem>>) src(%dma_wait3A_305 : memref<1024xf32, #tpu.memory_space<vmem>>) dst(%dma_wait3A_302 : memref<1024xf32, #tpu.memory_space<hbm>>)
        tpu.yield
      }) : () -> ()
      %scan3A_288 = arith.constant 0 : i32
      scf.yield %scan3A_288 : i32
    }
    %scan3A_6 = arith.constant 32 : i32
    return
  }
}

</mosaic_0001>

<sc_bundles>
// kernel: kernel.4.cloned.1.call-start
scs
__scs_entry_jumppad:
0x0: {  	(pc) =	sbr.rel $0x88, $3  }
0x1: {  	(tag) =	ssettag $0x0;
	lr =	simm.s32 $0x1  }
0x2: {  	[smem:$0x3F9E] =	sst lr;
	_ =	strace $0xD0000000  }
0x3: {  	_ = 	snop  }
0x4: {  	_ = 	snop  }
0x5: {  	_ = 	snop  }
0x6: {  	_ = 	snop  }
0x7: {  	_ = 	snop  }
__scs_overlays_trampoline_lowered:
0x8: {  	[smem:$0x3FAD] =	sst s0  }
0x9: {  	[smem:$0x3FAE] =	sst s1  }
0xa: {  	[smem:$0x3FAF] =	sst s2  }
0xb: {  	[smem:$0x3FB0] =	sst s3  }
0xc: {  	[smem:$0x3FB1] =	sst s4  }
0xd: {  	[smem:$0x3FB2] =	sst s5  }
0xe: {  	[smem:$0x3FB3] =	sst s6  }
0xf: {  	[smem:$0x3FB4] =	sst s7  }
0x10: {  	[smem:$0x3FB5] =	sst s8  }
0x11: {  	[smem:$0x3FB6] =	sst s9;
	s0 =	simm.s32 @!p0 $0x0  }
0x12: {  	s1 =	sld [smem:$0x3F9C];
	s0 =	simm.s32 @p0 $0x1  }
0x13: {  	[smem:$0x3FB7] =	sst s0;
	s0 =	simm.s32 @!p1 $0x0  }
0x14: {  	s2 =	sld [smem:$0x3F9B];
	s0 =	simm.s32 @p1 $0x1  }
0x15: {  	[smem:$0x3FB8] =	sst s0;
	s0 =	simm.s32 @!p2 $0x0  }
0x16: {  	s3 =	sld [smem:$0x3FDB];
	s0 =	simm.s32 @p2 $0x1  }
0x17: {  	s4 =	simm.s32 $0x1BF5;
	[smem:$0x3FBA] =	sst s0  }
0x18: {  	s0 =	sld [smem:$0x3F9D];
	_ =	swait.ge [sflag:s4], $0x0  }
0x19: {  	s7 =	sld [smem:$0x3F9E]  }
0x1a: {  	s8 =	sadd.s32 $0xFFFFE003, lr  }
0x1b: {  	s9 =	sadd.s32 $0xFFFFFEF7, lr;
	s5 =	simm.s32 $0xFFFFFFFF;
	p2 =	slt.u32 s8, $0xFFFFF086  }
0x1c: {  	p1 =	slt.u32 s9, $0xF7A;
	s5 =	simm.s32 @!p2 $0x0  }
0x1d: {  	s5 =	simm.s32 @p1 $0x1;
	p0 =	seq.s32 s7, s2  }
0x1e: {  	s7 =	smul.u32 @!p0 $0xF7A, s2;
	p2 =	seq.s32 @!p0 s5, $0x0  }
0x1f: {  	s9 =	smul.u32 $0xF7A, s1;
	s8 =	simm.s32 @!p0 $0x1BF5;
	p2 =	por !p2, p0  }
0x20: {  	[sflag:s8] =	ssyncset.s32 @!p0 $0xFFFFF086;
	s6 =	sadd.s32 @!p0 s3, s7;
	s7 =	simm.s32 @!p0 $0x108  }
0x21: {  	s3 =	sadd.s32 s3, s9;
	s6 =	sadd.s32 @!p0 $0x88, s6;
	s7 =	simm.s32 @p2 $0x1082  }
0x22: {  	[simem:s7], [sflag:s8] =	dma.local @!p0 [hbm:s6], $0xF7A  }
0x23: {  	s9 =	sor.u32 $0xD0000000, s2;
	s6 =	simm.s32 $0x108;
	_ =	swait.ge @!p0 [sflag:s8], $0x0  }
0x24: {  	s3 =	sadd.s32 $0x88, s3;
	s6 =	simm.s32 @!p1 $0x1082;
	[sflag:s4] =	ssyncset.s32 $0xFFFFF086  }
0x25: {  	[simem:s6], [sflag:s4] =	dma.local [hbm:s3], $0xF7A  }
0x26: {  	[smem:$0x3F9E] =	sst s1;
	(tag) =	ssettag s2;
	_ =	strace s9  }
0x27: {  	s1 =	sld [smem:$0x3FAE]  }
0x28: {  	s2 =	sld [smem:$0x3FAF]  }
0x29: {  	s4 =	sld [smem:$0x3FB1]  }
0x2a: {  	p0 =	seq.s32 s5, $0x0;
	s5 =	sld [smem:$0x3FB2]  }
0x2b: {  	s6 =	sld [smem:$0x3FB3]  }
0x2c: {  	s7 =	sld [smem:$0x3FB4]  }
0x2d: {  	s3 =	simm.s32 $0x108;
	s8 =	sld [smem:$0x3FB5]  }
0x2e: {  	s3 =	simm.s32 @!p0 $0x1082;
	s9 =	sld [smem:$0x3FB6]  }
0x2f: {  	lr =	sadd.s32 s0, s3;
	s0 =	sld [smem:$0x3FAD]  }
0x30: {  	s3 =	sld [smem:$0x3FB0]  }
0x31: {  	[smem:$0x3FB9] =	sst s10  }
0x32: {  	s10 =	sld [smem:$0x3FB7];
	_ =	sdelay $0x3  }
0x33: {  	p0 =	seq.s32 s10, $0x1;
	s10 =	sld [smem:$0x3FB9];
	_ =	sdelay $0x3  }
0x34: {  	[smem:$0x3FB9] =	sst s10  }
0x35: {  	s10 =	sld [smem:$0x3FB8];
	_ =	sdelay $0x3  }
0x36: {  	p1 =	seq.s32 s10, $0x1;
	s10 =	sld [smem:$0x3FB9];
	_ =	sdelay $0x3  }
0x37: {  	[smem:$0x3FB9] =	sst s10  }
0x38: {  	s10 =	sld [smem:$0x3FBA]  }
0x39: {  	_ = 	snop;
	(pc) =	sbr.ind lr, $3  }
0x3a: {  	_ = 	snop  }
0x3b: {  	_ = 	snop  }
0x3c: {  	p2 =	seq.s32 s10, $0x1;
	s10 =	sld [smem:$0x3FB9]  }
0x3d: {  	_ =	shalt  }
0x3e: {  	_ =	shalt  }
0x3f: {  	_ =	shalt  }
0x40: {  	_ =	shalt  }
0x41: {  	_ =	shalt  }
0x42: {  	_ =	shalt  }
0x43: {  	_ =	shalt  }
0x44: {  	_ =	shalt  }
0x45: {  	_ =	shalt  }
0x46: {  	_ =	shalt  }
0x47: {  	_ =	shalt  }
0x48: {  	_ =	shalt  }
0x49: {  	_ =	shalt  }
0x4a: {  	_ =	shalt  }
0x4b: {  	_ =	shalt  }
0x4c: {  	_ =	shalt  }
0x4d: {  	_ =	shalt  }
0x4e: {  	_ =	shalt  }
0x4f: {  	_ =	shalt  }
0x50: {  	_ =	shalt  }
0x51: {  	_ =	shalt  }
0x52: {  	_ =	shalt  }
0x53: {  	_ =	shalt  }
0x54: {  	_ =	shalt  }
0x55: {  	_ =	shalt  }
0x56: {  	_ =	shalt  }
0x57: {  	_ =	shalt  }
0x58: {  	_ =	shalt  }
0x59: {  	_ =	shalt  }
0x5a: {  	_ =	shalt  }
0x5b: {  	_ =	shalt  }
0x5c: {  	_ =	shalt  }
0x5d: {  	_ =	shalt  }
0x5e: {  	_ =	shalt  }
0x5f: {  	_ =	shalt  }
0x60: {  	_ =	shalt  }
0x61: {  	_ =	shalt  }
0x62: {  	_ =	shalt  }
0x63: {  	_ =	shalt  }
0x64: {  	_ =	shalt  }
0x65: {  	_ =	shalt  }
0x66: {  	_ =	shalt  }
0x67: {  	_ =	shalt  }
0x68: {  	_ =	shalt  }
0x69: {  	_ =	shalt  }
0x6a: {  	_ =	shalt  }
0x6b: {  	_ =	shalt  }
0x6c: {  	_ =	shalt  }
0x6d: {  	_ =	shalt  }
0x6e: {  	_ =	shalt  }
0x6f: {  	_ =	shalt  }
0x70: {  	_ =	shalt  }
0x71: {  	_ =	shalt  }
0x72: {  	_ =	shalt  }
0x73: {  	_ =	shalt  }
0x74: {  	_ =	shalt  }
0x75: {  	_ =	shalt  }
0x76: {  	_ =	shalt  }
0x77: {  	_ =	shalt  }
0x78: {  	_ =	shalt  }
0x79: {  	_ =	shalt  }
0x7a: {  	_ =	shalt  }
0x7b: {  	_ =	shalt  }
0x7c: {  	_ =	shalt  }
0x7d: {  	_ =	shalt  }
0x7e: {  	_ =	shalt  }
0x7f: {  	_ =	shalt  }
0x80: {  	_ =	shalt  }
0x81: {  	_ =	shalt  }
0x82: {  	_ =	shalt  }
0x83: {  	_ =	shalt  }
0x84: {  	_ =	shalt  }
0x85: {  	_ =	shalt  }
0x86: {  	_ =	shalt  }
0x87: {  	_ =	shalt  }
.Lfunc_end0:
.L_simem_size_0:
called_computation_lowered:
.L_overlay_start_0:
0x88: {  	s2 =	sld [smem:$0x3FD9]  }
0x89: {  	s3 =	sld [smem:$0x3FFE];
	_ =	sdelay $0x1  }
0x8a: {  	s1 =	srdreg.scid  }
0x8b: {  	s0 =	sand.u32 $0x1, s1  }
0x8c: {  	s17 =	sshll.u32 s0, $0xA;
	s2 =	sadd.s32 s3, s2  }
0x8d: {  	s2 =	sadd.s32 s2, s17  }
0x8e: {  	[smem:$0x3FC5] =	sst s2  }
0x8f: {  	_ = 	snop  }
0x90: {  	s2 =	sld [smem:$0x3FC7];
	(tm) =	ssettm $0x1  }
0x91: {  	s18 =	sld [smem:$0x3FFB];
	_ =	sdelay $0x3  }
0x92: {  	_ =	strace s18  }
0x93: {  	s3 =	sld [smem:$0x3FFC];
	_ =	sdelay $0x3  }
0x94: {  	_ =	strace s3  }
0x95: {  	s3 =	sld [smem:$0x3FFD];
	_ =	sdelay $0x3  }
0x96: {  	_ =	strace s3  }
0x97: {  	_ =	strace $0x8FFFFFFF  }
0x98: {  	s19 =	sld [smem:$0x3FDB];
	_ =	sdelay $0x1  }
0x99: {  	s4 =	simm.s32 $_scs_section_size  }
0x9a: {  	s5 =	simm.s32 $_size__tile_overlayer_lowered;
	s6 =	simm.s32 $_tile_overlayer_lowered  }
0x9b: {  	s22 =	simm.s32 $0x1BFF;
	s21 =	sshll.u32 s6, $0x1;
	s3 =	sadd.s32 s4, s19  }
0x9c: {  	s7 =	simm.s32 $0x0;
	s20 =	sshll.u32 s5, $0x1;
	s5 =	sadd.s32 s21, s3  }
0x9d: {  	[timem:s7], [sflag:s22] =	dma.local [hbm:s5], s20  }
0x9e: {  	_ =	swait.ge [sflag:s22], s20  }
0x9f: {  	s4 =	ssub.s32 $0x0, s20;
	[sflag:s22] =	ssyncset.done $0x0  }
0xa0: {  	[sflag:s22] =	ssyncadd.s32 s4;
	_ =	sdelay $0x1  }
0xa1: {  	s23 =	simm.s32 $0x1B8B  }
0xa2: {  	_ =	swait.ge [sflag:s23], $0x1  }
0xa3: {  	[sflag:s23] =	ssyncset.done $0x0  }
0xa4: {  	s25 =	simm.s32 $0x1B8E;
	s24 =	sld [smem:$0x3FFE];
	[sflag:s23] =	ssyncadd.s32 $0xFFFFFFFF  }
0xa5: {  	s26 =	simm.s32 $execute0_lowered;
	[smem:$0x3FD2] =	sst s25  }
0xa6: {  	s5 =	sshll.u32 s26, $0x1;
	_ =	strace $0x80000046;
	[dreg:$0x1] =	wrdreg $0xFFFFFFFF  }
0xa7: {  	s28 =	simm.s32 $_size_execute0_lowered;
	s3 =	sadd.s32 s3, s5;
	[dreg:$0x0] =	wrdreg $0x0  }
0xa8: {  	s5 =	sshll.u32 s28, $0x1;
	[dreg:$0x2] =	wrdreg s3  }
0xa9: {  	[dreg:$0x3] =	wrdreg s5  }
0xaa: {  	[dreg:$0x4] =	wrdreg $0xC0  }
0xab: {  	_ =	task [dreg:s7], $0x5FFFF  }
0xac: {  	[dreg:$0x1] =	wrdreg $0xFFFFFFFF  }
0xad: {  	[dreg:$0x0] =	wrdreg $0x60  }
0xae: {  	[dreg:$0x2] =	wrdreg s2  }
0xaf: {  	[dreg:$0x3] =	wrdreg s24  }
0xb0: {  	[dreg:$0x4] =	wrdreg $0x9  }
0xb1: {  	_ =	task.clear_ibuf [dreg:s7], $0x5FFFF;
	_ =	strace $0x90000046  }
0xb2: {  	s29 =	simm.s32 $0x9;
	_ =	strace $0x80000048  }
0xb3: {  	_ =	swait.ge [sflag:s29], $0x1  }
0xb4: {  	[sflag:s29] =	ssyncadd.s32 $0xFFFFFFFF  }
0xb5: {  	_ =	strace $0x90000048  }
0xb6: {  	_ =	sfence  }
0xb7: {  	s30 =	sld [smem:$0x0];
	_ =	sdelay $0x2  }
0xb8: {  	s31 =	sshll.u32 s1, $0xD;
	s1 =	sshrl.u32 s1, $0x2  }
0xb9: {  	s3 =	sand.u32 $0x4000, s31;
	s1 =	sadd.s32 s1, s30  }
0xba: {  	s0 =	sor.u32 s3, s0;
	s1 =	sshll.u32 s1, $0x11  }
0xbb: {  	s0 =	sor.u32 s1, s0  }
0xbc: {  	s0 =	sadd.s32 $0x8F2B, s0  }
0xbd: {  	[sflag:s0] =	ssyncadd.remote.s32 $0x1  }
0xbe: {  	_ =	sfence.sel $0xFFFF  }
0xbf: {  	[dreg:$0x0] =	wrdreg $0xFFFFFFFF;
	(pc) =	sbr.abs _section_cstart, $3  }
0xc0: {  	[dreg:$0x1] =	wrdreg $0xFFFFFFFF  }
0xc1: {  	_ =	task.clear_ibuf [dreg:s7], $0x2FFFF;
	_ =	strace $0x9FFFFFFF  }
0xc2: {  	(tm) =	ssettm $0x7FFFFFFF  }
0xc3: {  	_ =	shalt  }
tec
execute0_lowered:
.L_overlay_start_1:
0x0: {  	(tag) =	ssettag $0x1  }
0x1: {  	s1 =	srdreg.scid  }
0x2: {  	s2 =	rddreg [dreg:$0x0];
	s0 =	stileid.u32  }
0x3: {  	s6 =	rddreg [dreg:$0x1];
	s3 =	simm.s32 $0x0;
	s9 =	simm.s32 $0x4000  }
0x4: {  	s10 =	simm.s32 $0x7000;
	s11 =	simm.s32 $0x1;
	s12 =	simm.s32 $0xE000  }
0x5: {  	s13 =	simm.s32 $0x2;
	s14 =	simm.s32 $0x12000;
	s5 =	sand.u32 $0x1, s1  }
0x6: {  	s4 =	sshll.u32 s0, $0x11;
	s1 =	rddreg [dreg:$0x2];
	s7 =	sshll.u32 s5, $0x10  }
0x7: {  	s15 =	simm.s32 $0x0;
	[smem:$0x7FF] =	sst s3;
	s4 =	sor.u32 s7, s4  }
0x8: {  	s5 =	ssub.s32 $0x2, s5;
	s7 =	sshrl.u32 s4, $0xE;
	s8 =	sshll.u32 s4, $0x1  }
0x9: {  	s31 =	sshrl.u32 s5, $0x1;
	s7 =	smul.u32 $0xE000, s7;
	s6 =	sadd.s32 s8, s6  }
0xa: {  	v0 =	vlaneseq.u32;
	_ =	strace $0x80000047;
	s8 =	ssub.s32 s5, s31;
	s6 =	sadd.s32 $0x1200, s6  }
0xb: {  	v0 =	vmul.u32 $0x10, v0;
	s5 =	sadd.s32 s2, s7;
	s7 =	smax.u32 s8, $0x1;
	s8 =	simm.s32 $0x400  }
.LBB2_1:
0xc: {  	[tilespmem:s3], [sflag:$0x1] =	stream.strided.gather [hbm4b:s5+s8], $0x7000, s9, s8, $0x38;
	[tilespmem:$0x16000] =	vst v63  }
0xd: {  	s16 =	simm.s32 $0x0  }
.LBB2_2:
0xe: {  	s17 =	sshllo.u32 s16, $0x1  }
0xf: {  	s18 =	sshll.u32 s17, $0xA  }
0x10: {  	s19 =	sor.u32 s4, s18  }
0x11: {  	s19 =	sshrl.u32 s19, $0xE  }
0x12: {  	s19 =	smul.u32 $0x70000, s19  }
0x13: {  	s18 =	sand.u32 $0x3C00, s18  }
0x14: {  	s18 =	sor.u32 s18, s19  }
0x15: {  	s18 =	sshrl.u32 s18, $0x3  }
0x16: {  	s18 =	sadd.s32 s2, s18  }
0x17: {  	[tilespmem:s10], [sflag:$0x1] =	stream.strided.gather [hbm4b:s18+s8], $0x7000, s9, s8, $0x38;
	[tilespmem:$0x16000] =	vst v63  }
0x18: {  	_ =	swait.ge [sflag:s11], $0x7000  }
0x19: {  	p0 =	seq.s32 s16, $0x0;
	[sflag:s11] =	ssyncset.done $0x0  }
0x1a: {  	s18 =	simm.s32 @!p0 $0x2;
	[sflag:s11] =	ssyncadd.s32 $0xFFFF9000  }
0x1b: {  	_ =	swait.ge @!p0 [sflag:s18], $0x4000  }
0x1c: {  	[sflag:s18] =	ssyncset.done @!p0 $0x0  }
0x1d: {  	[sflag:s18] =	ssyncadd.s32 @!p0 $0xFFFFC000;
	s18 =	simm.s32 $0x0  }
0x1e: {  	v1 =	vld [tilespmem:s18+$0x10]  }
0x1f: {  	v2 =	vld [tilespmem:s18+$0x410]  }
0x20: {  	v3 =	vld [tilespmem:s18+$0x810]  }
0x21: {  	v4 =	vld [tilespmem:s18+$0xC10]  }
0x22: {  	v5 =	vld [tilespmem:s18+$0x1010]  }
0x23: {  	v6 =	vld [tilespmem:s18+$0x1410]  }
0x24: {  	v7 =	vld [tilespmem:s18+$0x1810]  }
0x25: {  	v8 =	vld [tilespmem:s18+$0x1C10]  }
0x26: {  	v9 =	vld [tilespmem:s18+$0x2010]  }
0x27: {  	v10 =	vld [tilespmem:s18+$0x2410]  }
0x28: {  	v11 =	vld [tilespmem:s18+$0x2810]  }
0x29: {  	v12 =	vld [tilespmem:s18+$0x2C10]  }
0x2a: {  	v13 =	vld [tilespmem:s18+$0x3010]  }
0x2b: {  	v14 =	vld [tilespmem:s18+$0x3410]  }
0x2c: {  	v15 =	vld [tilespmem:s18+$0x3810]  }
0x2d: {  	v16 =	vld [tilespmem:s18+$0x3C10]  }
0x2e: {  	v17 =	vld [tilespmem:s18+$0x4010]  }
0x2f: {  	v18 =	vld [tilespmem:s18+$0x4410]  }
0x30: {  	v19 =	vld [tilespmem:s18+$0x4810]  }
0x31: {  	v20 =	vld [tilespmem:s18+$0x4C10]  }
0x32: {  	v21 =	vld [tilespmem:s18+$0x5010]  }
0x33: {  	v22 =	vld [tilespmem:s18+$0x5410]  }
0x34: {  	v23 =	vld [tilespmem:s18+$0x5810]  }
0x35: {  	v24 =	vld [tilespmem:s18+$0x5C10]  }
0x36: {  	v26 =	vld [tilespmem:s18+$0x6010]  }
0x37: {  	v27 =	vld [tilespmem:s18+$0x6410]  }
0x38: {  	v28 =	vld [tilespmem:s18+$0x6810]  }
0x39: {  	v29 =	vld [tilespmem:s18+$0x6C10]  }
0x3a: {  	v25 =	vld [tilespmem:s18+$0x0]  }
0x3b: {  	v30 =	vld [tilespmem:s18+$0x400]  }
0x3c: {  	v31 =	vld [tilespmem:s18+$0x800]  }
0x3d: {  	v32 =	vld [tilespmem:s18+$0xC00]  }
0x3e: {  	v33 =	vld [tilespmem:s18+$0x1000]  }
0x3f: {  	s31 =	simm.s32 $0x10;
	v34 =	vld [tilespmem:s18+$0x1400]  }
0x40: {  	v35 =	vmov s31;
	v36 =	vld [tilespmem:s18+$0x1800]  }
0x41: {  	v35 =	vshll.u32 v35, $0x4;
	v37 =	vld [tilespmem:s18+$0x1C00]  }
0x42: {  	v35 =	vor.u32 v0, v35;
	v38 =	vld [tilespmem:s18+$0x2000]  }
0x43: {  	v40 =	vld [tilespmem:s18+$0x2400]  }
0x44: {  	v39 =	vor.u32 $0x1, v35;
	v42 =	vld [tilespmem:s18+$0x2800]  }
0x45: {  	v41 =	vor.u32 $0x2, v35;
	v43 =	vor.u32 $0x3, v35;
	v44 =	vld [tilespmem:s18+$0x2C00]  }
0x46: {  	v46 =	vor.u32 $0x4, v35;
	v45 =	vmov s18;
	v47 =	vld [tilespmem:s18+$0x3000];
	v1 =	vpack.i.f32.bf16 v2, v1  }
0x47: {  	v58 =	vld [tilespmem:s18+$0x3400];
	v2 =	vshll.u32 v45, $0x4;
	v51 =	vpack.i.f32.bf16 v30, v25;
	[tilespmem:v35+s12+$0x0] =	vst.idx.msk $0xffff, v1;
	v1 =	vpack.i.f32.bf16 v4, v3  }
0x48: {  	v48 =	vld [tilespmem:s18+$0x3800];
	v4 =	vor.u32 $0x5, v35;
	v59 =	vor.u32 v0, v2;
	v2 =	vpack.i.f32.bf16 v8, v7  }
0x49: {  	v60 =	vld [tilespmem:s18+$0x3C00];
	v3 =	vpack.i.f32.bf16 v10, v9;
	[tilespmem:v39+s12+$0x0] =	vst.idx.msk $0xffff, v1;
	v1 =	vpack.i.f32.bf16 v6, v5;
	v5 =	vor.u32 $0x6, v35  }
0x4a: {  	v61 =	vld [tilespmem:s18+$0x4000];
	v7 =	vor.u32 $0x8, v35;
	v8 =	vpack.i.f32.bf16 v12, v11;
	v6 =	vor.u32 $0x7, v35;
	[tilespmem:v41+s12+$0x0] =	vst.idx.msk $0xffff, v1  }
0x4b: {  	v62 =	vld [tilespmem:s18+$0x4400];
	v9 =	vor.u32 $0x9, v35;
	v10 =	vor.u32 $0xA, v35;
	v11 =	vor.u32 $0xB, v35;
	[tilespmem:v43+s12+$0x0] =	vst.idx.msk $0xffff, v2  }
0x4c: {  	v49 =	vld [tilespmem:s18+$0x4C00];
	v12 =	vor.u32 $0xC, v35;
	v1 =	vor.u32 $0x1, v59;
	v2 =	vor.u32 $0x2, v59;
	[tilespmem:v46+s12+$0x0] =	vst.idx.msk $0xffff, v3  }
0x4d: {  	v50 =	vld [tilespmem:s18+$0x5000];
	v3 =	vor.u32 $0x3, v59;
	[tilespmem:v4+s12+$0x0] =	vst.idx.msk $0xffff, v8;
	v8 =	vpack.i.f32.bf16 v14, v13;
	v13 =	vpack.i.f32.bf16 v20, v19  }
0x4e: {  	v63 =	vld [tilespmem:s18+$0x5400];
	v4 =	vor.u32 $0x4, v59;
	v19 =	vpack.i.f32.bf16 v44, v42;
	[tilespmem:v5+s12+$0x0] =	vst.idx.msk $0xffff, v8;
	v8 =	vpack.i.f32.bf16 v16, v15  }
0x4f: {  	v25 =	vld [tilespmem:s18+$0x5C00];
	v20 =	vpack.i.f32.bf16 v58, v47;
	v5 =	vor.u32 $0x5, v59;
	[tilespmem:v6+s12+$0x0] =	vst.idx.msk $0xffff, v8;
	v8 =	vpack.i.f32.bf16 v18, v17  }
0x50: {  	v14 =	vld [tilespmem:s18+$0x4800];
	v15 =	vpack.i.f32.bf16 v32, v31;
	v16 =	vpack.i.f32.bf16 v34, v33;
	v6 =	vor.u32 $0x6, v59;
	[tilespmem:v7+s12+$0x0] =	vst.idx.msk $0xffff, v8  }
0x51: {  	v30 =	vld [tilespmem:s18+$0x6C00];
	v18 =	vor.u32 $0xD, v35;
	v17 =	vpack.i.f32.bf16 v37, v36;
	[tilespmem:v9+s12+$0x0] =	vst.idx.msk $0xffff, v13;
	v13 =	vpack.i.f32.bf16 v22, v21  }
0x52: {  	v7 =	vor.u32 $0x7, v59;
	v8 =	vor.u32 $0x8, v59;
	v21 =	vld [tilespmem:s18+$0x5800];
	[tilespmem:v10+s12+$0x0] =	vst.idx.msk $0xffff, v13;
	v13 =	vpack.i.f32.bf16 v24, v23  }
0x53: {  	v9 =	vor.u32 $0x9, v59;
	v22 =	vpack.i.f32.bf16 v60, v48;
	v24 =	vld [tilespmem:s18+$0x6000];
	[tilespmem:v11+s12+$0x0] =	vst.idx.msk $0xffff, v13;
	v13 =	vpack.i.f32.bf16 v27, v26  }
0x54: {  	v10 =	vor.u32 $0xA, v59;
	v23 =	vpack.i.f32.bf16 v62, v61;
	[tilespmem:v12+s12+$0x0] =	vst.idx.msk $0xffff, v13;
	v13 =	vpack.i.f32.bf16 v29, v28;
	v29 =	vld [tilespmem:s18+$0x6400]  }
0x55: {  	v11 =	vor.u32 $0xB, v59;
	v26 =	vpack.i.f32.bf16 v49, v14;
	v27 =	vpack.i.f32.bf16 v63, v50;
	v28 =	vld [tilespmem:s18+$0x6800];
	[tilespmem:v59+s12+$0x0] =	vst.idx.msk $0xffff, v51  }
0x56: {  	s20 =	simm.s32 $0x20;
	s19 =	simm.s32 $0x0;
	v12 =	vor.u32 $0xC, v59;
	[tilespmem:v18+s12+$0x0] =	vst.idx.msk $0xffff, v13;
	v18 =	vpack.i.f32.bf16 v40, v38;
	v13 =	vor.u32 $0xD, v59  }
.LBB2_3:
0x57: {  	v31 =	vld [tilespmem:s20+$0x10];
	[tilespmem:v1+s12+$0x0] =	vst.idx.msk $0xffff, v15;
	v1 =	vpack.i.f32.bf16 v25, v21  }
0x58: {  	v15 =	vld [tilespmem:s20+$0x410];
	[tilespmem:v2+s12+$0x0] =	vst.idx.msk $0xffff, v16  }
0x59: {  	v16 =	vld [tilespmem:s20+$0x810];
	[tilespmem:v3+s12+$0x0] =	vst.idx.msk $0xffff, v17;
	v2 =	vpack.i.f32.bf16 v29, v24  }
0x5a: {  	v17 =	vld [tilespmem:s20+$0xC10];
	[tilespmem:v4+s12+$0x0] =	vst.idx.msk $0xffff, v18  }
0x5b: {  	v18 =	vld [tilespmem:s20+$0x1010];
	[tilespmem:v5+s12+$0x0] =	vst.idx.msk $0xffff, v19;
	v3 =	vpack.i.f32.bf16 v30, v28  }
0x5c: {  	v19 =	vld [tilespmem:s20+$0x1410];
	[tilespmem:v6+s12+$0x0] =	vst.idx.msk $0xffff, v20  }
0x5d: {  	v20 =	vld [tilespmem:s20+$0x1810];
	[tilespmem:v7+s12+$0x0] =	vst.idx.msk $0xffff, v22  }
0x5e: {  	v21 =	vld [tilespmem:s20+$0x1C10];
	[tilespmem:v8+s12+$0x0] =	vst.idx.msk $0xffff, v23  }
0x5f: {  	v22 =	vld [tilespmem:s20+$0x2010];
	[tilespmem:v9+s12+$0x0] =	vst.idx.msk $0xffff, v26  }
0x60: {  	v23 =	vld [tilespmem:s20+$0x2410];
	[tilespmem:v10+s12+$0x0] =	vst.idx.msk $0xffff, v27  }
0x61: {  	v24 =	vld [tilespmem:s20+$0x2810];
	[tilespmem:v11+s12+$0x0] =	vst.idx.msk $0xffff, v1  }
0x62: {  	v25 =	vld [tilespmem:s20+$0x2C10];
	[tilespmem:v12+s12+$0x0] =	vst.idx.msk $0xffff, v2  }
0x63: {  	v26 =	vld [tilespmem:s20+$0x3010];
	[tilespmem:v13+s12+$0x0] =	vst.idx.msk $0xffff, v3  }
0x64: {  	v27 =	vld [tilespmem:s20+$0x3410]  }
0x65: {  	v28 =	vld [tilespmem:s20+$0x3810]  }
0x66: {  	v29 =	vld [tilespmem:s20+$0x3C10]  }
0x67: {  	v30 =	vld [tilespmem:s20+$0x4010]  }
0x68: {  	v32 =	vld [tilespmem:s20+$0x4410]  }
0x69: {  	s18 =	sadd.s32 $0x20, s18;
	v33 =	vld [tilespmem:s20+$0x4810]  }
0x6a: {  	s21 =	sadd.s32 $0x10, s18;
	v1 =	vmov s18;
	v34 =	vld [tilespmem:s20+$0x4C10]  }
0x6b: {  	v1 =	vshll.u32 v1, $0x4;
	v2 =	vmov s21;
	v35 =	vld [tilespmem:s20+$0x5010]  }
0x6c: {  	v14 =	vor.u32 v0, v1;
	v3 =	vshll.u32 v2, $0x4;
	v36 =	vld [tilespmem:s20+$0x5410]  }
0x6d: {  	v1 =	vor.u32 $0x1, v14;
	v2 =	vor.u32 $0x2, v14;
	v38 =	vor.u32 v0, v3;
	v37 =	vld [tilespmem:s20+$0x5810]  }
0x6e: {  	v3 =	vor.u32 $0x3, v14;
	v4 =	vor.u32 $0x4, v14;
	v12 =	vor.u32 $0x1, v38;
	v39 =	vld [tilespmem:s20+$0x5C10]  }
0x6f: {  	v5 =	vor.u32 $0x5, v14;
	v6 =	vor.u32 $0x6, v14;
	v13 =	vor.u32 $0x2, v38;
	v40 =	vld [tilespmem:s20+$0x6010]  }
0x70: {  	v7 =	vor.u32 $0x7, v14;
	v8 =	vor.u32 $0x8, v14;
	v42 =	vor.u32 $0x3, v38;
	v41 =	vld [tilespmem:s20+$0x6410]  }
0x71: {  	v11 =	vpack.i.f32.bf16 v15, v31;
	v9 =	vor.u32 $0x9, v14;
	v15 =	vor.u32 $0x4, v38;
	v43 =	vld [tilespmem:s20+$0x6810]  }
0x72: {  	v16 =	vpack.i.f32.bf16 v17, v16;
	v10 =	vor.u32 $0xA, v14;
	v17 =	vor.u32 $0x5, v38;
	v31 =	vld [tilespmem:s20+$0x6C10];
	[tilespmem:v38+s12+$0x0] =	vst.idx.msk $0xffff, v11  }
0x73: {  	v11 =	vor.u32 $0xB, v14;
	v44 =	vld [tilespmem:s20+$0x0];
	[tilespmem:v12+s12+$0x0] =	vst.idx.msk $0xffff, v16;
	v16 =	vpack.i.f32.bf16 v19, v18;
	v18 =	vor.u32 $0x6, v38  }
0x74: {  	v12 =	vor.u32 $0xC, v14;
	v19 =	vld [tilespmem:s20+$0x400];
	[tilespmem:v13+s12+$0x0] =	vst.idx.msk $0xffff, v16;
	v16 =	vpack.i.f32.bf16 v21, v20;
	v20 =	vor.u32 $0x7, v38  }
0x75: {  	v13 =	vor.u32 $0xD, v14;
	v21 =	vld [tilespmem:s20+$0x800];
	[tilespmem:v42+s12+$0x0] =	vst.idx.msk $0xffff, v16;
	v16 =	vpack.i.f32.bf16 v23, v22;
	v22 =	vor.u32 $0x8, v38  }
0x76: {  	s19 =	sadd.s32 $0x2, s19;
	v23 =	vld [tilespmem:s20+$0xC00];
	[tilespmem:v15+s12+$0x0] =	vst.idx.msk $0xffff, v16;
	v15 =	vpack.i.f32.bf16 v25, v24;
	v16 =	vor.u32 $0x9, v38  }
0x77: {  	p1 =	slt.u32 s19, $0x3E;
	v24 =	vld [tilespmem:s20+$0x1000];
	[tilespmem:v17+s12+$0x0] =	vst.idx.msk $0xffff, v15;
	v15 =	vpack.i.f32.bf16 v27, v26;
	v17 =	vor.u32 $0xA, v38  }
0x78: {  	v25 =	vld [tilespmem:s20+$0x1400];
	[tilespmem:v18+s12+$0x0] =	vst.idx.msk $0xffff, v15;
	v15 =	vpack.i.f32.bf16 v29, v28;
	v18 =	vor.u32 $0xB, v38  }
0x79: {  	v26 =	vld [tilespmem:s20+$0x1800];
	v42 =	vpack.i.f32.bf16 v19, v44;
	[tilespmem:v20+s12+$0x0] =	vst.idx.msk $0xffff, v15;
	v15 =	vpack.i.f32.bf16 v32, v30;
	v19 =	vor.u32 $0xC, v38  }
0x7a: {  	v27 =	vor.u32 $0xD, v38;
	v20 =	vld [tilespmem:s20+$0x1C00];
	[tilespmem:v22+s12+$0x0] =	vst.idx.msk $0xffff, v15;
	v22 =	vpack.i.f32.bf16 v34, v33  }
0x7b: {  	v28 =	vld [tilespmem:s20+$0x2000];
	v15 =	vpack.i.f32.bf16 v23, v21;
	[tilespmem:v16+s12+$0x0] =	vst.idx.msk $0xffff, v22;
	v16 =	vpack.i.f32.bf16 v36, v35  }
0x7c: {  	v21 =	vld [tilespmem:s20+$0x2400];
	[tilespmem:v17+s12+$0x0] =	vst.idx.msk $0xffff, v16;
	v17 =	vpack.i.f32.bf16 v39, v37  }
0x7d: {  	v22 =	vld [tilespmem:s20+$0x2800];
	v16 =	vpack.i.f32.bf16 v25, v24;
	[tilespmem:v18+s12+$0x0] =	vst.idx.msk $0xffff, v17;
	v17 =	vpack.i.f32.bf16 v41, v40  }
0x7e: {  	v18 =	vpack.i.f32.bf16 v31, v43;
	v23 =	vld [tilespmem:s20+$0x2C00];
	[tilespmem:v19+s12+$0x0] =	vst.idx.msk $0xffff, v17  }
0x7f: {  	v24 =	vld [tilespmem:s20+$0x3000];
	v17 =	vpack.i.f32.bf16 v20, v26;
	[tilespmem:v27+s12+$0x0] =	vst.idx.msk $0xffff, v18  }
0x80: {  	v20 =	vld [tilespmem:s20+$0x3400]  }
0x81: {  	v25 =	vld [tilespmem:s20+$0x3800];
	v18 =	vpack.i.f32.bf16 v21, v28  }
0x82: {  	v21 =	vld [tilespmem:s20+$0x3C00]  }
0x83: {  	v26 =	vld [tilespmem:s20+$0x4000];
	v19 =	vpack.i.f32.bf16 v23, v22  }
0x84: {  	v23 =	vld [tilespmem:s20+$0x4400]  }
0x85: {  	v27 =	vld [tilespmem:s20+$0x4800];
	v20 =	vpack.i.f32.bf16 v20, v24  }
0x86: {  	v28 =	vld [tilespmem:s20+$0x4C00]  }
0x87: {  	v30 =	vld [tilespmem:s20+$0x5000];
	v22 =	vpack.i.f32.bf16 v21, v25  }
0x88: {  	v31 =	vld [tilespmem:s20+$0x5400]  }
0x89: {  	v21 =	vld [tilespmem:s20+$0x5800];
	v23 =	vpack.i.f32.bf16 v23, v26  }
.Ltmp0:
0x8a: {  	v25 =	vld [tilespmem:s20+$0x5C00];
	(pc) =	sbr.rel @p1 .LBB2_3-.Ltmp0, $4  }
0x8b: {  	v24 =	vld [tilespmem:s20+$0x6000];
	v26 =	vpack.i.f32.bf16 v28, v27  }
0x8c: {  	v29 =	vld [tilespmem:s20+$0x6400]  }
0x8d: {  	v28 =	vld [tilespmem:s20+$0x6800];
	v27 =	vpack.i.f32.bf16 v31, v30  }
0x8e: {  	v30 =	vld [tilespmem:s20+$0x6C00];
	[tilespmem:v14+s12+$0x0] =	vst.idx.msk $0xffff, v42;
	s20 =	sadd.s32 $0x20, s20  }
0x8f: {  	_ =	sdelay $0x3  }
0x90: {  	[tilespmem:v1+s12+$0x0] =	vst.idx.msk $0xffff, v15  }
0x91: {  	[tilespmem:v2+s12+$0x0] =	vst.idx.msk $0xffff, v16  }
0x92: {  	[tilespmem:v3+s12+$0x0] =	vst.idx.msk $0xffff, v17  }
0x93: {  	[tilespmem:v4+s12+$0x0] =	vst.idx.msk $0xffff, v18  }
0x94: {  	[tilespmem:v5+s12+$0x0] =	vst.idx.msk $0xffff, v19  }
0x95: {  	[tilespmem:v6+s12+$0x0] =	vst.idx.msk $0xffff, v20  }
0x96: {  	[tilespmem:v7+s12+$0x0] =	vst.idx.msk $0xffff, v22  }
0x97: {  	[tilespmem:v8+s12+$0x0] =	vst.idx.msk $0xffff, v23  }
0x98: {  	p1 =	sne.s32 s16, $0x1F;
	[tilespmem:v9+s12+$0x0] =	vst.idx.msk $0xffff, v26  }
.Ltmp1:
0x99: {  	v1 =	vpack.i.f32.bf16 v25, v21;
	[tilespmem:v10+s12+$0x0] =	vst.idx.msk $0xffff, v27;
	(pc) =	sbr.rel @p1 .LBB2_6-.Ltmp1, $4  }
0x9a: {  	v2 =	vpack.i.f32.bf16 v29, v24;
	[tilespmem:v11+s12+$0x0] =	vst.idx.msk $0xffff, v1  }
0x9b: {  	s18 =	sshll.u32 s16, $0xC;
	v1 =	vpack.i.f32.bf16 v30, v28;
	[tilespmem:v12+s12+$0x0] =	vst.idx.msk $0xffff, v2  }
0x9c: {  	s18 =	sadd.s32 s18, s6;
	[tilespmem:v13+s12+$0x0] =	vst.idx.msk $0xffff, v1  }
0x9d: {  	[hbm4b:s18+s3] =	stream.linear.scatter [tilespmem:s12], [sflag:$0x2], $0x4000, $0x38;
	[tilespmem:$0x16000] =	vst v63  }
.Ltmp2:
0x9e: {  	(pc) =	sbr.rel .LBB2_7-.Ltmp2, $4  }
0x9f: {  	_ = 	snop  }
0xa0: {  	_ =	swait.ge [sflag:s11], $0x7000  }
0xa1: {  	[sflag:s11] =	ssyncset.done $0x0  }
0xa2: {  	[sflag:s11] =	ssyncadd.s32 $0xFFFF9000  }
.LBB2_6:
0xa3: {  	s18 =	sshll.u32 s16, $0xB  }
0xa4: {  	s18 =	sadd.s32 $0x800, s18  }
0xa5: {  	s19 =	sadd.s32 s4, s18  }
0xa6: {  	s19 =	sshrl.u32 s19, $0xE  }
0xa7: {  	s19 =	smul.u32 $0x70000, s19  }
0xa8: {  	s18 =	sand.u32 $0x3800, s18  }
0xa9: {  	s18 =	sor.u32 s18, s19  }
0xaa: {  	s18 =	sshrl.u32 s18, $0x3  }
.Ltmp3:
0xab: {  	s18 =	sadd.s32 s2, s18;
	(pc) =	sbr.rel @p0 .LBB2_8-.Ltmp3, $4  }
0xac: {  	[tilespmem:s3], [sflag:$0x1] =	stream.strided.gather [hbm4b:s18+s8], $0x7000, s9, s8, $0x38;
	[tilespmem:$0x16000] =	vst v63  }
0xad: {  	_ =	swait.ge [sflag:s11], $0x7000  }
0xae: {  	[sflag:s11] =	ssyncset.done $0x0  }
0xaf: {  	[sflag:s11] =	ssyncadd.s32 $0xFFFF9000  }
.LBB2_7:
0xb0: {  	_ =	swait.ge [sflag:s13], $0x4000  }
0xb1: {  	[sflag:s13] =	ssyncset.done $0x0  }
0xb2: {  	[sflag:s13] =	ssyncadd.s32 $0xFFFFC000  }
.LBB2_8:
0xb3: {  	s19 =	simm.s32 $0xDC10  }
0xb4: {  	v1 =	vld [tilespmem:s19+$0xFFFF93F0]  }
0xb5: {  	v2 =	vld [tilespmem:s19+$0xFFFF97F0]  }
0xb6: {  	v3 =	vld [tilespmem:s19+$0xFFFF9BF0]  }
0xb7: {  	v4 =	vld [tilespmem:s19+$0xFFFF9FF0]  }
0xb8: {  	v5 =	vld [tilespmem:s19+$0xFFFFA3F0]  }
0xb9: {  	v6 =	vld [tilespmem:s19+$0xFFFFA7F0]  }
0xba: {  	v7 =	vld [tilespmem:s19+$0xFFFFABF0]  }
0xbb: {  	v8 =	vld [tilespmem:s19+$0xFFFFAFF0]  }
0xbc: {  	v9 =	vld [tilespmem:s19+$0xFFFFB3F0]  }
0xbd: {  	v10 =	vld [tilespmem:s19+$0xFFFFB7F0]  }
0xbe: {  	v11 =	vld [tilespmem:s19+$0xFFFFBBF0]  }
0xbf: {  	v12 =	vld [tilespmem:s19+$0xFFFFBFF0]  }
0xc0: {  	v13 =	vld [tilespmem:s19+$0xFFFFC3F0]  }
0xc1: {  	v14 =	vld [tilespmem:s19+$0xFFFFC7F0]  }
0xc2: {  	v15 =	vld [tilespmem:s19+$0xFFFFCBF0]  }
0xc3: {  	v16 =	vld [tilespmem:s19+$0xFFFFCFF0]  }
0xc4: {  	v17 =	vld [tilespmem:s19+$0xFFFFD3F0]  }
0xc5: {  	v18 =	vld [tilespmem:s19+$0xFFFFD7F0]  }
0xc6: {  	v19 =	vld [tilespmem:s19+$0xFFFFDBF0]  }
0xc7: {  	v20 =	vld [tilespmem:s19+$0xFFFFDFF0]  }
0xc8: {  	v21 =	vld [tilespmem:s19+$0xFFFFE3F0]  }
0xc9: {  	v22 =	vld [tilespmem:s19+$0xFFFFE7F0]  }
0xca: {  	v23 =	vld [tilespmem:s19+$0xFFFFEBF0]  }
0xcb: {  	v24 =	vld [tilespmem:s19+$0xFFFFEFF0]  }
0xcc: {  	v25 =	vld [tilespmem:s19+$0xFFFFF3F0]  }
0xcd: {  	v26 =	vld [tilespmem:s19+$0xFFFFF7F0]  }
0xce: {  	v27 =	vld [tilespmem:s19+$0xFFFFFBF0]  }
0xcf: {  	v28 =	vld [tilespmem:s19+$0xFFFFFFF0]  }
0xd0: {  	v29 =	vld [tilespmem:s19+$0xFFFF9400]  }
0xd1: {  	v30 =	vld [tilespmem:s19+$0xFFFF9800]  }
0xd2: {  	v31 =	vld [tilespmem:s19+$0xFFFF9C00]  }
0xd3: {  	v32 =	vld [tilespmem:s19+$0xFFFFA000]  }
0xd4: {  	v33 =	vld [tilespmem:s19+$0xFFFFA400]  }
0xd5: {  	v35 =	vld [tilespmem:s19+$0xFFFFA800]  }
0xd6: {  	s18 =	simm.s32 $0x0;
	v36 =	vld [tilespmem:s19+$0xFFFFAC00]  }
0xd7: {  	v34 =	vmov s18;
	v37 =	vld [tilespmem:s19+$0xFFFFB000]  }
0xd8: {  	v39 =	vld [tilespmem:s19+$0xFFFFB400];
	v34 =	vshll.u32 v34, $0x4  }
0xd9: {  	v41 =	vld [tilespmem:s19+$0xFFFFB800];
	v34 =	vor.u32 v0, v34  }
0xda: {  	v43 =	vld [tilespmem:s19+$0xFFFFBC00];
	v38 =	vor.u32 $0x1, v34  }
0xdb: {  	v44 =	vld [tilespmem:s19+$0xFFFFC000];
	v40 =	vor.u32 $0x2, v34  }
0xdc: {  	v61 =	vld [tilespmem:s19+$0xFFFFCC00];
	v42 =	vor.u32 $0x3, v34  }
0xdd: {  	v62 =	vld [tilespmem:s19+$0xFFFFD000];
	v1 =	vpack.i.f32.bf16 v2, v1;
	v2 =	vor.u32 $0x4, v34;
	v50 =	vpack.i.f32.bf16 v30, v29  }
0xde: {  	v45 =	vld [tilespmem:s19+$0xFFFFC400];
	[tilespmem:v34+s14+$0x0] =	vst.idx.msk $0xffff, v1;
	v1 =	vpack.i.f32.bf16 v4, v3;
	v3 =	vor.u32 $0x5, v34;
	v4 =	vor.u32 $0x6, v34  }
0xdf: {  	s18 =	simm.s32 $0x10;
	v63 =	vld [tilespmem:s19+$0xFFFFE400];
	[tilespmem:v38+s14+$0x0] =	vst.idx.msk $0xffff, v1;
	v1 =	vpack.i.f32.bf16 v6, v5;
	v5 =	vpack.i.f32.bf16 v8, v7;
	v6 =	vor.u32 $0x7, v34  }
0xe0: {  	v49 =	vld [tilespmem:s19+$0xFFFFE800];
	v7 =	vor.u32 $0x8, v34;
	v8 =	vor.u32 $0x9, v34;
	[tilespmem:v40+s14+$0x0] =	vst.idx.msk $0xffff, v1;
	v1 =	vmov s18  }
0xe1: {  	v60 =	vld [tilespmem:s19+$0xFFFFC800];
	[tilespmem:v42+s14+$0x0] =	vst.idx.msk $0xffff, v5;
	v1 =	vshll.u32 v1, $0x4;
	v5 =	vpack.i.f32.bf16 v10, v9;
	v10 =	vpack.i.f32.bf16 v22, v21  }
0xe2: {  	v47 =	vld [tilespmem:s19+$0xFFFFD400];
	v9 =	vor.u32 $0xA, v34;
	v22 =	vpack.i.f32.bf16 v62, v61;
	[tilespmem:v2+s14+$0x0] =	vst.idx.msk $0xffff, v5;
	v2 =	vpack.i.f32.bf16 v12, v11  }
0xe3: {  	v48 =	vld [tilespmem:s19+$0xFFFFE000];
	v46 =	vor.u32 v0, v1;
	v11 =	vor.u32 $0xB, v34;
	[tilespmem:v3+s14+$0x0] =	vst.idx.msk $0xffff, v2;
	v3 =	vpack.i.f32.bf16 v14, v13  }
0xe4: {  	v29 =	vld [tilespmem:s19+$0xFFFFF800];
	v5 =	vpack.i.f32.bf16 v18, v17;
	v12 =	vor.u32 $0xC, v34;
	[tilespmem:v4+s14+$0x0] =	vst.idx.msk $0xffff, v3;
	v4 =	vpack.i.f32.bf16 v16, v15  }
0xe5: {  	v30 =	vld [tilespmem:s19+$0x0];
	v17 =	vor.u32 $0xD, v34;
	v18 =	vpack.i.f32.bf16 v28, v27;
	v27 =	vpack.i.f32.bf16 v49, v63;
	[tilespmem:v6+s14+$0x0] =	vst.idx.msk $0xffff, v4  }
0xe6: {  	v1 =	vor.u32 $0x1, v46;
	v13 =	vld [tilespmem:s19+$0xFFFFD800];
	v2 =	vor.u32 $0x2, v46;
	v6 =	vpack.i.f32.bf16 v20, v19;
	[tilespmem:v7+s14+$0x0] =	vst.idx.msk $0xffff, v5  }
0xe7: {  	v14 =	vld [tilespmem:s19+$0xFFFFDC00];
	v3 =	vor.u32 $0x3, v46;
	v15 =	vpack.i.f32.bf16 v24, v23;
	v16 =	vpack.i.f32.bf16 v35, v33;
	[tilespmem:v8+s14+$0x0] =	vst.idx.msk $0xffff, v6  }
0xe8: {  	v21 =	vld [tilespmem:s19+$0xFFFFEC00];
	v4 =	vor.u32 $0x4, v46;
	v19 =	vpack.i.f32.bf16 v44, v43;
	v20 =	vpack.i.f32.bf16 v60, v45;
	[tilespmem:v9+s14+$0x0] =	vst.idx.msk $0xffff, v10  }
0xe9: {  	v7 =	vor.u32 $0x5, v46;
	v5 =	vor.u32 $0x6, v46;
	[tilespmem:v11+s14+$0x0] =	vst.idx.msk $0xffff, v15;
	v15 =	vpack.i.f32.bf16 v26, v25;
	v26 =	vld [tilespmem:s19+$0xFFFFF000]  }
0xea: {  	v28 =	vld [tilespmem:s19+$0xFFFFFC00];
	v8 =	vor.u32 $0x7, v46;
	v6 =	vor.u32 $0x8, v46;
	v9 =	vor.u32 $0x9, v46  }
0xeb: {  	v24 =	vld [tilespmem:s19+$0xFFFFF400];
	v10 =	vor.u32 $0xA, v46;
	v23 =	vpack.i.f32.bf16 v13, v47;
	v13 =	vor.u32 $0xD, v46;
	[tilespmem:v46+s14+$0x0] =	vst.idx.msk $0xffff, v50  }
0xec: {  	v11 =	vor.u32 $0xB, v46;
	v25 =	vpack.i.f32.bf16 v48, v14;
	[tilespmem:v12+s14+$0x0] =	vst.idx.msk $0xffff, v15;
	v15 =	vpack.i.f32.bf16 v32, v31  }
0xed: {  	s20 =	simm.s32 $0xDC30;
	s19 =	simm.s32 $0x0;
	v12 =	vor.u32 $0xC, v46;
	[tilespmem:v17+s14+$0x0] =	vst.idx.msk $0xffff, v18;
	v17 =	vpack.i.f32.bf16 v37, v36;
	v18 =	vpack.i.f32.bf16 v41, v39  }
.LBB2_9:
0xee: {  	v31 =	vld [tilespmem:s20+$0xFFFF93F0];
	[tilespmem:v1+s14+$0x0] =	vst.idx.msk $0xffff, v15;
	v1 =	vpack.i.f32.bf16 v26, v21  }
0xef: {  	v15 =	vld [tilespmem:s20+$0xFFFF97F0];
	[tilespmem:v2+s14+$0x0] =	vst.idx.msk $0xffff, v16  }
0xf0: {  	v16 =	vld [tilespmem:s20+$0xFFFF9BF0];
	[tilespmem:v3+s14+$0x0] =	vst.idx.msk $0xffff, v17;
	v2 =	vpack.i.f32.bf16 v29, v24  }
0xf1: {  	v17 =	vld [tilespmem:s20+$0xFFFF9FF0];
	[tilespmem:v4+s14+$0x0] =	vst.idx.msk $0xffff, v18  }
0xf2: {  	v18 =	vld [tilespmem:s20+$0xFFFFA3F0];
	[tilespmem:v7+s14+$0x0] =	vst.idx.msk $0xffff, v19;
	v3 =	vpack.i.f32.bf16 v30, v28  }
0xf3: {  	v19 =	vld [tilespmem:s20+$0xFFFFA7F0];
	[tilespmem:v5+s14+$0x0] =	vst.idx.msk $0xffff, v20  }
0xf4: {  	v20 =	vld [tilespmem:s20+$0xFFFFABF0];
	[tilespmem:v8+s14+$0x0] =	vst.idx.msk $0xffff, v22  }
0xf5: {  	v21 =	vld [tilespmem:s20+$0xFFFFAFF0];
	[tilespmem:v6+s14+$0x0] =	vst.idx.msk $0xffff, v23  }
0xf6: {  	v22 =	vld [tilespmem:s20+$0xFFFFB3F0];
	[tilespmem:v9+s14+$0x0] =	vst.idx.msk $0xffff, v25  }
0xf7: {  	v23 =	vld [tilespmem:s20+$0xFFFFB7F0];
	[tilespmem:v10+s14+$0x0] =	vst.idx.msk $0xffff, v27  }
0xf8: {  	v24 =	vld [tilespmem:s20+$0xFFFFBBF0];
	[tilespmem:v11+s14+$0x0] =	vst.idx.msk $0xffff, v1  }
0xf9: {  	v25 =	vld [tilespmem:s20+$0xFFFFBFF0];
	[tilespmem:v12+s14+$0x0] =	vst.idx.msk $0xffff, v2  }
0xfa: {  	v26 =	vld [tilespmem:s20+$0xFFFFC3F0];
	[tilespmem:v13+s14+$0x0] =	vst.idx.msk $0xffff, v3  }
0xfb: {  	v27 =	vld [tilespmem:s20+$0xFFFFC7F0]  }
0xfc: {  	v28 =	vld [tilespmem:s20+$0xFFFFCBF0]  }
0xfd: {  	v29 =	vld [tilespmem:s20+$0xFFFFCFF0]  }
0xfe: {  	v30 =	vld [tilespmem:s20+$0xFFFFD3F0]  }
0xff: {  	v32 =	vld [tilespmem:s20+$0xFFFFD7F0]  }
0x100: {  	s18 =	sadd.s32 $0x20, s18;
	v33 =	vld [tilespmem:s20+$0xFFFFDBF0]  }
0x101: {  	s21 =	sadd.s32 $0xFFFFFFF0, s18;
	v1 =	vmov s18;
	v34 =	vld [tilespmem:s20+$0xFFFFDFF0]  }
0x102: {  	v2 =	vmov s21;
	v1 =	vshll.u32 v1, $0x4;
	v35 =	vld [tilespmem:s20+$0xFFFFE3F0]  }
0x103: {  	v2 =	vshll.u32 v2, $0x4;
	v14 =	vor.u32 v0, v1;
	v36 =	vld [tilespmem:s20+$0xFFFFE7F0]  }
0x104: {  	v38 =	vor.u32 v0, v2;
	v1 =	vor.u32 $0x1, v14;
	v2 =	vor.u32 $0x2, v14;
	v37 =	vld [tilespmem:s20+$0xFFFFEBF0]  }
0x105: {  	v3 =	vor.u32 $0x3, v14;
	v4 =	vor.u32 $0x4, v14;
	v11 =	vor.u32 $0x1, v38;
	v39 =	vld [tilespmem:s20+$0xFFFFEFF0]  }
0x106: {  	v7 =	vor.u32 $0x5, v14;
	v5 =	vor.u32 $0x6, v14;
	v12 =	vor.u32 $0x2, v38;
	v40 =	vld [tilespmem:s20+$0xFFFFF3F0]  }
0x107: {  	v8 =	vor.u32 $0x7, v14;
	v6 =	vor.u32 $0x8, v14;
	v13 =	vor.u32 $0x3, v38;
	v41 =	vld [tilespmem:s20+$0xFFFFF7F0]  }
0x108: {  	v10 =	vpack.i.f32.bf16 v15, v31;
	v9 =	vor.u32 $0x9, v14;
	v15 =	vor.u32 $0x4, v38;
	v42 =	vld [tilespmem:s20+$0xFFFFFBF0]  }
0x109: {  	v16 =	vpack.i.f32.bf16 v17, v16;
	v17 =	vor.u32 $0x5, v38;
	v31 =	vld [tilespmem:s20+$0xFFFFFFF0];
	[tilespmem:v38+s14+$0x0] =	vst.idx.msk $0xffff, v10;
	v10 =	vor.u32 $0xA, v14  }
0x10a: {  	[tilespmem:v11+s14+$0x0] =	vst.idx.msk $0xffff, v16;
	v16 =	vpack.i.f32.bf16 v19, v18;
	v18 =	vor.u32 $0x6, v38;
	v19 =	vld [tilespmem:s20+$0xFFFF9400];
	v11 =	vor.u32 $0xB, v14  }
0x10b: {  	[tilespmem:v12+s14+$0x0] =	vst.idx.msk $0xffff, v16;
	v16 =	vpack.i.f32.bf16 v21, v20;
	v20 =	vor.u32 $0x7, v38;
	v21 =	vld [tilespmem:s20+$0xFFFF9800];
	v12 =	vor.u32 $0xC, v14  }
0x10c: {  	[tilespmem:v13+s14+$0x0] =	vst.idx.msk $0xffff, v16;
	v16 =	vpack.i.f32.bf16 v23, v22;
	v22 =	vor.u32 $0x8, v38;
	v23 =	vld [tilespmem:s20+$0xFFFF9C00];
	v13 =	vor.u32 $0xD, v14  }
0x10d: {  	s19 =	sadd.s32 $0x2, s19;
	[tilespmem:v15+s14+$0x0] =	vst.idx.msk $0xffff, v16;
	v15 =	vpack.i.f32.bf16 v25, v24;
	v16 =	vor.u32 $0x9, v38;
	v24 =	vld [tilespmem:s20+$0xFFFFA000]  }
0x10e: {  	p0 =	slt.u32 s19, $0x3E;
	[tilespmem:v17+s14+$0x0] =	vst.idx.msk $0xffff, v15;
	v15 =	vpack.i.f32.bf16 v27, v26;
	v17 =	vor.u32 $0xA, v38;
	v25 =	vld [tilespmem:s20+$0xFFFFA400]  }
0x10f: {  	[tilespmem:v18+s14+$0x0] =	vst.idx.msk $0xffff, v15;
	v15 =	vpack.i.f32.bf16 v29, v28;
	v18 =	vor.u32 $0xB, v38;
	v26 =	vld [tilespmem:s20+$0xFFFFA800]  }
0x110: {  	[tilespmem:v20+s14+$0x0] =	vst.idx.msk $0xffff, v15;
	v15 =	vpack.i.f32.bf16 v32, v30;
	v20 =	vor.u32 $0xC, v38;
	v27 =	vld [tilespmem:s20+$0xFFFFAC00];
	v32 =	vpack.i.f32.bf16 v21, v19  }
0x111: {  	v19 =	vor.u32 $0xD, v38;
	[tilespmem:v22+s14+$0x0] =	vst.idx.msk $0xffff, v15;
	v15 =	vpack.i.f32.bf16 v34, v33;
	v21 =	vld [tilespmem:s20+$0xFFFFB000]  }
0x112: {  	[tilespmem:v16+s14+$0x0] =	vst.idx.msk $0xffff, v15;
	v16 =	vpack.i.f32.bf16 v36, v35;
	v22 =	vld [tilespmem:s20+$0xFFFFB400];
	v15 =	vpack.i.f32.bf16 v24, v23  }
0x113: {  	[tilespmem:v17+s14+$0x0] =	vst.idx.msk $0xffff, v16;
	v16 =	vpack.i.f32.bf16 v39, v37;
	v23 =	vld [tilespmem:s20+$0xFFFFB800]  }
0x114: {  	v17 =	vpack.i.f32.bf16 v41, v40;
	[tilespmem:v18+s14+$0x0] =	vst.idx.msk $0xffff, v16;
	v24 =	vld [tilespmem:s20+$0xFFFFBC00];
	v16 =	vpack.i.f32.bf16 v26, v25  }
0x115: {  	[tilespmem:v20+s14+$0x0] =	vst.idx.msk $0xffff, v17;
	v17 =	vpack.i.f32.bf16 v31, v42;
	v20 =	vld [tilespmem:s20+$0xFFFFC000]  }
0x116: {  	[tilespmem:v19+s14+$0x0] =	vst.idx.msk $0xffff, v17;
	v25 =	vld [tilespmem:s20+$0xFFFFC400];
	v17 =	vpack.i.f32.bf16 v21, v27  }
0x117: {  	v21 =	vld [tilespmem:s20+$0xFFFFC800]  }
0x118: {  	v26 =	vld [tilespmem:s20+$0xFFFFCC00];
	v18 =	vpack.i.f32.bf16 v23, v22  }
0x119: {  	v22 =	vld [tilespmem:s20+$0xFFFFD000]  }
0x11a: {  	v23 =	vld [tilespmem:s20+$0xFFFFD400];
	v19 =	vpack.i.f32.bf16 v20, v24  }
0x11b: {  	v24 =	vld [tilespmem:s20+$0xFFFFD800]  }
0x11c: {  	v27 =	vld [tilespmem:s20+$0xFFFFDC00];
	v20 =	vpack.i.f32.bf16 v21, v25  }
0x11d: {  	v25 =	vld [tilespmem:s20+$0xFFFFE000]  }
0x11e: {  	v30 =	vld [tilespmem:s20+$0xFFFFE400];
	v22 =	vpack.i.f32.bf16 v22, v26  }
0x11f: {  	v31 =	vld [tilespmem:s20+$0xFFFFE800]  }
0x120: {  	v21 =	vld [tilespmem:s20+$0xFFFFEC00];
	v23 =	vpack.i.f32.bf16 v24, v23  }
.Ltmp4:
0x121: {  	v26 =	vld [tilespmem:s20+$0xFFFFF000];
	(pc) =	sbr.rel @p0 .LBB2_9-.Ltmp4, $4  }
0x122: {  	v24 =	vld [tilespmem:s20+$0xFFFFF400];
	v25 =	vpack.i.f32.bf16 v25, v27  }
0x123: {  	v29 =	vld [tilespmem:s20+$0xFFFFF800]  }
0x124: {  	v28 =	vld [tilespmem:s20+$0xFFFFFC00];
	v27 =	vpack.i.f32.bf16 v31, v30  }
0x125: {  	v30 =	vld [tilespmem:s20+$0x0];
	[tilespmem:v14+s14+$0x0] =	vst.idx.msk $0xffff, v32;
	s20 =	sadd.s32 $0x20, s20  }
0x126: {  	_ =	sdelay $0x3  }
0x127: {  	[tilespmem:v1+s14+$0x0] =	vst.idx.msk $0xffff, v15  }
0x128: {  	[tilespmem:v2+s14+$0x0] =	vst.idx.msk $0xffff, v16  }
0x129: {  	[tilespmem:v3+s14+$0x0] =	vst.idx.msk $0xffff, v17  }
0x12a: {  	[tilespmem:v4+s14+$0x0] =	vst.idx.msk $0xffff, v18  }
0x12b: {  	[tilespmem:v7+s14+$0x0] =	vst.idx.msk $0xffff, v19  }
0x12c: {  	[tilespmem:v5+s14+$0x0] =	vst.idx.msk $0xffff, v20  }
0x12d: {  	[tilespmem:v8+s14+$0x0] =	vst.idx.msk $0xffff, v22  }
0x12e: {  	s16 =	sadd.s32 $0x1, s16;
	[tilespmem:v6+s14+$0x0] =	vst.idx.msk $0xffff, v23  }
0x12f: {  	p0 =	sne.s32 s16, $0x20;
	[tilespmem:v9+s14+$0x0] =	vst.idx.msk $0xffff, v25  }
.Ltmp5:
0x130: {  	v1 =	vpack.i.f32.bf16 v26, v21;
	[tilespmem:v10+s14+$0x0] =	vst.idx.msk $0xffff, v27;
	(pc) =	sbr.rel @p0 .LBB2_2-.Ltmp5, $4  }
0x131: {  	v2 =	vpack.i.f32.bf16 v29, v24;
	[tilespmem:v11+s14+$0x0] =	vst.idx.msk $0xffff, v1  }
0x132: {  	s17 =	sshll.u32 s17, $0xB;
	v1 =	vpack.i.f32.bf16 v30, v28;
	[tilespmem:v12+s14+$0x0] =	vst.idx.msk $0xffff, v2  }
0x133: {  	s17 =	sadd.s32 s17, s6;
	[tilespmem:v13+s14+$0x0] =	vst.idx.msk $0xffff, v1  }
0x134: {  	[hbm4b:s17+s3] =	stream.linear.scatter [tilespmem:s14], [sflag:$0x2], $0x4000, $0x38;
	[tilespmem:$0x16000] =	vst v63  }
0x135: {  	s15 =	sadd.s32 $0x1, s15  }
0x136: {  	_ =	swait.ge [sflag:s13], $0x4000;
	p0 =	sne.s32 s15, s7  }
.Ltmp6:
0x137: {  	[sflag:s13] =	ssyncset.done $0x0;
	(pc) =	sbr.rel @p0 .LBB2_1-.Ltmp6, $4  }
0x138: {  	[sflag:s13] =	ssyncadd.s32 $0xFFFFC000  }
0x139: {  	_ =	swait.ge [sflag:s13], $0x4000  }
0x13a: {  	[sflag:s13] =	ssyncset.done $0x0  }
0x13b: {  	[sflag:s13] =	ssyncadd.s32 $0xFFFFC000  }
0x13c: {  	_ =	sfence.sel $0x180000  }
0x13d: {  	[bflag:$0x0] =	sbarrier.arrive $0xFFFF  }
0x13e: {  	p0 =	sne.s32 s0, $0x0;
	_ =	strace $0x90000047  }
0x13f: {  	s0 =	sadd.s32 @!p0 $0x100000, s1;
	[bflag:$0x2] =	sbarrier.arrive $0xFFFF  }
0x140: {  	[sflag:s0] =	ssyncadd.tile.s32 @!p0 $0x1;
	_ =	shalt  }
.Lfunc_end2:
_tile_overlayer_lowered:
.L_overlay_start_2:
0x141: {  	(tag) =	ssettag $0x2  }
0x142: {  	s0 =	rddreg [dreg:$0x0];
	s2 =	stileid.u32  }
0x143: {  	s1 =	rddreg [dreg:$0x1];
	p0 =	sne.s32 s2, $0x0  }
0x144: {  	s3 =	rddreg [dreg:$0x2];
	[bflag:$0x3] =	sbarrier.arrive $0xFFFF;
	s2 =	simm.s32 @!p0 $0x1C03  }
0x145: {  	[timem:s3], [sflag:s2] =	dma.local @!p0 [hbm:s0], s1  }
0x146: {  	s0 =	simm.s32 @!p0 $0x3  }
0x147: {  	_ =	swait.ge @!p0 [sflag:s0], s1  }
0x148: {  	s1 =	ssub.s32 @!p0 $0x0, s1;
	[sflag:s0] =	ssyncset.done @!p0 $0x0  }
0x149: {  	[sflag:s0] =	ssyncadd.s32 @!p0 s1  }
0x14a: {  	[bflag:$0x3] =	sbarrier.arrive $0xFFFF  }
0x14b: {  	_ =	shalt  }

// kernel: kernel.7.cloned.1.call-start
scs
__scs_entry_jumppad:
0x0: {  	(pc) =	sbr.rel $0x88, $3  }
0x1: {  	(tag) =	ssettag $0x0;
	lr =	simm.s32 $0x1  }
0x2: {  	[smem:$0x3F9E] =	sst lr;
	_ =	strace $0xD0000000  }
0x3: {  	_ = 	snop  }
0x4: {  	_ = 	snop  }
0x5: {  	_ = 	snop  }
0x6: {  	_ = 	snop  }
0x7: {  	_ = 	snop  }
__scs_overlays_trampoline_lowered:
0x8: {  	[smem:$0x3FAD] =	sst s0  }
0x9: {  	[smem:$0x3FAE] =	sst s1  }
0xa: {  	[smem:$0x3FAF] =	sst s2  }
0xb: {  	[smem:$0x3FB0] =	sst s3  }
0xc: {  	[smem:$0x3FB1] =	sst s4  }
0xd: {  	[smem:$0x3FB2] =	sst s5  }
0xe: {  	[smem:$0x3FB3] =	sst s6  }
0xf: {  	[smem:$0x3FB4] =	sst s7  }
0x10: {  	[smem:$0x3FB5] =	sst s8  }
0x11: {  	[smem:$0x3FB6] =	sst s9;
	s0 =	simm.s32 @!p0 $0x0  }
0x12: {  	s1 =	sld [smem:$0x3F9C];
	s0 =	simm.s32 @p0 $0x1  }
0x13: {  	[smem:$0x3FB7] =	sst s0;
	s0 =	simm.s32 @!p1 $0x0  }
0x14: {  	s2 =	sld [smem:$0x3F9B];
	s0 =	simm.s32 @p1 $0x1  }
0x15: {  	[smem:$0x3FB8] =	sst s0;
	s0 =	simm.s32 @!p2 $0x0  }
0x16: {  	s3 =	sld [smem:$0x3FDB];
	s0 =	simm.s32 @p2 $0x1  }
0x17: {  	s4 =	simm.s32 $0x1BF5;
	[smem:$0x3FBA] =	sst s0  }
0x18: {  	s0 =	sld [smem:$0x3F9D];
	_ =	swait.ge [sflag:s4], $0x0  }
0x19: {  	s7 =	sld [smem:$0x3F9E]  }
0x1a: {  	s8 =	sadd.s32 $0xFFFFE003, lr  }
0x1b: {  	s9 =	sadd.s32 $0xFFFFFEF7, lr;
	s5 =	simm.s32 $0xFFFFFFFF;
	p2 =	slt.u32 s8, $0xFFFFF086  }
0x1c: {  	p1 =	slt.u32 s9, $0xF7A;
	s5 =	simm.s32 @!p2 $0x0  }
0x1d: {  	s5 =	simm.s32 @p1 $0x1;
	p0 =	seq.s32 s7, s2  }
0x1e: {  	s7 =	smul.u32 @!p0 $0xF7A, s2;
	p2 =	seq.s32 @!p0 s5, $0x0  }
0x1f: {  	s9 =	smul.u32 $0xF7A, s1;
	s8 =	simm.s32 @!p0 $0x1BF5;
	p2 =	por !p2, p0  }
0x20: {  	[sflag:s8] =	ssyncset.s32 @!p0 $0xFFFFF086;
	s6 =	sadd.s32 @!p0 s3, s7;
	s7 =	simm.s32 @!p0 $0x108  }
0x21: {  	s3 =	sadd.s32 s3, s9;
	s6 =	sadd.s32 @!p0 $0x88, s6;
	s7 =	simm.s32 @p2 $0x1082  }
0x22: {  	[simem:s7], [sflag:s8] =	dma.local @!p0 [hbm:s6], $0xF7A  }
0x23: {  	s9 =	sor.u32 $0xD0000000, s2;
	s6 =	simm.s32 $0x108;
	_ =	swait.ge @!p0 [sflag:s8], $0x0  }
0x24: {  	s3 =	sadd.s32 $0x88, s3;
	s6 =	simm.s32 @!p1 $0x1082;
	[sflag:s4] =	ssyncset.s32 $0xFFFFF086  }
0x25: {  	[simem:s6], [sflag:s4] =	dma.local [hbm:s3], $0xF7A  }
0x26: {  	[smem:$0x3F9E] =	sst s1;
	(tag) =	ssettag s2;
	_ =	strace s9  }
0x27: {  	s1 =	sld [smem:$0x3FAE]  }
0x28: {  	s2 =	sld [smem:$0x3FAF]  }
0x29: {  	s4 =	sld [smem:$0x3FB1]  }
0x2a: {  	p0 =	seq.s32 s5, $0x0;
	s5 =	sld [smem:$0x3FB2]  }
0x2b: {  	s6 =	sld [smem:$0x3FB3]  }
0x2c: {  	s7 =	sld [smem:$0x3FB4]  }
0x2d: {  	s3 =	simm.s32 $0x108;
	s8 =	sld [smem:$0x3FB5]  }
0x2e: {  	s3 =	simm.s32 @!p0 $0x1082;
	s9 =	sld [smem:$0x3FB6]  }
0x2f: {  	lr =	sadd.s32 s0, s3;
	s0 =	sld [smem:$0x3FAD]  }
0x30: {  	s3 =	sld [smem:$0x3FB0]  }
0x31: {  	[smem:$0x3FB9] =	sst s10  }
0x32: {  	s10 =	sld [smem:$0x3FB7];
	_ =	sdelay $0x3  }
0x33: {  	p0 =	seq.s32 s10, $0x1;
	s10 =	sld [smem:$0x3FB9];
	_ =	sdelay $0x3  }
0x34: {  	[smem:$0x3FB9] =	sst s10  }
0x35: {  	s10 =	sld [smem:$0x3FB8];
	_ =	sdelay $0x3  }
0x36: {  	p1 =	seq.s32 s10, $0x1;
	s10 =	sld [smem:$0x3FB9];
	_ =	sdelay $0x3  }
0x37: {  	[smem:$0x3FB9] =	sst s10  }
0x38: {  	s10 =	sld [smem:$0x3FBA]  }
0x39: {  	_ = 	snop;
	(pc) =	sbr.ind lr, $3  }
0x3a: {  	_ = 	snop  }
0x3b: {  	_ = 	snop  }
0x3c: {  	p2 =	seq.s32 s10, $0x1;
	s10 =	sld [smem:$0x3FB9]  }
0x3d: {  	_ =	shalt  }
0x3e: {  	_ =	shalt  }
0x3f: {  	_ =	shalt  }
0x40: {  	_ =	shalt  }
0x41: {  	_ =	shalt  }
0x42: {  	_ =	shalt  }
0x43: {  	_ =	shalt  }
0x44: {  	_ =	shalt  }
0x45: {  	_ =	shalt  }
0x46: {  	_ =	shalt  }
0x47: {  	_ =	shalt  }
0x48: {  	_ =	shalt  }
0x49: {  	_ =	shalt  }
0x4a: {  	_ =	shalt  }
0x4b: {  	_ =	shalt  }
0x4c: {  	_ =	shalt  }
0x4d: {  	_ =	shalt  }
0x4e: {  	_ =	shalt  }
0x4f: {  	_ =	shalt  }
0x50: {  	_ =	shalt  }
0x51: {  	_ =	shalt  }
0x52: {  	_ =	shalt  }
0x53: {  	_ =	shalt  }
0x54: {  	_ =	shalt  }
0x55: {  	_ =	shalt  }
0x56: {  	_ =	shalt  }
0x57: {  	_ =	shalt  }
0x58: {  	_ =	shalt  }
0x59: {  	_ =	shalt  }
0x5a: {  	_ =	shalt  }
0x5b: {  	_ =	shalt  }
0x5c: {  	_ =	shalt  }
0x5d: {  	_ =	shalt  }
0x5e: {  	_ =	shalt  }
0x5f: {  	_ =	shalt  }
0x60: {  	_ =	shalt  }
0x61: {  	_ =	shalt  }
0x62: {  	_ =	shalt  }
0x63: {  	_ =	shalt  }
0x64: {  	_ =	shalt  }
0x65: {  	_ =	shalt  }
0x66: {  	_ =	shalt  }
0x67: {  	_ =	shalt  }
0x68: {  	_ =	shalt  }
0x69: {  	_ =	shalt  }
0x6a: {  	_ =	shalt  }
0x6b: {  	_ =	shalt  }
0x6c: {  	_ =	shalt  }
0x6d: {  	_ =	shalt  }
0x6e: {  	_ =	shalt  }
0x6f: {  	_ =	shalt  }
0x70: {  	_ =	shalt  }
0x71: {  	_ =	shalt  }
0x72: {  	_ =	shalt  }
0x73: {  	_ =	shalt  }
0x74: {  	_ =	shalt  }
0x75: {  	_ =	shalt  }
0x76: {  	_ =	shalt  }
0x77: {  	_ =	shalt  }
0x78: {  	_ =	shalt  }
0x79: {  	_ =	shalt  }
0x7a: {  	_ =	shalt  }
0x7b: {  	_ =	shalt  }
0x7c: {  	_ =	shalt  }
0x7d: {  	_ =	shalt  }
0x7e: {  	_ =	shalt  }
0x7f: {  	_ =	shalt  }
0x80: {  	_ =	shalt  }
0x81: {  	_ =	shalt  }
0x82: {  	_ =	shalt  }
0x83: {  	_ =	shalt  }
0x84: {  	_ =	shalt  }
0x85: {  	_ =	shalt  }
0x86: {  	_ =	shalt  }
0x87: {  	_ =	shalt  }
.Lfunc_end0:
.L_simem_size_0:
called_computation.1_lowered:
.L_overlay_start_0:
0x88: {  	s2 =	sld [smem:$0x3FD9]  }
0x89: {  	s3 =	sld [smem:$0x3FFE];
	_ =	sdelay $0x1  }
0x8a: {  	s1 =	srdreg.scid  }
0x8b: {  	s0 =	sand.u32 $0x1, s1  }
0x8c: {  	s14 =	sshll.u32 s0, $0xA;
	s2 =	sadd.s32 s3, s2  }
0x8d: {  	s2 =	sadd.s32 s2, s14  }
0x8e: {  	[smem:$0x3FC5] =	sst s2  }
0x8f: {  	_ = 	snop  }
0x90: {  	s2 =	sld [smem:$0x3FD0];
	_ =	sdelay $0x2  }
0x91: {  	s15 =	simm.s32 $0xA;
	s4 =	simm.s32 $0x10  }
0x92: {  	[smem:s4], [sflag:s15] =	dma.local [hbm:s2], $0x1  }
0x93: {  	_ =	swait.eq [sflag:s15], $0x1  }
0x94: {  	[sflag:s15] =	ssyncset.done $0x0  }
0x95: {  	s16 =	sld [smem:$0x10];
	[sflag:s15] =	ssyncadd.s32 $0xFFFFFFFF  }
0x96: {  	s17 =	sld [smem:$0x11];
	(tm) =	ssettm $0x1  }
0x97: {  	s18 =	sld [smem:$0x3FFB];
	_ =	sdelay $0x3  }
0x98: {  	_ =	strace s18  }
0x99: {  	s4 =	sld [smem:$0x3FFC];
	_ =	sdelay $0x3  }
0x9a: {  	_ =	strace s4  }
0x9b: {  	s4 =	sld [smem:$0x3FFD];
	_ =	sdelay $0x3  }
0x9c: {  	_ =	strace s4  }
0x9d: {  	_ =	strace $0x8FFFFFFF  }
0x9e: {  	s19 =	sld [smem:$0x3FDB];
	_ =	sdelay $0x1  }
0x9f: {  	s5 =	simm.s32 $_scs_section_size  }
0xa0: {  	s6 =	simm.s32 $_size__tile_overlayer_lowered;
	s7 =	simm.s32 $_tile_overlayer_lowered  }
0xa1: {  	s22 =	simm.s32 $0x1BFF;
	s21 =	sshll.u32 s7, $0x1;
	s4 =	sadd.s32 s5, s19  }
0xa2: {  	s8 =	simm.s32 $0x0;
	s20 =	sshll.u32 s6, $0x1;
	s6 =	sadd.s32 s21, s4  }
0xa3: {  	[timem:s8], [sflag:s22] =	dma.local [hbm:s6], s20  }
0xa4: {  	_ =	swait.ge [sflag:s22], s20  }
0xa5: {  	s5 =	ssub.s32 $0x0, s20;
	[sflag:s22] =	ssyncset.done $0x0  }
0xa6: {  	[sflag:s22] =	ssyncadd.s32 s5;
	_ =	sdelay $0x1  }
0xa7: {  	s23 =	simm.s32 $0x1B8B  }
0xa8: {  	_ =	swait.ge [sflag:s23], $0x1  }
0xa9: {  	[sflag:s23] =	ssyncset.done $0x0  }
0xaa: {  	s25 =	simm.s32 $0x1B8E;
	s24 =	sld [smem:$0x3FFE];
	[sflag:s23] =	ssyncadd.s32 $0xFFFFFFFF  }
0xab: {  	s26 =	simm.s32 $execute0_lowered;
	[smem:$0x3FD2] =	sst s25  }
0xac: {  	s6 =	sshll.u32 s26, $0x1;
	_ =	strace $0x80000049;
	[dreg:$0x1] =	wrdreg $0xFFFFFFFF  }
0xad: {  	s28 =	simm.s32 $_size_execute0_lowered;
	s4 =	sadd.s32 s4, s6;
	[dreg:$0x0] =	wrdreg $0x0  }
0xae: {  	s6 =	sshll.u32 s28, $0x1;
	[dreg:$0x2] =	wrdreg s4  }
0xaf: {  	[dreg:$0x3] =	wrdreg s6  }
0xb0: {  	[dreg:$0x4] =	wrdreg $0xC0  }
0xb1: {  	_ =	task [dreg:s8], $0x5FFFF  }
0xb2: {  	[dreg:$0x1] =	wrdreg $0xFFFFFFFF  }
0xb3: {  	[dreg:$0x0] =	wrdreg $0x60  }
0xb4: {  	[dreg:$0x2] =	wrdreg s24  }
0xb5: {  	[dreg:$0x3] =	wrdreg s16  }
0xb6: {  	[dreg:$0x4] =	wrdreg s17  }
0xb7: {  	[dreg:$0x5] =	wrdreg $0x9  }
0xb8: {  	_ =	task.clear_ibuf [dreg:s8], $0x6FFFF;
	_ =	strace $0x90000049  }
0xb9: {  	s29 =	simm.s32 $0x9;
	_ =	strace $0x8000004B  }
0xba: {  	_ =	swait.ge [sflag:s29], $0x1  }
0xbb: {  	[sflag:s29] =	ssyncadd.s32 $0xFFFFFFFF  }
0xbc: {  	_ =	strace $0x9000004B  }
0xbd: {  	_ =	sfence  }
0xbe: {  	s30 =	sld [smem:$0x0];
	_ =	sdelay $0x2  }
0xbf: {  	s31 =	sshll.u32 s1, $0xD;
	s1 =	sshrl.u32 s1, $0x2  }
0xc0: {  	s3 =	sand.u32 $0x4000, s31;
	s1 =	sadd.s32 s1, s30  }
0xc1: {  	s0 =	sor.u32 s3, s0;
	s1 =	sshll.u32 s1, $0x11  }
0xc2: {  	s0 =	sor.u32 s1, s0  }
0xc3: {  	s0 =	sadd.s32 $0x8F2B, s0  }
0xc4: {  	[sflag:s0] =	ssyncadd.remote.s32 $0x1  }
0xc5: {  	_ =	sfence.sel $0xFFFF  }
0xc6: {  	[dreg:$0x0] =	wrdreg $0xFFFFFFFF;
	(pc) =	sbr.abs _section_cstart, $3  }
0xc7: {  	[dreg:$0x1] =	wrdreg $0xFFFFFFFF  }
0xc8: {  	_ =	task.clear_ibuf [dreg:s8], $0x2FFFF;
	_ =	strace $0x9FFFFFFF  }
0xc9: {  	(tm) =	ssettm $0x7FFFFFFF  }
tec
execute0_lowered:
.L_overlay_start_1:
0x0: {  	(tag) =	ssettag $0x1  }
0x1: {  	s0 =	rddreg [dreg:$0x0];
	s3 =	simm.s32 $0x0  }
0x2: {  	[smem:$0x7FF] =	sst s3  }
0x3: {  	s1 =	srdreg.scid;
	s13 =	stileid.u32;
	v0 =	vimm.f32 $2.343750000e-02;
	_ =	strace $0x8000004A  }
0x4: {  	s21 =	simm.s32 $0x1;
	s22 =	simm.s32 $0x80;
	s24 =	simm.s32 $0x2000;
	(erf) = vrcp.f32 v0  }
0x5: {  	s17 =	simm.s32 $0x1B80;
	s18 =	simm.s32 $0x5800;
	s19 =	simm.s32 $0x2  }
0x6: {  	s20 =	simm.s32 $0x6000;
	s23 =	simm.s32 $0x3;
	s25 =	simm.s32 $0x6400  }
0x7: {  	s26 =	simm.s32 $0x6800;
	s28 =	simm.s32 $0x6C00;
	s4 =	sadd.s32 $0x421200, s0  }
0x8: {  	s5 =	sadd.s32 $0x401200, s0;
	s6 =	sadd.s32 $0x481200, s0;
	s1 =	sand.u32 $0x1, s1  }
0x9: {  	s7 =	sadd.s32 $0x461200, s0;
	s8 =	sadd.s32 $0x441200, s0;
	s2 =	ssub.s32 $0x2, s1  }
0xa: {  	s10 =	sadd.s32 $0x1200, s0;
	s11 =	sadd.s32 $0x4A1200, s0;
	s9 =	sshrl.u32 s2, $0x1  }
0xb: {  	s12 =	sadd.s32 $0x4C1200, s0;
	s30 =	sshll.u32 s13, $0xD;
	s2 =	ssub.s32 s2, s9  }
0xc: {  	v2 =	vlaneseq.u32;
	s13 =	sadd.s32 $0x4E1200, s0;
	s1 =	sshll.u32 s1, $0xC;
	s31 =	smax.u32 s2, $0x1  }
0xd: {  	v1 =	vimm.f32 $0.0e+00;
	v2 =	vmul.u32 $0x10, v2;
	s14 =	sor.u32 s1, s30;
	s1 =	simm.s32 $0x0;
	[dreg:$0x4] =	wrdreg s31;
	v0 =	vpop (erf)  }
.LBB2_1:
0xe: {  	[dreg:$0x5] =	wrdreg s1;
	s29 =	simm.s32 $0x0  }
.LBB2_2:
0xf: {  	s0 =	sshll.u32 s29, $0x7  }
0x10: {  	s30 =	sadd.s32 s14, s0  }
0x11: {  	s0 =	simm.s32 $0x0;
	s1 =	sadd.s32 s4, s30  }
0x12: {  	[tilespmem:s0], [sflag:$0x1] =	stream.linear.gather [hbm4b:s1+s0], $0x400, $0x38;
	[tilespmem:$0x7000] =	vst v63  }
0x13: {  	s2 =	simm.s32 $0x400;
	s15 =	rddreg [dreg:$0x1];
	s9 =	sadd.s32 s5, s30  }
0x14: {  	[tilespmem:s2], [sflag:$0x1] =	stream.linear.gather [hbm4b:s9+s0], $0x400, $0x38;
	[tilespmem:$0x7000] =	vst v63  }
0x15: {  	s16 =	simm.s32 $0x800;
	s1 =	sadd.s32 s15, s30  }
0x16: {  	[tilespmem:s16], [sflag:$0x1] =	stream.linear.gather [hbm4b:s1+s0], $0x400, $0x38;
	[tilespmem:$0x7000] =	vst v63  }
0x17: {  	s2 =	sadd.s32 s6, s30;
	s9 =	simm.s32 $0xC00  }
0x18: {  	[tilespmem:s9], [sflag:$0x1] =	stream.linear.gather [hbm4b:s2+s0], $0x400, $0x38;
	[tilespmem:$0x7000] =	vst v63  }
0x19: {  	s15 =	sadd.s32 s7, s30;
	s16 =	simm.s32 $0x1000  }
0x1a: {  	[tilespmem:s16], [sflag:$0x1] =	stream.linear.gather [hbm4b:s15+s0], $0x400, $0x38;
	[tilespmem:$0x7000] =	vst v63  }
0x1b: {  	s2 =	sadd.s32 s8, s30;
	s9 =	simm.s32 $0x1400  }
0x1c: {  	[tilespmem:s9], [sflag:$0x1] =	stream.linear.gather [hbm4b:s2+s0], $0x400, $0x38;
	[tilespmem:$0x7000] =	vst v63  }
0x1d: {  	_ =	swait.ge [sflag:s21], $0x400  }
0x1e: {  	[sflag:s21] =	ssyncset.done $0x0  }
0x1f: {  	[sflag:s21] =	ssyncadd.s32 $0xFFFFFC00  }
0x20: {  	_ =	swait.ge [sflag:s21], $0x400  }
0x21: {  	[sflag:s21] =	ssyncset.done $0x0  }
0x22: {  	[sflag:s21] =	ssyncadd.s32 $0xFFFFFC00  }
0x23: {  	_ =	swait.ge [sflag:s21], $0x400  }
0x24: {  	[sflag:s21] =	ssyncset.done $0x0  }
0x25: {  	[sflag:s21] =	ssyncadd.s32 $0xFFFFFC00  }
0x26: {  	_ =	swait.ge [sflag:s21], $0x400  }
0x27: {  	[sflag:s21] =	ssyncset.done $0x0  }
0x28: {  	[sflag:s21] =	ssyncadd.s32 $0xFFFFFC00  }
0x29: {  	_ =	swait.ge [sflag:s21], $0x400  }
0x2a: {  	[sflag:s21] =	ssyncset.done $0x0  }
0x2b: {  	[sflag:s21] =	ssyncadd.s32 $0xFFFFFC00  }
0x2c: {  	_ =	swait.ge [sflag:s21], $0x400  }
0x2d: {  	[sflag:s21] =	ssyncset.done $0x0  }
0x2e: {  	s1 =	simm.s32 $0x0;
	[sflag:s21] =	ssyncadd.s32 $0xFFFFFC00  }
0x2f: {  	v3 =	vld [tilespmem:s1+$0x10]  }
0x30: {  	v4 =	vld [tilespmem:s1+$0x410]  }
0x31: {  	v5 =	vld [tilespmem:s1+$0x0]  }
0x32: {  	v6 =	vld [tilespmem:s1+$0x810];
	_ =	sdelay $0x1  }
0x33: {  	v7 =	vld [tilespmem:s1+$0x400];
	_ =	sdelay $0x1  }
0x34: {  	v8 =	vmul.f32 v3, v0;
	v9 =	vmul.f32 v4, v0  }
0x35: {  	v10 =	vmul.f32 v5, v0;
	v11 =	vmul.f32 v6, v0  }
0x36: {  	v3 =	vand.u32 $0x7FFFFFFF, v3;
	v8 =	vadd.f32 $6.400000000e+01, v8;
	v9 =	vadd.f32 $6.400000000e+01, v9  }
0x37: {  	v5 =	vand.u32 $0x7FFFFFFF, v5;
	v12 =	vmul.f32 v7, v0;
	vm0 =	vlt.f32 v3, $1.500000000e+00;
	v3 =	vld [tilespmem:s1+$0x800]  }
0x38: {  	v11 =	vadd.f32 $6.400000000e+01, v11;
	v8 =	vtrunc.f32 v8;
	v9 =	vtrunc.f32 v9  }
0x39: {  	v6 =	vand.u32 $0x7FFFFFFF, v6;
	v8 =	vcvt.f32.s32 v8;
	v9 =	vcvt.f32.s32 v9  }
0x3a: {  	v4 =	vand.u32 $0x7FFFFFFF, v4;
	vm1 =	vlt.f32 v6, $1.500000000e+00;
	v11 =	vtrunc.f32 v11  }
0x3b: {  	v6 =	vcvt.f32.s32 v11;
	vm2 =	vgt.s32 v8, $0x0;
	vm3 =	vgt.s32 v9, $0x0  }
0x3c: {  	v62 =	vmul.f32 v3, v0;
	v8 =	vnsel vm2, $0x0, v8;
	v9 =	vnsel vm3, $0x0, v9  }
0x3d: {  	vm2 =	vlt.f32 v4, $1.500000000e+00;
	vm3 =	vgt.s32 v6, $0x0;
	v4 =	vmin.u32 v8, $0x7F  }
0x3e: {  	s9 =	sand.u32 $0xE00, s0;
	v8 =	vmin.u32 v9, $0x7F;
	v6 =	vnsel vm3, $0x0, v6;
	vm0 =	vmand vm0, vm2  }
0x3f: {  	s15 =	simm.s32 $0x10;
	s9 =	sshrl.u32 s9, $0x2;
	v4 =	vshll.u32 v4, $0xE;
	v8 =	vshll.u32 v8, $0x7;
	v6 =	vmin.u32 v6, $0x7F  }
0x40: {  	s15 =	sand.u32 $0x70, s15;
	s31 =	sor.u32 $0x1800, s9;
	vm0 =	vmand vm0, vm1;
	v4 =	vor.u32 v4, v8;
	v8 =	vadd.f32 $6.400000000e+01, v10  }
0x41: {  	s9 =	sor.u32 s15, s31;
	v63 =	vsel vm0, $0x3F800000, v1;
	v4 =	vor.u32 v6, v4;
	v6 =	vadd.f32 $6.400000000e+01, v12  }
0x42: {  	s16 =	sand.u32 $0x60, s0;
	vm0 =	vlt.f32 v5, $1.500000000e+00;
	v5 =	vand.u32 $0x7FFFFFFF, v7;
	[tilespmem:s9+$0x0] =	vst v4;
	v4 =	vtrunc.f32 v8  }
0x43: {  	s31 =	sor.u32 s16, s31;
	s15 =	simm.s32 $0x80;
	s9 =	simm.s32 $0x0;
	[tilespmem:s1+$0x1C10] =	vst v63;
	v4 =	vcvt.f32.s32 v4;
	v7 =	vtrunc.f32 v6;
	v6 =	vadd.f32 $6.400000000e+01, v62  }
.LBB2_3:
0x44: {  	s2 =	sshra.s32 s15, $0x2;
	v7 =	vcvt.f32.s32 v7;
	vm1 =	vlt.f32 v5, $1.500000000e+00;
	v3 =	vand.u32 $0x7FFFFFFF, v3  }
0x45: {  	v5 =	vld [tilespmem:s2+$0x10];
	vm2 =	vgt.s32 v4, $0x0;
	v6 =	vtrunc.f32 v6;
	vm0 =	vmand vm0, vm1  }
0x46: {  	s9 =	sadd.s32 $0x2, s9;
	v8 =	vld [tilespmem:s2+$0x410];
	v4 =	vnsel vm2, $0x0, v4;
	vm1 =	vgt.s32 v7, $0x0;
	v6 =	vcvt.f32.s32 v6  }
0x47: {  	p0 =	slt.u32 s9, $0x3E;
	v9 =	vld [tilespmem:s2+$0x0];
	v4 =	vmin.u32 v4, $0x7F;
	v7 =	vnsel vm1, $0x0, v7;
	vm1 =	vlt.f32 v3, $1.500000000e+00  }
0x48: {  	v10 =	vld [tilespmem:s2+$0x810];
	v3 =	vmin.u32 v7, $0x7F;
	vm2 =	vgt.s32 v6, $0x0;
	v4 =	vshll.u32 v4, $0xE  }
0x49: {  	vm0 =	vmand vm0, vm1;
	v7 =	vld [tilespmem:s2+$0x400];
	v6 =	vnsel vm2, $0x0, v6;
	v11 =	vshll.u32 v3, $0x7  }
0x4a: {  	v3 =	vld [tilespmem:s2+$0x800];
	v6 =	vmin.u32 v6, $0x7F;
	v4 =	vor.u32 v4, v11;
	v11 =	vsel vm0, $0x3F800000, v1  }
0x4b: {  	v12 =	vmul.f32 v5, v0;
	v13 =	vmul.f32 v8, v0;
	v4 =	vor.u32 v6, v4  }
0x4c: {  	v6 =	vmul.f32 v9, v0;
	v9 =	vand.u32 $0x7FFFFFFF, v9;
	[tilespmem:s31+$0x0] =	vst v4  }
0x4d: {  	v4 =	vadd.f32 $6.400000000e+01, v12;
	v12 =	vadd.f32 $6.400000000e+01, v13;
	v13 =	vmul.f32 v10, v0;
	[tilespmem:s1+$0x1C00] =	vst v11;
	s1 =	smov.u32 s2  }
0x4e: {  	v5 =	vand.u32 $0x7FFFFFFF, v5;
	v10 =	vand.u32 $0x7FFFFFFF, v10;
	v11 =	vmul.f32 v7, v0  }
0x4f: {  	v4 =	vtrunc.f32 v4;
	v12 =	vtrunc.f32 v12;
	v13 =	vadd.f32 $6.400000000e+01, v13  }
0x50: {  	v8 =	vand.u32 $0x7FFFFFFF, v8;
	v4 =	vcvt.f32.s32 v4;
	v12 =	vcvt.f32.s32 v12  }
0x51: {  	vm0 =	vlt.f32 v5, $1.500000000e+00;
	vm1 =	vlt.f32 v10, $1.500000000e+00;
	v13 =	vtrunc.f32 v13  }
0x52: {  	vm2 =	vgt.s32 v4, $0x0;
	vm3 =	vgt.s32 v12, $0x0;
	v5 =	vcvt.f32.s32 v13  }
0x53: {  	v4 =	vnsel vm2, $0x0, v4;
	vm2 =	vlt.f32 v8, $1.500000000e+00;
	v10 =	vnsel vm3, $0x0, v12  }
0x54: {  	s0 =	sadd.s32 $0x20, s0;
	s2 =	sand.u32 $0xE00, s15;
	v4 =	vmin.u32 v4, $0x7F;
	v8 =	vmin.u32 v10, $0x7F;
	vm3 =	vgt.s32 v5, $0x0  }
0x55: {  	s16 =	sadd.s32 $0x10, s0;
	s31 =	sand.u32 $0x60, s0;
	s2 =	sshrl.u32 s2, $0x2;
	v4 =	vshll.u32 v4, $0xE;
	v5 =	vnsel vm3, $0x0, v5;
	v8 =	vshll.u32 v8, $0x7  }
.Ltmp0:
0x56: {  	s16 =	sand.u32 $0x70, s16;
	s2 =	sor.u32 $0x1800, s2;
	vm0 =	vmand vm0, vm2;
	v5 =	vmin.u32 v5, $0x7F;
	v4 =	vor.u32 v4, v8;
	(pc) =	sbr.rel @p0 .LBB2_3-.Ltmp0, $4  }
0x57: {  	v6 =	vadd.f32 $6.400000000e+01, v6;
	s31 =	sor.u32 s31, s2;
	s2 =	sor.u32 s16, s2;
	vm0 =	vmand vm0, vm1;
	v4 =	vor.u32 v5, v4  }
0x58: {  	v10 =	vmul.f32 v3, v0;
	v8 =	vadd.f32 $6.400000000e+01, v11;
	[tilespmem:s2+$0x0] =	vst v4;
	v4 =	vsel vm0, $0x3F800000, v1  }
0x59: {  	v6 =	vtrunc.f32 v6;
	v5 =	vand.u32 $0x7FFFFFFF, v7;
	vm0 =	vlt.f32 v9, $1.500000000e+00;
	[tilespmem:s1+$0x1C10] =	vst v4  }
0x5a: {  	s15 =	sadd.s32 $0x80, s15;
	v7 =	vtrunc.f32 v8;
	v4 =	vcvt.f32.s32 v6;
	v6 =	vadd.f32 $6.400000000e+01, v10  }
0x5b: {  	v7 =	vcvt.f32.s32 v7  }
0x5c: {  	vm1 =	vlt.f32 v5, $1.500000000e+00;
	v3 =	vand.u32 $0x7FFFFFFF, v3;
	v5 =	vtrunc.f32 v6  }
0x5d: {  	vm2 =	vgt.s32 v4, $0x0;
	vm13 =	vgt.s32 v7, $0x0;
	v5 =	vcvt.f32.s32 v5  }
0x5e: {  	vm0 =	vmand vm0, vm1;
	v4 =	vnsel vm2, $0x0, v4;
	v6 =	vnsel vm13, $0x0, v7  }
0x5f: {  	v4 =	vmin.u32 v4, $0x7F;
	v6 =	vmin.u32 v6, $0x7F;
	vm14 =	vgt.s32 v5, $0x0  }
0x60: {  	v4 =	vshll.u32 v4, $0xE;
	v5 =	vnsel vm14, $0x0, v5;
	v6 =	vshll.u32 v6, $0x7  }
0x61: {  	vm15 =	vlt.f32 v3, $1.500000000e+00;
	v3 =	vmin.u32 v5, $0x7F;
	v4 =	vor.u32 v4, v6  }
0x62: {  	vm0 =	vmand vm0, vm15;
	v3 =	vor.u32 v3, v4  }
0x63: {  	v4 =	vsel vm0, $0x3F800000, v1;
	[tilespmem:s31+$0x0] =	vst v3  }
0x64: {  	s0 =	simm.s32 $0x1800;
	[tilespmem:s1+$0x1C00] =	vst v4  }
0x65: {  	[tilespmem:s24], [sflag:$0x2] =	stream.indirect.gather [hbm4b:s10+s22], $0x10, s0, s22, $0xb8;
	[tilespmem:$0x7000] =	vst v63  }
0x66: {  	s15 =	simm.s32 $0x1880;
	s16 =	simm.s32 $0x2800  }
0x67: {  	[tilespmem:s16], [sflag:$0x2] =	stream.indirect.gather [hbm4b:s10+s22], $0x10, s15, s22, $0xb8;
	[tilespmem:$0x7000] =	vst v63  }
0x68: {  	s2 =	simm.s32 $0x1900;
	s9 =	simm.s32 $0x3000  }
0x69: {  	[tilespmem:s9], [sflag:$0x2] =	stream.indirect.gather [hbm4b:s10+s22], $0x10, s2, s22, $0xb8;
	[tilespmem:$0x7000] =	vst v63  }
0x6a: {  	s15 =	simm.s32 $0x1980;
	s16 =	simm.s32 $0x3800  }
0x6b: {  	[tilespmem:s16], [sflag:$0x2] =	stream.indirect.gather [hbm4b:s10+s22], $0x10, s15, s22, $0xb8;
	[tilespmem:$0x7000] =	vst v63  }
0x6c: {  	s2 =	simm.s32 $0x1A00;
	s9 =	simm.s32 $0x4000  }
0x6d: {  	[tilespmem:s9], [sflag:$0x2] =	stream.indirect.gather [hbm4b:s10+s22], $0x10, s2, s22, $0xb8;
	[tilespmem:$0x7000] =	vst v63  }
0x6e: {  	s15 =	simm.s32 $0x1A80;
	s16 =	simm.s32 $0x4800  }
0x6f: {  	[tilespmem:s16], [sflag:$0x2] =	stream.indirect.gather [hbm4b:s10+s22], $0x10, s15, s22, $0xb8;
	[tilespmem:$0x7000] =	vst v63  }
0x70: {  	s2 =	simm.s32 $0x1B00;
	s9 =	simm.s32 $0x5000  }
0x71: {  	[tilespmem:s9], [sflag:$0x2] =	stream.indirect.gather [hbm4b:s10+s22], $0x10, s2, s22, $0xb8;
	[tilespmem:$0x7000] =	vst v63  }
0x72: {  	_ = 	snop  }
0x73: {  	[tilespmem:s18], [sflag:$0x2] =	stream.indirect.gather [hbm4b:s10+s22], $0x10, s17, s22, $0xb8;
	[tilespmem:$0x7000] =	vst v63  }
0x74: {  	_ =	swait.ge [sflag:s19], $0x800  }
0x75: {  	[sflag:s19] =	ssyncset.done $0x0  }
0x76: {  	[sflag:s19] =	ssyncadd.s32 $0xFFFFF800  }
0x77: {  	_ =	swait.ge [sflag:s19], $0x800  }
0x78: {  	[sflag:s19] =	ssyncset.done $0x0  }
0x79: {  	[sflag:s19] =	ssyncadd.s32 $0xFFFFF800  }
0x7a: {  	_ =	swait.ge [sflag:s19], $0x800  }
0x7b: {  	[sflag:s19] =	ssyncset.done $0x0  }
0x7c: {  	[sflag:s19] =	ssyncadd.s32 $0xFFFFF800  }
0x7d: {  	_ =	swait.ge [sflag:s19], $0x800  }
0x7e: {  	[sflag:s19] =	ssyncset.done $0x0  }
0x7f: {  	[sflag:s19] =	ssyncadd.s32 $0xFFFFF800  }
0x80: {  	_ =	swait.ge [sflag:s19], $0x800  }
0x81: {  	[sflag:s19] =	ssyncset.done $0x0  }
0x82: {  	[sflag:s19] =	ssyncadd.s32 $0xFFFFF800  }
0x83: {  	_ =	swait.ge [sflag:s19], $0x800  }
0x84: {  	[sflag:s19] =	ssyncset.done $0x0  }
0x85: {  	[sflag:s19] =	ssyncadd.s32 $0xFFFFF800  }
0x86: {  	s15 =	simm.s32 $0x10;
	_ =	swait.ge [sflag:s19], $0x800  }
0x87: {  	v3 =	vmov s15;
	[sflag:s19] =	ssyncset.done $0x0  }
0x88: {  	v3 =	vshll.u32 v3, $0x4;
	[sflag:s19] =	ssyncadd.s32 $0xFFFFF800  }
0x89: {  	v17 =	vor.u32 v2, v3;
	_ =	swait.ge [sflag:s19], $0x800  }
0x8a: {  	s16 =	simm.s32 $0x0;
	v3 =	vor.u32 $0x9, v17;
	[sflag:s19] =	ssyncset.done $0x0  }
0x8b: {  	s31 =	simm.s32 $0x1410;
	v4 =	vmov s16;
	v5 =	vor.u32 $0xA, v17;
	[sflag:s19] =	ssyncadd.s32 $0xFFFFF800  }
0x8c: {  	v4 =	vshll.u32 v4, $0x4;
	v14 =	vor.u32 $0xC, v17;
	v9 =	vld [tilespmem:s31+$0xFFFFF800]  }
0x8d: {  	v4 =	vor.u32 v2, v4;
	v27 =	vor.u32 $0xD, v17;
	v10 =	vld [tilespmem:s31+$0x0]  }
0x8e: {  	v12 =	vor.u32 $0x1, v4;
	v13 =	vld [tilespmem:s31+$0xFFFFFC00]  }
0x8f: {  	v21 =	vor.u32 $0x5, v4;
	v6 =	vld.idx.msk [tilespmem:v3+s24+$0x0], $0xffff  }
0x90: {  	v22 =	vor.u32 $0x9, v4;
	v23 =	vor.u32 $0xA, v4;
	v24 =	vor.u32 $0x2, v4;
	v5 =	vld.idx.msk [tilespmem:v5+s24+$0x0], $0xffff  }
0x91: {  	v25 =	vor.u32 $0x6, v4;
	v15 =	vor.u32 $0x3, v4;
	v20 =	vor.u32 $0x7, v4;
	v35 =	vld.idx.msk [tilespmem:v14+s24+$0x0], $0xffff  }
0x92: {  	v26 =	vor.u32 $0xB, v4;
	v8 =	vor.u32 $0x4, v4;
	v11 =	vor.u32 $0x8, v4;
	v27 =	vld.idx.msk [tilespmem:v27+s24+$0x0], $0xffff  }
0x93: {  	v16 =	vor.u32 $0xC, v4;
	v7 =	vor.u32 $0xD, v4;
	v39 =	vor.u32 $0x6, v17;
	v63 =	vld.idx.msk [tilespmem:v12+s24+$0x0], $0xffff  }
0x94: {  	v36 =	vor.u32 $0x8, v17;
	v49 =	vor.u32 $0x2, v17;
	v41 =	vor.u32 $0x1, v17;
	v21 =	vld.idx.msk [tilespmem:v21+s24+$0x0], $0xffff  }
0x95: {  	v43 =	vor.u32 $0x5, v17;
	v3 =	vor.u32 $0xB, v17;
	v23 =	vld.idx.msk [tilespmem:v23+s24+$0x0], $0xffff;
	v18 =	vmul.f32 v10, v13  }
0x96: {  	v40 =	vld [tilespmem:s31+$0xFFFFFFF0];
	v28 =	vmul.f32 $-4.886029960e-01, v13;
	v29 =	vmul.f32 $-4.886029960e-01, v9;
	v19 =	vunpack.i.u.bf16.f32 v6  }
0x97: {  	v25 =	vld.idx.msk [tilespmem:v25+s24+$0x0], $0xffff;
	v30 =	vunpack.i.l.bf16.f32 v5;
	v31 =	vmul.f32 $4.886029960e-01, v10;
	v32 =	vadd.f32 v10, v10  }
0x98: {  	v53 =	vld.idx.msk [tilespmem:v39+s24+$0x0], $0xffff;
	v5 =	vunpack.i.u.bf16.f32 v5;
	v33 =	vmul.f32 v13, v9;
	v34 =	vmul.f32 v9, v9  }
0x99: {  	v41 =	vld.idx.msk [tilespmem:v41+s24+$0x0], $0xffff;
	v61 =	vmul.f32 v13, v13;
	v12 =	vunpack.i.l.bf16.f32 v35;
	v35 =	vunpack.i.u.bf16.f32 v35  }
0x9a: {  	v37 =	vunpack.i.l.bf16.f32 v27;
	v27 =	vunpack.i.u.bf16.f32 v27;
	v50 =	vunpack.i.l.bf16.f32 v63  }
0x9b: {  	v42 =	vunpack.i.u.bf16.f32 v21;
	v44 =	vunpack.i.l.bf16.f32 v23;
	v54 =	vadd.f32 v40, v40  }
0x9c: {  	v56 =	vunpack.i.l.bf16.f32 v25;
	v47 =	vmul.f32 $4.886029960e-01, v40;
	v23 =	vunpack.i.u.bf16.f32 v23  }
0x9d: {  	v58 =	vunpack.i.l.bf16.f32 v53;
	v19 =	vmul.f32 $2.820949850e-01, v19;
	v30 =	vmul.f32 v30, v28  }
0x9e: {  	v3 =	vld.idx.msk [tilespmem:v3+s24+$0x0], $0xffff;
	v59 =	vunpack.i.u.bf16.f32 v41;
	v14 =	vmul.f32 v32, v10;
	v5 =	vmul.f32 v5, v31  }
0x9f: {  	v43 =	vld.idx.msk [tilespmem:v43+s24+$0x0], $0xffff;
	v41 =	vunpack.i.l.bf16.f32 v41;
	v18 =	vmul.f32 $-1.092548010e+00, v18;
	v10 =	vmul.f32 v10, v9  }
0xa0: {  	v24 =	vld.idx.msk [tilespmem:v24+s24+$0x0], $0xffff;
	v25 =	vunpack.i.u.bf16.f32 v25;
	v57 =	vmul.f32 v56, v47;
	v39 =	vmul.f32 v54, v40  }
0xa1: {  	v9 =	vld.idx.msk [tilespmem:v22+s24+$0x0], $0xffff;
	v22 =	vor.u32 $0x3, v17;
	v23 =	vmul.f32 v23, v47;
	v41 =	vmul.f32 v41, v28  }
0xa2: {  	v32 =	vld [tilespmem:s31+$0xFFFFFBF0];
	v30 =	vadd.f32 v30, v19;
	v19 =	vmul.f32 $1.092548010e+00, v33;
	v13 =	vsub.f32 v14, v34  }
0xa3: {  	v14 =	vor.u32 $0x4, v17;
	v60 =	vunpack.i.l.bf16.f32 v3;
	v3 =	vunpack.i.u.bf16.f32 v3  }
0xa4: {  	v20 =	vld.idx.msk [tilespmem:v20+s24+$0x0], $0xffff;
	v5 =	vadd.f32 v30, v5;
	v62 =	vmul.f32 v60, v29;
	v13 =	vsub.f32 v13, v61  }
0xa5: {  	v3 =	vmul.f32 v3, v19;
	v30 =	vunpack.i.u.bf16.f32 v63;
	v60 =	vunpack.i.u.bf16.f32 v43  }
0xa6: {  	v43 =	vunpack.i.l.bf16.f32 v43;
	v63 =	vunpack.i.l.bf16.f32 v24;
	v24 =	vunpack.i.u.bf16.f32 v24  }
0xa7: {  	v16 =	vld.idx.msk [tilespmem:v16+s24+$0x0], $0xffff;
	v38 =	vmul.f32 $-4.886029960e-01, v32;
	v51 =	vunpack.i.u.bf16.f32 v9;
	v30 =	vmul.f32 v30, v47  }
0xa8: {  	v43 =	vmul.f32 $2.820949850e-01, v43;
	v28 =	vmul.f32 v60, v28;
	v5 =	vadd.f32 v62, v5  }
0xa9: {  	v26 =	vld.idx.msk [tilespmem:v26+s24+$0x0], $0xffff;
	v60 =	vunpack.i.l.bf16.f32 v20;
	v20 =	vunpack.i.u.bf16.f32 v20;
	v9 =	vunpack.i.l.bf16.f32 v9  }
0xaa: {  	v13 =	vmul.f32 $3.153919880e-01, v13;
	v42 =	vmul.f32 v42, v38;
	v3 =	vadd.f32 v5, v3  }
0xab: {  	v5 =	vmul.f32 v12, v18;
	v12 =	vmul.f32 $-1.092548010e+00, v10;
	v10 =	vsub.f32 v34, v61;
	v34 =	vld.idx.msk [tilespmem:v49+s24+$0x0], $0xffff  }
0xac: {  	v28 =	vadd.f32 v43, v28;
	v43 =	vunpack.i.l.bf16.f32 v16;
	v16 =	vunpack.i.u.bf16.f32 v16  }
0xad: {  	v48 =	vmul.f32 v35, v13;
	v5 =	vadd.f32 v5, v3;
	v10 =	vmul.f32 $5.462740060e-01, v10  }
0xae: {  	v35 =	vor.u32 $0x7, v17;
	v49 =	vunpack.i.l.bf16.f32 v26;
	v3 =	vld.idx.msk [tilespmem:v4+s24+$0x0], $0xffff;
	v37 =	vmul.f32 v37, v12  }
0xaf: {  	v33 =	vadd.f32 v5, v48;
	v5 =	vld.idx.msk [tilespmem:v17+s24+$0x0], $0xffff;
	v27 =	vmul.f32 v27, v10;
	v17 =	vunpack.i.l.bf16.f32 v21  }
0xb0: {  	v21 =	vmul.f32 $2.820949850e-01, v51;
	v45 =	vmul.f32 $2.820949850e-01, v17;
	v48 =	vunpack.i.l.bf16.f32 v34  }
0xb1: {  	s0 =	simm.s32 $0x1C10;
	v15 =	vld.idx.msk [tilespmem:v15+s24+$0x0], $0xffff;
	v34 =	vunpack.i.u.bf16.f32 v34;
	v33 =	vadd.f32 v37, v33;
	v37 =	vmul.f32 v50, v38  }
0xb2: {  	v26 =	vunpack.i.u.bf16.f32 v26;
	v4 =	vld [tilespmem:s0+$0x0];
	v38 =	vmul.f32 v44, v38;
	v34 =	vmul.f32 v34, v19  }
0xb3: {  	v52 =	vunpack.i.u.bf16.f32 v3;
	v42 =	vadd.f32 v45, v42;
	v45 =	vmul.f32 v58, v31  }
0xb4: {  	v35 =	vld.idx.msk [tilespmem:v35+s24+$0x0], $0xffff;
	v31 =	vmul.f32 v59, v31;
	v58 =	vmul.f32 v40, v32;
	v27 =	vadd.f32 v33, v27  }
0xb5: {  	v7 =	vld.idx.msk [tilespmem:v7+s24+$0x0], $0xffff;
	v33 =	vmul.f32 $2.820949850e-01, v52;
	v21 =	vadd.f32 v38, v21;
	v52 =	vmul.f32 v48, v29  }
0xb6: {  	v38 =	vld [tilespmem:s31+$0xFFFFF7F0];
	v46 =	vunpack.i.u.bf16.f32 v5;
	v28 =	vadd.f32 v45, v28;
	v51 =	vadd.f32 v57, v42  }
0xb7: {  	v42 =	vunpack.i.l.bf16.f32 v15;
	v15 =	vunpack.i.u.bf16.f32 v15;
	v17 =	vmul.f32 v27, v4  }
0xb8: {  	v55 =	vmul.f32 $2.820949850e-01, v46;
	v33 =	vadd.f32 v37, v33;
	v27 =	vunpack.i.u.bf16.f32 v53  }
0xb9: {  	v21 =	vadd.f32 v21, v23;
	v59 =	vunpack.i.l.bf16.f32 v35;
	v35 =	vunpack.i.u.bf16.f32 v35  }
0xba: {  	v54 =	vmul.f32 v27, v29;
	v19 =	vmul.f32 v59, v19;
	v59 =	vunpack.i.l.bf16.f32 v7  }
0xbb: {  	v22 =	vld.idx.msk [tilespmem:v22+s24+$0x0], $0xffff;
	v41 =	vadd.f32 v41, v55;
	v61 =	vmul.f32 $-4.886029960e-01, v38;
	v62 =	vmul.f32 v32, v38  }
0xbc: {  	v36 =	vld.idx.msk [tilespmem:v36+s24+$0x0], $0xffff;
	v30 =	vadd.f32 v33, v30;
	v46 =	vmul.f32 v38, v38;
	v32 =	vmul.f32 v32, v32  }
0xbd: {  	v11 =	vld.idx.msk [tilespmem:v11+s24+$0x0], $0xffff;
	v23 =	vadd.f32 v28, v54;
	v50 =	vmul.f32 v40, v38;
	v53 =	vmul.f32 v63, v61  }
0xbe: {  	v8 =	vld.idx.msk [tilespmem:v8+s24+$0x0], $0xffff;
	v31 =	vadd.f32 v41, v31;
	v25 =	vmul.f32 v25, v61;
	v56 =	vmul.f32 v49, v61  }
0xbf: {  	v55 =	vsub.f32 v39, v46;
	v57 =	vmul.f32 $1.092548010e+00, v62;
	v62 =	vmul.f32 $-1.092548010e+00, v58  }
0xc0: {  	v63 =	vunpack.i.l.bf16.f32 v22;
	v19 =	vadd.f32 v19, v23;
	v22 =	vunpack.i.u.bf16.f32 v22  }
0xc1: {  	v54 =	vmul.f32 $-1.092548010e+00, v50;
	v58 =	vunpack.i.u.bf16.f32 v36;
	v31 =	vadd.f32 v52, v31  }
0xc2: {  	v47 =	vmul.f32 v63, v18;
	v18 =	vmul.f32 v35, v18;
	v52 =	vunpack.i.l.bf16.f32 v11  }
0xc3: {  	v14 =	vld.idx.msk [tilespmem:v14+s24+$0x0], $0xffff;
	v22 =	vmul.f32 v22, v13;
	v11 =	vunpack.i.u.bf16.f32 v11;
	v63 =	vunpack.i.u.bf16.f32 v8  }
0xc4: {  	v30 =	vadd.f32 v53, v30;
	v25 =	vadd.f32 v51, v25;
	v24 =	vmul.f32 v24, v57  }
0xc5: {  	v21 =	vadd.f32 v56, v21;
	v61 =	vmul.f32 v60, v57;
	v26 =	vmul.f32 v26, v57  }
0xc6: {  	v27 =	vsub.f32 v55, v32;
	v48 =	vmul.f32 v42, v62;
	v20 =	vmul.f32 v20, v62  }
0xc7: {  	v49 =	vmul.f32 v43, v62;
	v51 =	vunpack.i.l.bf16.f32 v36;
	v55 =	vsub.f32 v46, v32  }
0xc8: {  	v56 =	vunpack.i.l.bf16.f32 v8;
	v57 =	vunpack.i.l.bf16.f32 v14;
	v14 =	vunpack.i.u.bf16.f32 v14  }
0xc9: {  	v62 =	vunpack.i.l.bf16.f32 v6;
	v31 =	vadd.f32 v31, v34;
	v18 =	vadd.f32 v19, v18  }
0xca: {  	v13 =	vmul.f32 v51, v13;
	v60 =	vmul.f32 v56, v54;
	v44 =	vadd.f32 v30, v24  }
0xcb: {  	v45 =	vadd.f32 v61, v25;
	v21 =	vadd.f32 v21, v26;
	v27 =	vmul.f32 $3.153919880e-01, v27  }
0xcc: {  	v61 =	vmul.f32 v11, v54;
	v11 =	vmul.f32 $5.462740060e-01, v55;
	v25 =	vadd.f32 v47, v31  }
0xcd: {  	v24 =	vmul.f32 v59, v54;
	v18 =	vadd.f32 v13, v18;
	v19 =	vadd.f32 v48, v44  }
0xce: {  	v20 =	vadd.f32 v45, v20;
	v15 =	vmul.f32 v15, v27;
	v53 =	vmul.f32 v52, v27  }
0xcf: {  	v21 =	vadd.f32 v49, v21;
	v16 =	vmul.f32 v16, v27;
	v22 =	vadd.f32 v25, v22  }
0xd0: {  	v19 =	vadd.f32 v19, v15;
	v15 =	vmul.f32 v57, v12;
	v12 =	vmul.f32 v58, v12  }
0xd1: {  	v13 =	vunpack.i.u.bf16.f32 v7;
	v20 =	vadd.f32 v53, v20;
	v21 =	vadd.f32 v21, v16  }
0xd2: {  	v16 =	vmul.f32 v14, v10;
	v15 =	vadd.f32 v15, v22;
	v14 =	vadd.f32 v18, v12  }
0xd3: {  	s9 =	simm.s32 $0x6800;
	v9 =	vmul.f32 v9, v11;
	v12 =	vadd.f32 v60, v19;
	v6 =	vadd.f32 v20, v61  }
0xd4: {  	s1 =	simm.s32 $0x20;
	s15 =	simm.s32 $0x0;
	[tilespmem:s9+$0x10] =	vst v17;
	v8 =	vld [tilespmem:s0+$0xFFFFFFF0];
	v18 =	vmul.f32 v62, v10;
	v10 =	vmul.f32 v63, v11;
	v7 =	vadd.f32 v24, v21  }
.LBB2_5:
0xd5: {  	v17 =	vmov s1;
	s2 =	sadd.s32 $0x10, s1;
	v11 =	vmul.f32 v13, v11;
	v13 =	vadd.f32 v15, v16  }
0xd6: {  	s15 =	sadd.s32 $0x2, s15;
	v14 =	vadd.f32 v18, v14;
	v15 =	vshll.u32 v17, $0x4;
	v16 =	vmov s2  }
0xd7: {  	p0 =	slt.u32 s15, $0x3E;
	v10 =	vadd.f32 v12, v10;
	v15 =	vor.u32 v2, v15;
	v16 =	vshll.u32 v16, $0x4  }
0xd8: {  	v12 =	vor.u32 $0x1, v15;
	v17 =	vor.u32 $0x5, v15;
	v27 =	vor.u32 v2, v16  }
0xd9: {  	v16 =	vor.u32 $0x9, v15;
	v19 =	vor.u32 $0xA, v15;
	v18 =	vor.u32 $0x9, v27  }
0xda: {  	s31 =	sadd.s32 $0x20, s31;
	v20 =	vor.u32 $0x2, v15;
	v21 =	vor.u32 $0x6, v15;
	v25 =	vor.u32 $0xA, v27  }
0xdb: {  	v31 =	vor.u32 $0x3, v15;
	v34 =	vor.u32 $0x7, v15;
	v30 =	vor.u32 $0xB, v15;
	v35 =	vld [tilespmem:s31+$0xFFFFF800]  }
0xdc: {  	v22 =	vor.u32 $0x4, v15;
	v24 =	vor.u32 $0x8, v15;
	v36 =	vor.u32 $0xC, v15;
	v37 =	vld [tilespmem:s31+$0x0]  }
0xdd: {  	v9 =	vadd.f32 v9, v6;
	v7 =	vadd.f32 v7, v11;
	v23 =	vor.u32 $0xD, v15;
	v29 =	vld [tilespmem:s31+$0xFFFFFC00]  }
0xde: {  	v3 =	vunpack.i.l.bf16.f32 v3;
	v5 =	vunpack.i.l.bf16.f32 v5;
	v6 =	vld.idx.msk [tilespmem:v18+s24+$0x0], $0xffff;
	v18 =	vor.u32 $0xB, v27  }
0xdf: {  	v3 =	vmax.f32 v3, $0.0e+00;
	v5 =	vmax.f32 v5, $0.0e+00;
	v13 =	vmul.f32 v13, v4;
	v25 =	vld.idx.msk [tilespmem:v25+s24+$0x0], $0xffff  }
0xe0: {  	v14 =	vmul.f32 v14, v4;
	v10 =	vmul.f32 v10, v8;
	v11 =	vld [tilespmem:s31+$0xFFFFFBF0]  }
0xe1: {  	v9 =	vmul.f32 v9, v8;
	v33 =	vld.idx.msk [tilespmem:v12+s24+$0x0], $0xffff;
	v12 =	vmul.f32 v7, v8;
	[tilespmem:s9+$0xFFFFF810] =	vst v13  }
0xe2: {  	v4 =	vmul.f32 v5, v4;
	v13 =	vor.u32 $0xC, v27;
	v8 =	vmul.f32 v3, v8;
	v38 =	vld.idx.msk [tilespmem:v17+s24+$0x0], $0xffff;
	[tilespmem:s9+$0xFFFFFC10] =	vst v14  }
0xe3: {  	v14 =	vmul.f32 v37, v29;
	v5 =	vld.idx.msk [tilespmem:v18+s24+$0x0], $0xffff;
	[tilespmem:s9+$0xFFFFF800] =	vst v10  }
0xe4: {  	v26 =	vmul.f32 $-4.886029960e-01, v29;
	v18 =	vmul.f32 $-4.886029960e-01, v35;
	v7 =	vld.idx.msk [tilespmem:v16+s24+$0x0], $0xffff;
	v16 =	vor.u32 $0xD, v27;
	[tilespmem:s9+$0xFFFFFC00] =	vst v9  }
0xe5: {  	v28 =	vmul.f32 $4.886029960e-01, v37;
	v9 =	vunpack.i.u.bf16.f32 v6;
	v10 =	vunpack.i.l.bf16.f32 v25;
	v39 =	vld.idx.msk [tilespmem:v19+s24+$0x0], $0xffff;
	[tilespmem:s9+$0x0] =	vst v12  }
0xe6: {  	v12 =	vadd.f32 v37, v37;
	v9 =	vmul.f32 $2.820949850e-01, v9;
	v3 =	vld.idx.msk [tilespmem:v15+s24+$0x0], $0xffff;
	v15 =	vmul.f32 v10, v26;
	[tilespmem:s9+$0x410] =	vst v4  }
0xe7: {  	v40 =	vmul.f32 v35, v35;
	v4 =	vunpack.i.u.bf16.f32 v25;
	v19 =	vld.idx.msk [tilespmem:v13+s24+$0x0], $0xffff;
	v13 =	vmul.f32 v29, v35;
	[tilespmem:s9+$0x400] =	vst v8  }
0xe8: {  	v8 =	vmul.f32 v12, v37;
	v4 =	vmul.f32 v4, v28;
	v10 =	vld [tilespmem:s31+$0xFFFFFFF0];
	v9 =	vadd.f32 v15, v9  }
0xe9: {  	v41 =	vmul.f32 v29, v29;
	v12 =	vunpack.i.l.bf16.f32 v5;
	v32 =	vld.idx.msk [tilespmem:v21+s24+$0x0], $0xffff;
	v21 =	vmul.f32 $1.092548010e+00, v13  }
0xea: {  	v8 =	vsub.f32 v8, v40;
	v13 =	vld [tilespmem:s31+$0xFFFFF7F0];
	v4 =	vadd.f32 v9, v4;
	v9 =	vmul.f32 v12, v18  }
0xeb: {  	v42 =	vor.u32 $0x4, v27;
	v5 =	vunpack.i.u.bf16.f32 v5;
	v43 =	vld.idx.msk [tilespmem:v16+s24+$0x0], $0xffff;
	v16 =	vmul.f32 $-1.092548010e+00, v14  }
0xec: {  	v8 =	vsub.f32 v8, v41;
	v5 =	vmul.f32 v5, v21;
	v29 =	vld.idx.msk [tilespmem:v20+s24+$0x0], $0xffff;
	v4 =	vadd.f32 v9, v4  }
0xed: {  	v12 =	vmul.f32 v37, v35;
	v20 =	vor.u32 $0x8, v27;
	v9 =	vunpack.i.l.bf16.f32 v19;
	v30 =	vld.idx.msk [tilespmem:v30+s24+$0x0], $0xffff  }
0xee: {  	v15 =	vmul.f32 $3.153919880e-01, v8;
	v25 =	vld.idx.msk [tilespmem:v34+s24+$0x0], $0xffff;
	v4 =	vadd.f32 v4, v5;
	v5 =	vmul.f32 v9, v16  }
0xef: {  	v12 =	vmul.f32 $-1.092548010e+00, v12;
	v8 =	vor.u32 $0x3, v27;
	v9 =	vunpack.i.u.bf16.f32 v19;
	v17 =	vld.idx.msk [tilespmem:v31+s24+$0x0], $0xffff  }
0xf0: {  	s0 =	sadd.s32 $0x20, s0;
	v14 =	vsub.f32 v40, v41;
	v34 =	vmul.f32 v9, v15;
	v19 =	vld.idx.msk [tilespmem:v36+s24+$0x0], $0xffff;
	v31 =	vadd.f32 v5, v4  }
0xf1: {  	v35 =	vor.u32 $0x2, v27;
	v36 =	vor.u32 $0x7, v27;
	v37 =	vunpack.i.l.bf16.f32 v43;
	v4 =	vld [tilespmem:s0+$0x0]  }
0xf2: {  	v9 =	vmul.f32 $5.462740060e-01, v14;
	v5 =	vld.idx.msk [tilespmem:v27+s24+$0x0], $0xffff;
	v31 =	vadd.f32 v31, v34;
	v34 =	vmul.f32 v37, v12  }
0xf3: {  	v40 =	vor.u32 $0x6, v27;
	v41 =	vunpack.i.u.bf16.f32 v43;
	v37 =	vmul.f32 $-4.886029960e-01, v11;
	v14 =	vld.idx.msk [tilespmem:v42+s24+$0x0], $0xffff  }
0xf4: {  	v41 =	vmul.f32 v41, v9;
	v42 =	vor.u32 $0x1, v27;
	v20 =	vld.idx.msk [tilespmem:v20+s24+$0x0], $0xffff;
	v34 =	vadd.f32 v34, v31  }
0xf5: {  	v44 =	vunpack.i.u.bf16.f32 v38;
	v43 =	vunpack.i.l.bf16.f32 v33;
	v31 =	vld.idx.msk [tilespmem:v8+s24+$0x0], $0xffff;
	v8 =	vor.u32 $0x5, v27  }
0xf6: {  	v27 =	vunpack.i.l.bf16.f32 v38;
	v38 =	vunpack.i.u.bf16.f32 v7;
	v36 =	vld.idx.msk [tilespmem:v36+s24+$0x0], $0xffff;
	v34 =	vadd.f32 v34, v41  }
0xf7: {  	v45 =	vunpack.i.l.bf16.f32 v39;
	v43 =	vmul.f32 v43, v37;
	v41 =	vunpack.i.u.bf16.f32 v3;
	v35 =	vld.idx.msk [tilespmem:v35+s24+$0x0], $0xffff  }
0xf8: {  	v27 =	vmul.f32 $2.820949850e-01, v27;
	v46 =	vunpack.i.u.bf16.f32 v5;
	v40 =	vld.idx.msk [tilespmem:v40+s24+$0x0], $0xffff;
	v34 =	vmul.f32 v34, v4  }
0xf9: {  	s9 =	sadd.s32 $0x20, s9;
	v47 =	vadd.f32 v10, v10;
	v44 =	vmul.f32 v44, v37;
	v38 =	vmul.f32 $2.820949850e-01, v38;
	v42 =	vld.idx.msk [tilespmem:v42+s24+$0x0], $0xffff  }
0xfa: {  	v33 =	vunpack.i.u.bf16.f32 v33;
	v37 =	vmul.f32 v45, v37;
	v46 =	vmul.f32 $2.820949850e-01, v46;
	v45 =	vld.idx.msk [tilespmem:v8+s24+$0x0], $0xffff;
	[tilespmem:s9+$0x10] =	vst v34  }
0xfb: {  	v41 =	vmul.f32 $2.820949850e-01, v41;
	v8 =	vunpack.i.l.bf16.f32 v32;
	v34 =	vmul.f32 $4.886029960e-01, v10;
	v24 =	vld.idx.msk [tilespmem:v24+s24+$0x0], $0xffff  }
0xfc: {  	v39 =	vunpack.i.u.bf16.f32 v39;
	v27 =	vadd.f32 v27, v44;
	v37 =	vadd.f32 v37, v38;
	v22 =	vld.idx.msk [tilespmem:v22+s24+$0x0], $0xffff  }
0xfd: {  	v38 =	vadd.f32 v43, v41;
	v33 =	vmul.f32 v33, v34;
	v41 =	vmul.f32 v8, v34;
	v23 =	vld.idx.msk [tilespmem:v23+s24+$0x0], $0xffff  }
0xfe: {  	v43 =	vmul.f32 v47, v10;
	v34 =	vmul.f32 v39, v34;
	v39 =	vunpack.i.l.bf16.f32 v40;
	v8 =	vld [tilespmem:s0+$0xFFFFFFF0]  }
0xff: {  	v44 =	vunpack.i.u.bf16.f32 v42;
	v42 =	vunpack.i.l.bf16.f32 v42;
	v39 =	vmul.f32 v39, v28  }
0x100: {  	v47 =	vunpack.i.u.bf16.f32 v45;
	v45 =	vunpack.i.l.bf16.f32 v45;
	v42 =	vmul.f32 v42, v26  }
0x101: {  	v48 =	vunpack.i.l.bf16.f32 v35;
	v45 =	vmul.f32 $2.820949850e-01, v45;
	v26 =	vmul.f32 v47, v26  }
0x102: {  	v28 =	vmul.f32 v44, v28;
	v47 =	vmul.f32 $-4.886029960e-01, v13;
	v42 =	vadd.f32 v42, v46  }
0x103: {  	v44 =	vmul.f32 v11, v13;
	v46 =	vmul.f32 v13, v13;
	v26 =	vadd.f32 v45, v26  }
0x104: {  	v32 =	vunpack.i.u.bf16.f32 v32;
	v40 =	vunpack.i.u.bf16.f32 v40;
	v45 =	vunpack.i.l.bf16.f32 v29  }
0x105: {  	v49 =	vunpack.i.l.bf16.f32 v30;
	v28 =	vadd.f32 v42, v28;
	v26 =	vadd.f32 v39, v26  }
0x106: {  	v33 =	vadd.f32 v38, v33;
	v27 =	vadd.f32 v41, v27;
	v38 =	vmul.f32 v48, v18  }
0x107: {  	v34 =	vadd.f32 v37, v34;
	v18 =	vmul.f32 v40, v18;
	v39 =	vmul.f32 v45, v47  }
0x108: {  	v32 =	vmul.f32 v32, v47;
	v40 =	vmul.f32 v49, v47;
	v37 =	vsub.f32 v43, v46  }
0x109: {  	v35 =	vunpack.i.u.bf16.f32 v35;
	v41 =	vmul.f32 $1.092548010e+00, v44;
	v42 =	vmul.f32 v10, v11  }
0x10a: {  	v29 =	vunpack.i.u.bf16.f32 v29;
	v11 =	vmul.f32 v11, v11;
	v43 =	vunpack.i.l.bf16.f32 v36  }
0x10b: {  	v30 =	vunpack.i.u.bf16.f32 v30;
	v44 =	vunpack.i.l.bf16.f32 v25;
	v28 =	vadd.f32 v38, v28  }
0x10c: {  	v35 =	vmul.f32 v35, v21;
	v33 =	vadd.f32 v39, v33;
	v18 =	vadd.f32 v26, v18  }
0x10d: {  	v21 =	vmul.f32 v43, v21;
	v26 =	vadd.f32 v27, v32;
	v27 =	vadd.f32 v40, v34  }
0x10e: {  	v29 =	vmul.f32 v29, v41;
	v32 =	vsub.f32 v37, v11;
	v34 =	vmul.f32 v44, v41  }
0x10f: {  	v30 =	vmul.f32 v30, v41;
	v38 =	vunpack.i.l.bf16.f32 v31;
	v37 =	vmul.f32 $-1.092548010e+00, v42  }
0x110: {  	v25 =	vunpack.i.u.bf16.f32 v25;
	v36 =	vunpack.i.u.bf16.f32 v36;
	v39 =	vunpack.i.l.bf16.f32 v17  }
0x111: {  	v40 =	vunpack.i.l.bf16.f32 v19;
	v28 =	vadd.f32 v28, v35;
	v18 =	vadd.f32 v21, v18  }
0x112: {  	v21 =	vadd.f32 v33, v29;
	v26 =	vadd.f32 v34, v26;
	v29 =	vmul.f32 v38, v16  }
0x113: {  	v33 =	vmul.f32 v39, v37;
	v27 =	vadd.f32 v27, v30;
	v16 =	vmul.f32 v36, v16  }
0x114: {  	v31 =	vunpack.i.u.bf16.f32 v31;
	v25 =	vmul.f32 v25, v37;
	v30 =	vmul.f32 v40, v37  }
0x115: {  	v10 =	vmul.f32 v10, v13;
	v13 =	vunpack.i.l.bf16.f32 v20;
	v32 =	vmul.f32 $3.153919880e-01, v32  }
0x116: {  	v17 =	vunpack.i.u.bf16.f32 v17;
	v19 =	vunpack.i.u.bf16.f32 v19;
	v34 =	vunpack.i.l.bf16.f32 v24  }
0x117: {  	v28 =	vadd.f32 v29, v28;
	v29 =	vmul.f32 v31, v15;
	v16 =	vadd.f32 v18, v16  }
0x118: {  	v13 =	vmul.f32 v13, v15;
	v18 =	vadd.f32 v33, v21;
	v21 =	vadd.f32 v26, v25  }
0x119: {  	v15 =	vmul.f32 v17, v32;
	v17 =	vmul.f32 v34, v32;
	v25 =	vadd.f32 v30, v27  }
0x11a: {  	v10 =	vmul.f32 $-1.092548010e+00, v10;
	v11 =	vsub.f32 v46, v11;
	v19 =	vmul.f32 v19, v32  }
0x11b: {  	v20 =	vunpack.i.u.bf16.f32 v20;
	v26 =	vunpack.i.l.bf16.f32 v22;
	v27 =	vunpack.i.l.bf16.f32 v14  }
0x11c: {  	v24 =	vunpack.i.u.bf16.f32 v24;
	v30 =	vunpack.i.l.bf16.f32 v23;
	v28 =	vadd.f32 v28, v29  }
0x11d: {  	v18 =	vadd.f32 v18, v15;
	v15 =	vmul.f32 v27, v12;
	v27 =	vadd.f32 v13, v16  }
0x11e: {  	v17 =	vadd.f32 v17, v21;
	v19 =	vadd.f32 v25, v19;
	v12 =	vmul.f32 v20, v12  }
0x11f: {  	v14 =	vunpack.i.u.bf16.f32 v14;
	v20 =	vmul.f32 v26, v10;
	v21 =	vmul.f32 v24, v10  }
.Ltmp1:
0x120: {  	v11 =	vmul.f32 $5.462740060e-01, v11;
	v24 =	vmul.f32 v30, v10;
	v10 =	vunpack.i.l.bf16.f32 v6;
	(pc) =	sbr.rel @p0 .LBB2_5-.Ltmp1, $4  }
0x121: {  	v7 =	vunpack.i.l.bf16.f32 v7;
	v22 =	vunpack.i.u.bf16.f32 v22;
	v13 =	vunpack.i.u.bf16.f32 v23  }
0x122: {  	v16 =	vmul.f32 v14, v9;
	v15 =	vadd.f32 v15, v28;
	v14 =	vadd.f32 v27, v12  }
0x123: {  	v12 =	vadd.f32 v20, v18;
	v6 =	vadd.f32 v17, v21;
	v18 =	vmul.f32 v10, v9  }
0x124: {  	s1 =	sadd.s32 $0x20, s1;
	v10 =	vmul.f32 v22, v11;
	v9 =	vmul.f32 v7, v11;
	v7 =	vadd.f32 v24, v19  }
0x125: {  	v15 =	vadd.f32 v15, v16  }
0x126: {  	v14 =	vadd.f32 v18, v14  }
0x127: {  	v11 =	vmul.f32 v13, v11;
	v5 =	vunpack.i.l.bf16.f32 v5;
	v61 =	vmul.f32 v15, v4  }
0x128: {  	v3 =	vunpack.i.l.bf16.f32 v3;
	v5 =	vmax.f32 v5, $0.0e+00;
	v62 =	vmul.f32 v14, v4  }
0x129: {  	v10 =	vadd.f32 v12, v10;
	v3 =	vmax.f32 v3, $0.0e+00;
	v63 =	vmul.f32 v5, v4;
	[tilespmem:s9+$0xFFFFF810] =	vst v61  }
0x12a: {  	v6 =	vadd.f32 v9, v6;
	v3 =	vmul.f32 v3, v8;
	[tilespmem:s9+$0xFFFFFC10] =	vst v62  }
0x12b: {  	v7 =	vadd.f32 v7, v11;
	v10 =	vmul.f32 v10, v8;
	[tilespmem:s9+$0x410] =	vst v63  }
0x12c: {  	v6 =	vmul.f32 v6, v8;
	[tilespmem:s9+$0x400] =	vst v3  }
0x12d: {  	v7 =	vmul.f32 v7, v8;
	[tilespmem:s9+$0xFFFFF800] =	vst v10  }
0x12e: {  	[tilespmem:s9+$0xFFFFFC00] =	vst v6  }
0x12f: {  	s0 =	sadd.s32 s11, s30;
	[tilespmem:s9+$0x0] =	vst v7  }
0x130: {  	[hbm4b:s0+s3] =	stream.linear.scatter [tilespmem:s20], [sflag:$0x3], $0x400, $0x38;
	[tilespmem:$0x7000] =	vst v63  }
0x131: {  	_ =	swait.ge [sflag:s23], $0x400  }
0x132: {  	[sflag:s23] =	ssyncset.done $0x0  }
0x133: {  	s15 =	sadd.s32 s12, s30;
	[sflag:s23] =	ssyncadd.s32 $0xFFFFFC00  }
0x134: {  	[hbm4b:s15+s3] =	stream.linear.scatter [tilespmem:s25], [sflag:$0x3], $0x400, $0x38;
	[tilespmem:$0x7000] =	vst v63  }
0x135: {  	_ =	swait.ge [sflag:s23], $0x400  }
0x136: {  	[sflag:s23] =	ssyncset.done $0x0  }
0x137: {  	s16 =	sadd.s32 s13, s30;
	[sflag:s23] =	ssyncadd.s32 $0xFFFFFC00  }
0x138: {  	[hbm4b:s16+s3] =	stream.linear.scatter [tilespmem:s26], [sflag:$0x3], $0x400, $0x38;
	[tilespmem:$0x7000] =	vst v63  }
0x139: {  	_ =	swait.ge [sflag:s23], $0x400  }
0x13a: {  	[sflag:s23] =	ssyncset.done $0x0  }
0x13b: {  	s29 =	sadd.s32 $0x1, s29;
	[sflag:s23] =	ssyncadd.s32 $0xFFFFFC00  }
0x13c: {  	p0 =	sne.s32 s29, $0x20;
	s31 =	rddreg [dreg:$0x2]  }
.Ltmp2:
0x13d: {  	s0 =	sadd.s32 s31, s30;
	(pc) =	sbr.rel @p0 .LBB2_2-.Ltmp2, $4  }
0x13e: {  	[hbm4b:s0+s3] =	stream.linear.scatter [tilespmem:s28], [sflag:$0x3], $0x400, $0x38;
	[tilespmem:$0x7000] =	vst v63  }
0x13f: {  	_ =	swait.ge [sflag:s23], $0x400  }
0x140: {  	[sflag:s23] =	ssyncset.done $0x0  }
0x141: {  	[sflag:s23] =	ssyncadd.s32 $0xFFFFFC00  }
0x142: {  	s1 =	rddreg [dreg:$0x5]  }
0x143: {  	s0 =	rddreg [dreg:$0x4];
	s1 =	sadd.s32 $0x1, s1  }
0x144: {  	p0 =	sne.s32 s1, s0  }
.Ltmp3:
0x145: {  	_ = 	snop;
	(pc) =	sbr.rel @p0 .LBB2_1-.Ltmp3, $1  }
0x146: {  	_ =	sdelay $0x3  }
0x147: {  	_ =	sfence.sel $0x180000  }
0x148: {  	[bflag:$0x0] =	sbarrier.arrive $0xFFFF  }
0x149: {  	_ =	strace $0x9000004A  }
0x14a: {  	s0 =	stileid.u32;
	[bflag:$0x2] =	sbarrier.arrive $0xFFFF  }
0x14b: {  	p0 =	sne.s32 s0, $0x0;
	s0 =	rddreg [dreg:$0x3]  }
0x14c: {  	s0 =	sadd.s32 @!p0 $0x100000, s0  }
0x14d: {  	[sflag:s0] =	ssyncadd.tile.s32 @!p0 $0x1;
	_ =	shalt  }
.Lfunc_end2:
_tile_overlayer_lowered:
.L_overlay_start_2:
0x14e: {  	(tag) =	ssettag $0x2  }
0x14f: {  	s0 =	rddreg [dreg:$0x0];
	s2 =	stileid.u32  }
0x150: {  	s1 =	rddreg [dreg:$0x1];
	p0 =	sne.s32 s2, $0x0  }
0x151: {  	s3 =	rddreg [dreg:$0x2];
	[bflag:$0x3] =	sbarrier.arrive $0xFFFF;
	s2 =	simm.s32 @!p0 $0x1C03  }
0x152: {  	[timem:s3], [sflag:s2] =	dma.local @!p0 [hbm:s0], s1  }
0x153: {  	s0 =	simm.s32 @!p0 $0x3  }
0x154: {  	_ =	swait.ge @!p0 [sflag:s0], s1  }
0x155: {  	s1 =	ssub.s32 @!p0 $0x0, s1;
	[sflag:s0] =	ssyncset.done @!p0 $0x0  }
0x156: {  	[sflag:s0] =	ssyncadd.s32 @!p0 s1  }
0x157: {  	[bflag:$0x3] =	sbarrier.arrive $0xFFFF  }
0x158: {  	_ =	shalt  }

</sc_bundles>
